<compile_context>
chip_gen: v7x
topology: tpu7x:2x2x1
jax: 0.10.2.dev20260603
libtpu: 0.0.44.dev20260713+nightly
codegen_flags: <defaults>
</compile_context>

<pallas_src>
import functools

import jax
import jax.numpy as jnp
import numpy as np
from jax import lax
from jax.experimental import pallas as pl
from jax.experimental.pallas import tpu as pltpu
from jax.experimental.pallas import tpu_sc as plsc

B, C, H, W = 16, 768, 28, 28
R = B * H * W
NW = 32
ROWS_PER_W = R // NW
CHUNK = 32
LANES = 16
NCVEC = C // LANES
_SIZES = [CHUNK] * (ROWS_PER_W // CHUNK) + (
    [ROWS_PER_W % CHUNK] if ROWS_PER_W % CHUNK else []
)

_PERM = np.array([
    121, 753, 617, 480, 35, 577, 130, 263, 557, 148, 197, 410, 649, 398, 605, 45, 520, 176, 569, 591, 462, 446, 659, 366, 575, 257, 179, 139, 315, 501, 709, 188, 312, 499, 318, 448, 304, 739, 99, 707, 309, 567, 144, 748, 602, 152, 517, 189, 582, 487, 552, 750, 544, 516, 325, 31, 112, 532, 518, 495, 356, 493, 507, 543, 268, 429, 538, 409, 541, 85, 762, 712, 714, 63, 117, 417, 174, 565, 441, 509, 584, 525, 481, 272, 114, 752, 254, 564, 524, 82, 703, 65, 7, 693, 350, 4, 101, 607, 765, 650, 463, 452, 444, 102, 78, 163, 708, 157, 694, 302, 183, 704, 29, 240, 177, 278, 259, 638, 590, 108, 553, 698, 305, 83, 129, 585, 367, 212, 277, 504, 300, 44, 603, 211, 16, 58, 690, 123, 562, 37, 336, 580, 111, 19, 61, 540, 447, 673, 598, 2, 142, 736, 34, 542, 369, 339, 654, 551, 156, 436, 5, 461, 589, 415, 90, 715, 706, 363, 514, 175, 167, 284, 379, 251, 600, 110, 619, 72, 155, 578, 670, 178, 323, 675, 755, 291, 388, 730, 681, 269, 535, 354, 573, 728, 533, 665, 368, 601, 219, 510, 153, 30, 275, 705, 42, 186, 342, 406, 468, 439, 660, 307, 256, 419, 663, 246, 3, 643, 362, 380, 327, 393, 70, 729, 566, 378, 400, 271, 592, 588, 522, 614, 488, 311, 67, 612, 273, 223, 422, 39, 56, 630, 274, 192, 169, 349, 218, 195, 476, 173, 245, 241, 69, 383, 646, 80, 22, 571, 6, 321, 199, 345, 118, 235, 766, 54, 442, 479, 423, 266, 721, 77, 425, 147, 18, 340, 298, 599, 249, 294, 375, 382, 667, 10, 635, 570, 689, 699, 751, 11, 234, 53, 236, 455, 641, 722, 528, 664, 94, 515, 332, 511, 331, 437, 353, 684, 489, 287, 604, 32, 217, 283, 355, 529, 407, 159, 440, 15, 470, 184, 49, 548, 137, 50, 558, 701, 138, 20, 563, 549, 445, 749, 237, 596, 618, 280, 253, 185, 583, 527, 717, 460, 595, 43, 767, 389, 335, 593, 561, 258, 370, 344, 700, 92, 8, 503, 734, 324, 140, 233, 737, 611, 24, 757, 81, 239, 610, 314, 653, 453, 695, 96, 609, 475, 467, 154, 724, 696, 135, 472, 490, 469, 559, 500, 264, 160, 657, 678, 106, 128, 265, 426, 386, 191, 9, 685, 686, 200, 40, 677, 187, 71, 732, 346, 726, 625, 719, 725, 438, 333, 248, 645, 661, 164, 207, 688, 93, 652, 59, 201, 615, 158, 210, 420, 402, 75, 741, 716, 639, 508, 131, 411, 97, 66, 727, 25, 196, 424, 364, 497, 242, 338, 206, 243, 397, 341, 613, 450, 414, 238, 720, 560, 764, 295, 691, 581, 432, 431, 647, 308, 73, 710, 512, 320, 13, 52, 687, 763, 556, 622, 642, 631, 491, 203, 289, 702, 303, 202, 255, 194, 88, 672, 250, 337, 62, 230, 150, 261, 674, 330, 262, 209, 586, 760, 132, 357, 87, 76, 198, 486, 626, 60, 759, 740, 735, 244, 457, 651, 47, 392, 374, 597, 276, 683, 33, 79, 606, 451, 180, 403, 723, 247, 14, 459, 286, 421, 594, 458, 228, 17, 629, 38, 86, 608, 550, 231, 190, 232, 545, 482, 23, 536, 640, 105, 484, 395, 658, 427, 301, 474, 376, 555, 637, 405, 546, 494, 471, 391, 574, 648, 534, 668, 624, 313, 220, 676, 0, 473, 145, 371, 579, 213, 226, 381, 133, 281, 758, 41, 64, 572, 416, 21, 655, 443, 161, 576, 744, 279, 285, 679, 166, 124, 116, 449, 26, 165, 168, 193, 57, 208, 713, 181, 89, 146, 182, 126, 125, 297, 1, 115, 28, 113, 731, 692, 530, 628, 225, 361, 351, 537, 465, 172, 377, 162, 738, 48, 170, 466, 666, 505, 227, 36, 252, 502, 492, 521, 119, 151, 385, 682, 306, 662, 120, 372, 390, 224, 761, 523, 616, 122, 270, 100, 568, 418, 433, 329, 365, 396, 526, 91, 519, 222, 733, 644, 669, 55, 747, 496, 498, 103, 620, 51, 671, 293, 215, 384, 127, 98, 743, 483, 697, 506, 282, 745, 107, 27, 322, 74, 136, 229, 711, 319, 328, 531, 430, 343, 621, 204, 221, 623, 296, 12, 134, 454, 477, 554, 627, 408, 109, 84, 539, 587, 428, 317, 513, 358, 394, 299, 205, 171, 288, 143, 632, 68, 267, 216, 435, 547, 149, 485, 434, 141, 464, 334, 404, 634, 104, 352, 95, 387, 316, 742, 718, 633, 214, 290, 754, 46, 310, 348, 401, 260, 656, 478, 292, 680, 359, 326, 347, 456, 399, 373, 412, 360, 413, 636, 756, 746,
], dtype=np.int32)


@functools.partial(
    pl.kernel,
    mesh=plsc.VectorSubcoreMesh(core_axis_name="c", subcore_axis_name="s"),
    out_type=jax.ShapeDtypeStruct((R, C), jnp.float32),
    scratch_types=[
        pltpu.VMEM((C,), jnp.int32),
        pltpu.VMEM((CHUNK, C), jnp.float32),
        pltpu.VMEM((CHUNK, C), jnp.float32),
        pltpu.VMEM((CHUNK, C), jnp.float32),
        pltpu.VMEM((CHUNK, C), jnp.float32),
        pltpu.SemaphoreType.DMA,
        pltpu.SemaphoreType.DMA,
        pltpu.SemaphoreType.DMA,
    ],
    compiler_params=pltpu.CompilerParams(
        use_tc_tiling_on_sc=True,
        needs_layout_passes=False,
        disable_bounds_checks=True,
        disable_semaphore_checks=True,
    ),
)
def _permute_channels(
    x_hbm, perm_hbm, out_hbm, perm_v, in0, in1, out0, out1, sem_in, sem_o0, sem_o1
):
    nc = lax.axis_size("c")
    wid = lax.axis_index("s") * nc + lax.axis_index("c")
    base = wid * ROWS_PER_W
    pltpu.sync_copy(perm_hbm, perm_v)
    ins, outs, osems = [in0, in1], [out0, out1], [sem_o0, sem_o1]
    starts = [base + i * CHUNK for i in range(len(_SIZES))]
    out_pending = [None, None]
    cin = pltpu.async_copy(
        x_hbm.at[pl.ds(starts[0], _SIZES[0])], in0.at[pl.ds(0, _SIZES[0])], sem_in
    )
    for j, sz in enumerate(_SIZES):
        p = j % 2
        cin.wait()
        if j + 1 < len(_SIZES):
            nsz = _SIZES[j + 1]
            cin = pltpu.async_copy(
                x_hbm.at[pl.ds(starts[j + 1], nsz)],
                ins[(j + 1) % 2].at[pl.ds(0, nsz)],
                sem_in,
            )
        if out_pending[p] is not None:
            out_pending[p].wait()
        inp, outp = ins[p], outs[p]

        @plsc.parallel_loop(0, sz)
        def row_body(r):
            rows = jnp.full((LANES,), r, jnp.int32)

            @plsc.parallel_loop(0, NCVEC, unroll=8)
            def cc_body(cc):
                idxc = perm_v[pl.ds(cc * LANES, LANES)]
                outp[r, pl.ds(cc * LANES, LANES)] = plsc.load_gather(
                    inp, [rows, idxc]
                )

        out_pending[p] = pltpu.async_copy(
            outp.at[pl.ds(0, sz)], out_hbm.at[pl.ds(starts[j], sz)], osems[p]
        )
    out_pending[0].wait()
    out_pending[1].wait()


def kernel(x):
    xt = jnp.transpose(x, (2, 3, 0, 1)).reshape(R, C)
    out = _permute_channels(xt, jnp.asarray(_PERM))
    return jnp.transpose(out.reshape(H, W, B, C), (2, 3, 0, 1))

# --- scband reference (transcript-rebuilt; emitter-appended) ---
"""Pipeline reference for scband-my-model-61933428414074 (READ-ONLY COPY).

The authoritative reference and input builder live on the scoring server;
editing this copy changes nothing except your own understanding.
"""

import jax, jax.numpy as jnp
import numpy as np


def setup_inputs(seed: int = 0) -> dict:
    key = jax.random.key(seed)
    x = jax.random.normal(key, (16, 768, 28, 28), dtype=jnp.float32)
    return {"x": x}


def reference(x):
    # torch.randperm(channels) -> gather along channel dim.
    # Use a fixed key for determinism; the original module is nondeterministic.
    perm = jax.random.permutation(jax.random.key(42), x.shape[1])
    return jnp.take(x, perm, axis=1)

if __name__ == "__main__":
    import jax
    _d = setup_inputs()
    print(jax.jit(kernel)(*tuple(_d.values())))

</pallas_src>

<mosaic_0001>
#map = affine_map<(d0, d1) -> (0, 0)>
#map1 = affine_map<(d0, d1) -> (0)>
module attributes {stable_mosaic.version = 14 : i64} {
  func.func @_permute_channels(%arg0: i32, %arg1: i32, %arg2: memref<12544x768xf32, #tpu.memory_space<hbm>>, %arg3: memref<768xi32, #tpu.memory_space<hbm>>, %arg4: memref<12544x768xf32, #tpu.memory_space<hbm>>, %arg5: memref<768xi32, #tpu.memory_space<vmem>>, %arg6: memref<32x768xf32, #tpu.memory_space<vmem>>, %arg7: memref<32x768xf32, #tpu.memory_space<vmem>>, %arg8: memref<32x768xf32, #tpu.memory_space<vmem>>, %arg9: memref<32x768xf32, #tpu.memory_space<vmem>>, %arg10: memref<!tpu.dma_semaphore, #tpu.memory_space<semaphore_mem>>, %arg11: memref<!tpu.dma_semaphore, #tpu.memory_space<semaphore_mem>>, %arg12: memref<!tpu.dma_semaphore, #tpu.memory_space<semaphore_mem>>) attributes {dimension_semantics = [#tpu.dimension_semantics<core_parallel>, #tpu.dimension_semantics<subcore_parallel>], iteration_bounds = array<i64: 2, 16>, scalar_prefetch = 0 : i64, scratch_operands = 8 : i64, tpu.core_type = #tpu.core_type<sc_vector_subcore>, window_params = [{transform_indices = #map}, {transform_indices = #map1}, {transform_indices = #map}]} {
    %mul3A = arith.constant 2 : i32
    %mul3A_0 = arith.muli %arg1, %mul3A : i32
    %add3A = arith.addi %mul3A_0, %arg0 : i32
    %mul3A_1 = arith.constant 392 : i32
    %mul3A_2 = arith.muli %add3A, %mul3A_1 : i32
    "tpu.region"() ({
      %run_scoped3A = tpu.sem_alloc : memref<!tpu.dma_semaphore, #tpu.memory_space<semaphore_mem>>
      tpu.enqueue_dma source(%arg3 : memref<768xi32, #tpu.memory_space<hbm>>) target(%arg5 : memref<768xi32, #tpu.memory_space<vmem>>) target_semaphore(%run_scoped3A : memref<!tpu.dma_semaphore, #tpu.memory_space<semaphore_mem>>)
      tpu.wait_dma2 semaphore(%run_scoped3A : memref<!tpu.dma_semaphore, #tpu.memory_space<semaphore_mem>>) src(%arg3 : memref<768xi32, #tpu.memory_space<hbm>>) dst(%arg5 : memref<768xi32, #tpu.memory_space<vmem>>)
      tpu.yield
    }) : () -> ()
    %add3A_3 = arith.constant 0 : i32
    %add3A_4 = arith.addi %mul3A_2, %add3A_3 : i32
    %add3A_5 = arith.constant 32 : i32
    %add3A_6 = arith.addi %mul3A_2, %add3A_5 : i32
    %add3A_7 = arith.constant 64 : i32
    %add3A_8 = arith.addi %mul3A_2, %add3A_7 : i32
    %add3A_9 = arith.constant 96 : i32
    %add3A_10 = arith.addi %mul3A_2, %add3A_9 : i32
    %add3A_11 = arith.constant 128 : i32
    %add3A_12 = arith.addi %mul3A_2, %add3A_11 : i32
    %add3A_13 = arith.constant 160 : i32
    %add3A_14 = arith.addi %mul3A_2, %add3A_13 : i32
    %add3A_15 = arith.constant 192 : i32
    %add3A_16 = arith.addi %mul3A_2, %add3A_15 : i32
    %add3A_17 = arith.constant 224 : i32
    %add3A_18 = arith.addi %mul3A_2, %add3A_17 : i32
    %add3A_19 = arith.constant 256 : i32
    %add3A_20 = arith.addi %mul3A_2, %add3A_19 : i32
    %add3A_21 = arith.constant 288 : i32
    %add3A_22 = arith.addi %mul3A_2, %add3A_21 : i32
    %add3A_23 = arith.constant 320 : i32
    %add3A_24 = arith.addi %mul3A_2, %add3A_23 : i32
    %add3A_25 = arith.constant 352 : i32
    %add3A_26 = arith.addi %mul3A_2, %add3A_25 : i32
    %add3A_27 = arith.constant 384 : i32
    %add3A_28 = arith.addi %mul3A_2, %add3A_27 : i32
    %dma_start3A = arith.constant 0 : i32
    %dma_start3A_29 = arith.constant 0 : i32
    %dma_start3A_30 = tpu.memref_slice %arg6[%dma_start3A, %dma_start3A_29] : memref<32x768xf32, #tpu.memory_space<vmem>> -> memref<32x768xf32, #tpu.memory_space<vmem>>
    %dma_start3A_31 = arith.constant 0 : i32
    %dma_start3A_32 = tpu.memref_slice %arg2[%add3A_4, %dma_start3A_31] : memref<12544x768xf32, #tpu.memory_space<hbm>> -> memref<32x768xf32, #tpu.memory_space<hbm>>
    %dma_start3A_33 = arith.constant 0 : i32
    %dma_start3A_34 = arith.constant 0 : i32
    %dma_start3A_35 = tpu.memref_slice %arg6[%dma_start3A_33, %dma_start3A_34] : memref<32x768xf32, #tpu.memory_space<vmem>> -> memref<32x768xf32, #tpu.memory_space<vmem>>
    %dma_start3A_36 = arith.constant 0 : i32
    %dma_start3A_37 = tpu.memref_slice %arg2[%add3A_4, %dma_start3A_36] : memref<12544x768xf32, #tpu.memory_space<hbm>> -> memref<32x768xf32, #tpu.memory_space<hbm>>
    tpu.enqueue_dma source(%dma_start3A_37 : memref<32x768xf32, #tpu.memory_space<hbm>>) target(%dma_start3A_35 : memref<32x768xf32, #tpu.memory_space<vmem>>) target_semaphore(%arg10 : memref<!tpu.dma_semaphore, #tpu.memory_space<semaphore_mem>>)
    %dma_wait3A = arith.constant 0 : i32
    %dma_wait3A_38 = arith.constant 0 : i32
    %dma_wait3A_39 = tpu.memref_slice %arg6[%dma_wait3A, %dma_wait3A_38] : memref<32x768xf32, #tpu.memory_space<vmem>> -> memref<32x768xf32, #tpu.memory_space<vmem>>
    %dma_wait3A_40 = arith.constant 0 : i32
    %dma_wait3A_41 = tpu.memref_slice %arg2[%add3A_4, %dma_wait3A_40] : memref<12544x768xf32, #tpu.memory_space<hbm>> -> memref<32x768xf32, #tpu.memory_space<hbm>>
    %dma_wait3A_42 = arith.constant 0 : i32
    %dma_wait3A_43 = arith.constant 0 : i32
    %dma_wait3A_44 = tpu.memref_slice %arg6[%dma_wait3A_42, %dma_wait3A_43] : memref<32x768xf32, #tpu.memory_space<vmem>> -> memref<32x768xf32, #tpu.memory_space<vmem>>
    %dma_wait3A_45 = arith.constant 0 : i32
    %dma_wait3A_46 = tpu.memref_slice %arg2[%add3A_4, %dma_wait3A_45] : memref<12544x768xf32, #tpu.memory_space<hbm>> -> memref<32x768xf32, #tpu.memory_space<hbm>>
    tpu.wait_dma2 semaphore(%arg10 : memref<!tpu.dma_semaphore, #tpu.memory_space<semaphore_mem>>) src(%dma_wait3A_46 : memref<32x768xf32, #tpu.memory_space<hbm>>) dst(%dma_wait3A_44 : memref<32x768xf32, #tpu.memory_space<vmem>>)
    %dma_start3A_47 = arith.constant 0 : i32
    %dma_start3A_48 = arith.constant 0 : i32
    %dma_start3A_49 = tpu.memref_slice %arg7[%dma_start3A_47, %dma_start3A_48] : memref<32x768xf32, #tpu.memory_space<vmem>> -> memref<32x768xf32, #tpu.memory_space<vmem>>
    %dma_start3A_50 = arith.constant 0 : i32
    %dma_start3A_51 = tpu.memref_slice %arg2[%add3A_6, %dma_start3A_50] : memref<12544x768xf32, #tpu.memory_space<hbm>> -> memref<32x768xf32, #tpu.memory_space<hbm>>
    %dma_start3A_52 = arith.constant 0 : i32
    %dma_start3A_53 = arith.constant 0 : i32
    %dma_start3A_54 = tpu.memref_slice %arg7[%dma_start3A_52, %dma_start3A_53] : memref<32x768xf32, #tpu.memory_space<vmem>> -> memref<32x768xf32, #tpu.memory_space<vmem>>
    %dma_start3A_55 = arith.constant 0 : i32
    %dma_start3A_56 = tpu.memref_slice %arg2[%add3A_6, %dma_start3A_55] : memref<12544x768xf32, #tpu.memory_space<hbm>> -> memref<32x768xf32, #tpu.memory_space<hbm>>
    tpu.enqueue_dma source(%dma_start3A_56 : memref<32x768xf32, #tpu.memory_space<hbm>>) target(%dma_start3A_54 : memref<32x768xf32, #tpu.memory_space<vmem>>) target_semaphore(%arg10 : memref<!tpu.dma_semaphore, #tpu.memory_space<semaphore_mem>>)
    %parallel_loop3A = arith.constant 0 : i32
    %parallel_loop3A_57 = arith.constant 32 : i32
    %parallel_loop3A_58 = arith.constant 1 : i32
    scf.for %parallel_loop3A_585 = %parallel_loop3A to %parallel_loop3A_57 step %parallel_loop3A_58  : i32 {
      %parallel_loop3A_586 = vector.broadcast %parallel_loop3A_585 : i32 to vector<16xi32>
      %parallel_loop3A_587 = arith.constant 0 : i32
      %parallel_loop3A_588 = arith.constant 48 : i32
      %parallel_loop3A_589 = arith.constant 1 : i32
      scf.for %parallel_loop3A_590 = %parallel_loop3A_587 to %parallel_loop3A_588 step %parallel_loop3A_589  : i32 {
        %parallel_loop3A_591 = arith.constant 16 : i32
        %parallel_loop3A_592 = arith.muli %parallel_loop3A_590, %parallel_loop3A_591 : i32
        %parallel_loop3A_593 = arith.index_cast %parallel_loop3A_592 : i32 to index
        %parallel_loop3A_594 = tpu.vector_load %arg5[%parallel_loop3A_593] {strides = array<i32>} : memref<768xi32, #tpu.memory_space<vmem>>, vector<16xi32>,
        %parallel_loop3A_595 = tpu.vector_load_idx %arg6[%parallel_loop3A_586, %parallel_loop3A_594] : memref<32x768xf32, #tpu.memory_space<vmem>>[vector<16xi32>, vector<16xi32>], vector<16xf32>,
        %parallel_loop3A_596 = arith.constant 16 : i32
        %parallel_loop3A_597 = arith.muli %parallel_loop3A_590, %parallel_loop3A_596 : i32
        %parallel_loop3A_598 = arith.index_cast %parallel_loop3A_585 : i32 to index
        %parallel_loop3A_599 = arith.index_cast %parallel_loop3A_597 : i32 to index
        %parallel_loop3A_600 = tpu.vector_load %arg8[%parallel_loop3A_598, %parallel_loop3A_599] {strides = array<i32>} : memref<32x768xf32, #tpu.memory_space<vmem>>, vector<16xf32>,
        tpu.vector_store %arg8[%parallel_loop3A_598, %parallel_loop3A_599], %parallel_loop3A_595 {strides = array<i32>} : memref<32x768xf32, #tpu.memory_space<vmem>>, vector<16xf32>,
      } {sc.loop_unroll_factor = 8 : i64, sc.parallel_access}
    } {sc.loop_unroll_factor = 1 : i64, sc.parallel_access}
    %dma_start3A_59 = arith.constant 0 : i32
    %dma_start3A_60 = arith.constant 0 : i32
    %dma_start3A_61 = tpu.memref_slice %arg8[%dma_start3A_59, %dma_start3A_60] : memref<32x768xf32, #tpu.memory_space<vmem>> -> memref<32x768xf32, #tpu.memory_space<vmem>>
    %dma_start3A_62 = arith.constant 0 : i32
    %dma_start3A_63 = tpu.memref_slice %arg4[%add3A_4, %dma_start3A_62] : memref<12544x768xf32, #tpu.memory_space<hbm>> -> memref<32x768xf32, #tpu.memory_space<hbm>>
    %dma_start3A_64 = arith.constant 0 : i32
    %dma_start3A_65 = tpu.memref_slice %arg4[%add3A_4, %dma_start3A_64] : memref<12544x768xf32, #tpu.memory_space<hbm>> -> memref<32x768xf32, #tpu.memory_space<hbm>>
    %dma_start3A_66 = arith.constant 0 : i32
    %dma_start3A_67 = arith.constant 0 : i32
    %dma_start3A_68 = tpu.memref_slice %arg8[%dma_start3A_66, %dma_start3A_67] : memref<32x768xf32, #tpu.memory_space<vmem>> -> memref<32x768xf32, #tpu.memory_space<vmem>>
    tpu.enqueue_dma source(%dma_start3A_68 : memref<32x768xf32, #tpu.memory_space<vmem>>) target(%dma_start3A_65 : memref<32x768xf32, #tpu.memory_space<hbm>>) target_semaphore(%arg11 : memref<!tpu.dma_semaphore, #tpu.memory_space<semaphore_mem>>)
    %dma_wait3A_69 = arith.constant 0 : i32
    %dma_wait3A_70 = arith.constant 0 : i32
    %dma_wait3A_71 = tpu.memref_slice %arg7[%dma_wait3A_69, %dma_wait3A_70] : memref<32x768xf32, #tpu.memory_space<vmem>> -> memref<32x768xf32, #tpu.memory_space<vmem>>
    %dma_wait3A_72 = arith.constant 0 : i32
    %dma_wait3A_73 = tpu.memref_slice %arg2[%add3A_6, %dma_wait3A_72] : memref<12544x768xf32, #tpu.memory_space<hbm>> -> memref<32x768xf32, #tpu.memory_space<hbm>>
    %dma_wait3A_74 = arith.constant 0 : i32
    %dma_wait3A_75 = arith.constant 0 : i32
    %dma_wait3A_76 = tpu.memref_slice %arg7[%dma_wait3A_74, %dma_wait3A_75] : memref<32x768xf32, #tpu.memory_space<vmem>> -> memref<32x768xf32, #tpu.memory_space<vmem>>
    %dma_wait3A_77 = arith.constant 0 : i32
    %dma_wait3A_78 = tpu.memref_slice %arg2[%add3A_6, %dma_wait3A_77] : memref<12544x768xf32, #tpu.memory_space<hbm>> -> memref<32x768xf32, #tpu.memory_space<hbm>>
    tpu.wait_dma2 semaphore(%arg10 : memref<!tpu.dma_semaphore, #tpu.memory_space<semaphore_mem>>) src(%dma_wait3A_78 : memref<32x768xf32, #tpu.memory_space<hbm>>) dst(%dma_wait3A_76 : memref<32x768xf32, #tpu.memory_space<vmem>>)
    %dma_start3A_79 = arith.constant 0 : i32
    %dma_start3A_80 = arith.constant 0 : i32
    %dma_start3A_81 = tpu.memref_slice %arg6[%dma_start3A_79, %dma_start3A_80] : memref<32x768xf32, #tpu.memory_space<vmem>> -> memref<32x768xf32, #tpu.memory_space<vmem>>
    %dma_start3A_82 = arith.constant 0 : i32
    %dma_start3A_83 = tpu.memref_slice %arg2[%add3A_8, %dma_start3A_82] : memref<12544x768xf32, #tpu.memory_space<hbm>> -> memref<32x768xf32, #tpu.memory_space<hbm>>
    %dma_start3A_84 = arith.constant 0 : i32
    %dma_start3A_85 = arith.constant 0 : i32
    %dma_start3A_86 = tpu.memref_slice %arg6[%dma_start3A_84, %dma_start3A_85] : memref<32x768xf32, #tpu.memory_space<vmem>> -> memref<32x768xf32, #tpu.memory_space<vmem>>
    %dma_start3A_87 = arith.constant 0 : i32
    %dma_start3A_88 = tpu.memref_slice %arg2[%add3A_8, %dma_start3A_87] : memref<12544x768xf32, #tpu.memory_space<hbm>> -> memref<32x768xf32, #tpu.memory_space<hbm>>
    tpu.enqueue_dma source(%dma_start3A_88 : memref<32x768xf32, #tpu.memory_space<hbm>>) target(%dma_start3A_86 : memref<32x768xf32, #tpu.memory_space<vmem>>) target_semaphore(%arg10 : memref<!tpu.dma_semaphore, #tpu.memory_space<semaphore_mem>>)
    %parallel_loop3A_89 = arith.constant 0 : i32
    %parallel_loop3A_90 = arith.constant 32 : i32
    %parallel_loop3A_91 = arith.constant 1 : i32
    scf.for %parallel_loop3A_585 = %parallel_loop3A_89 to %parallel_loop3A_90 step %parallel_loop3A_91  : i32 {
      %parallel_loop3A_586 = vector.broadcast %parallel_loop3A_585 : i32 to vector<16xi32>
      %parallel_loop3A_587 = arith.constant 0 : i32
      %parallel_loop3A_588 = arith.constant 48 : i32
      %parallel_loop3A_589 = arith.constant 1 : i32
      scf.for %parallel_loop3A_590 = %parallel_loop3A_587 to %parallel_loop3A_588 step %parallel_loop3A_589  : i32 {
        %parallel_loop3A_591 = arith.constant 16 : i32
        %parallel_loop3A_592 = arith.muli %parallel_loop3A_590, %parallel_loop3A_591 : i32
        %parallel_loop3A_593 = arith.index_cast %parallel_loop3A_592 : i32 to index
        %parallel_loop3A_594 = tpu.vector_load %arg5[%parallel_loop3A_593] {strides = array<i32>} : memref<768xi32, #tpu.memory_space<vmem>>, vector<16xi32>,
        %parallel_loop3A_595 = tpu.vector_load_idx %arg7[%parallel_loop3A_586, %parallel_loop3A_594] : memref<32x768xf32, #tpu.memory_space<vmem>>[vector<16xi32>, vector<16xi32>], vector<16xf32>,
        %parallel_loop3A_596 = arith.constant 16 : i32
        %parallel_loop3A_597 = arith.muli %parallel_loop3A_590, %parallel_loop3A_596 : i32
        %parallel_loop3A_598 = arith.index_cast %parallel_loop3A_585 : i32 to index
        %parallel_loop3A_599 = arith.index_cast %parallel_loop3A_597 : i32 to index
        %parallel_loop3A_600 = tpu.vector_load %arg9[%parallel_loop3A_598, %parallel_loop3A_599] {strides = array<i32>} : memref<32x768xf32, #tpu.memory_space<vmem>>, vector<16xf32>,
        tpu.vector_store %arg9[%parallel_loop3A_598, %parallel_loop3A_599], %parallel_loop3A_595 {strides = array<i32>} : memref<32x768xf32, #tpu.memory_space<vmem>>, vector<16xf32>,
      } {sc.loop_unroll_factor = 8 : i64, sc.parallel_access}
    } {sc.loop_unroll_factor = 1 : i64, sc.parallel_access}
    %dma_start3A_92 = arith.constant 0 : i32
    %dma_start3A_93 = arith.constant 0 : i32
    %dma_start3A_94 = tpu.memref_slice %arg9[%dma_start3A_92, %dma_start3A_93] : memref<32x768xf32, #tpu.memory_space<vmem>> -> memref<32x768xf32, #tpu.memory_space<vmem>>
    %dma_start3A_95 = arith.constant 0 : i32
    %dma_start3A_96 = tpu.memref_slice %arg4[%add3A_6, %dma_start3A_95] : memref<12544x768xf32, #tpu.memory_space<hbm>> -> memref<32x768xf32, #tpu.memory_space<hbm>>
    %dma_start3A_97 = arith.constant 0 : i32
    %dma_start3A_98 = tpu.memref_slice %arg4[%add3A_6, %dma_start3A_97] : memref<12544x768xf32, #tpu.memory_space<hbm>> -> memref<32x768xf32, #tpu.memory_space<hbm>>
    %dma_start3A_99 = arith.constant 0 : i32
    %dma_start3A_100 = arith.constant 0 : i32
    %dma_start3A_101 = tpu.memref_slice %arg9[%dma_start3A_99, %dma_start3A_100] : memref<32x768xf32, #tpu.memory_space<vmem>> -> memref<32x768xf32, #tpu.memory_space<vmem>>
    tpu.enqueue_dma source(%dma_start3A_101 : memref<32x768xf32, #tpu.memory_space<vmem>>) target(%dma_start3A_98 : memref<32x768xf32, #tpu.memory_space<hbm>>) target_semaphore(%arg12 : memref<!tpu.dma_semaphore, #tpu.memory_space<semaphore_mem>>)
    %dma_wait3A_102 = arith.constant 0 : i32
    %dma_wait3A_103 = arith.constant 0 : i32
    %dma_wait3A_104 = tpu.memref_slice %arg6[%dma_wait3A_102, %dma_wait3A_103] : memref<32x768xf32, #tpu.memory_space<vmem>> -> memref<32x768xf32, #tpu.memory_space<vmem>>
    %dma_wait3A_105 = arith.constant 0 : i32
    %dma_wait3A_106 = tpu.memref_slice %arg2[%add3A_8, %dma_wait3A_105] : memref<12544x768xf32, #tpu.memory_space<hbm>> -> memref<32x768xf32, #tpu.memory_space<hbm>>
    %dma_wait3A_107 = arith.constant 0 : i32
    %dma_wait3A_108 = arith.constant 0 : i32
    %dma_wait3A_109 = tpu.memref_slice %arg6[%dma_wait3A_107, %dma_wait3A_108] : memref<32x768xf32, #tpu.memory_space<vmem>> -> memref<32x768xf32, #tpu.memory_space<vmem>>
    %dma_wait3A_110 = arith.constant 0 : i32
    %dma_wait3A_111 = tpu.memref_slice %arg2[%add3A_8, %dma_wait3A_110] : memref<12544x768xf32, #tpu.memory_space<hbm>> -> memref<32x768xf32, #tpu.memory_space<hbm>>
    tpu.wait_dma2 semaphore(%arg10 : memref<!tpu.dma_semaphore, #tpu.memory_space<semaphore_mem>>) src(%dma_wait3A_111 : memref<32x768xf32, #tpu.memory_space<hbm>>) dst(%dma_wait3A_109 : memref<32x768xf32, #tpu.memory_space<vmem>>)
    %dma_start3A_112 = arith.constant 0 : i32
    %dma_start3A_113 = arith.constant 0 : i32
    %dma_start3A_114 = tpu.memref_slice %arg7[%dma_start3A_112, %dma_start3A_113] : memref<32x768xf32, #tpu.memory_space<vmem>> -> memref<32x768xf32, #tpu.memory_space<vmem>>
    %dma_start3A_115 = arith.constant 0 : i32
    %dma_start3A_116 = tpu.memref_slice %arg2[%add3A_10, %dma_start3A_115] : memref<12544x768xf32, #tpu.memory_space<hbm>> -> memref<32x768xf32, #tpu.memory_space<hbm>>
    %dma_start3A_117 = arith.constant 0 : i32
    %dma_start3A_118 = arith.constant 0 : i32
    %dma_start3A_119 = tpu.memref_slice %arg7[%dma_start3A_117, %dma_start3A_118] : memref<32x768xf32, #tpu.memory_space<vmem>> -> memref<32x768xf32, #tpu.memory_space<vmem>>
    %dma_start3A_120 = arith.constant 0 : i32
    %dma_start3A_121 = tpu.memref_slice %arg2[%add3A_10, %dma_start3A_120] : memref<12544x768xf32, #tpu.memory_space<hbm>> -> memref<32x768xf32, #tpu.memory_space<hbm>>
    tpu.enqueue_dma source(%dma_start3A_121 : memref<32x768xf32, #tpu.memory_space<hbm>>) target(%dma_start3A_119 : memref<32x768xf32, #tpu.memory_space<vmem>>) target_semaphore(%arg10 : memref<!tpu.dma_semaphore, #tpu.memory_space<semaphore_mem>>)
    %dma_wait3A_122 = arith.constant 0 : i32
    %dma_wait3A_123 = arith.constant 0 : i32
    %dma_wait3A_124 = tpu.memref_slice %arg8[%dma_wait3A_122, %dma_wait3A_123] : memref<32x768xf32, #tpu.memory_space<vmem>> -> memref<32x768xf32, #tpu.memory_space<vmem>>
    %dma_wait3A_125 = arith.constant 0 : i32
    %dma_wait3A_126 = tpu.memref_slice %arg4[%add3A_4, %dma_wait3A_125] : memref<12544x768xf32, #tpu.memory_space<hbm>> -> memref<32x768xf32, #tpu.memory_space<hbm>>
    %dma_wait3A_127 = arith.constant 0 : i32
    %dma_wait3A_128 = tpu.memref_slice %arg4[%add3A_4, %dma_wait3A_127] : memref<12544x768xf32, #tpu.memory_space<hbm>> -> memref<32x768xf32, #tpu.memory_space<hbm>>
    %dma_wait3A_129 = arith.constant 0 : i32
    %dma_wait3A_130 = arith.constant 0 : i32
    %dma_wait3A_131 = tpu.memref_slice %arg8[%dma_wait3A_129, %dma_wait3A_130] : memref<32x768xf32, #tpu.memory_space<vmem>> -> memref<32x768xf32, #tpu.memory_space<vmem>>
    tpu.wait_dma2 semaphore(%arg11 : memref<!tpu.dma_semaphore, #tpu.memory_space<semaphore_mem>>) src(%dma_wait3A_131 : memref<32x768xf32, #tpu.memory_space<vmem>>) dst(%dma_wait3A_128 : memref<32x768xf32, #tpu.memory_space<hbm>>)
    %parallel_loop3A_132 = arith.constant 0 : i32
    %parallel_loop3A_133 = arith.constant 32 : i32
    %parallel_loop3A_134 = arith.constant 1 : i32
    scf.for %parallel_loop3A_585 = %parallel_loop3A_132 to %parallel_loop3A_133 step %parallel_loop3A_134  : i32 {
      %parallel_loop3A_586 = vector.broadcast %parallel_loop3A_585 : i32 to vector<16xi32>
      %parallel_loop3A_587 = arith.constant 0 : i32
      %parallel_loop3A_588 = arith.constant 48 : i32
      %parallel_loop3A_589 = arith.constant 1 : i32
      scf.for %parallel_loop3A_590 = %parallel_loop3A_587 to %parallel_loop3A_588 step %parallel_loop3A_589  : i32 {
        %parallel_loop3A_591 = arith.constant 16 : i32
        %parallel_loop3A_592 = arith.muli %parallel_loop3A_590, %parallel_loop3A_591 : i32
        %parallel_loop3A_593 = arith.index_cast %parallel_loop3A_592 : i32 to index
        %parallel_loop3A_594 = tpu.vector_load %arg5[%parallel_loop3A_593] {strides = array<i32>} : memref<768xi32, #tpu.memory_space<vmem>>, vector<16xi32>,
        %parallel_loop3A_595 = tpu.vector_load_idx %arg6[%parallel_loop3A_586, %parallel_loop3A_594] : memref<32x768xf32, #tpu.memory_space<vmem>>[vector<16xi32>, vector<16xi32>], vector<16xf32>,
        %parallel_loop3A_596 = arith.constant 16 : i32
        %parallel_loop3A_597 = arith.muli %parallel_loop3A_590, %parallel_loop3A_596 : i32
        %parallel_loop3A_598 = arith.index_cast %parallel_loop3A_585 : i32 to index
        %parallel_loop3A_599 = arith.index_cast %parallel_loop3A_597 : i32 to index
        %parallel_loop3A_600 = tpu.vector_load %arg8[%parallel_loop3A_598, %parallel_loop3A_599] {strides = array<i32>} : memref<32x768xf32, #tpu.memory_space<vmem>>, vector<16xf32>,
        tpu.vector_store %arg8[%parallel_loop3A_598, %parallel_loop3A_599], %parallel_loop3A_595 {strides = array<i32>} : memref<32x768xf32, #tpu.memory_space<vmem>>, vector<16xf32>,
      } {sc.loop_unroll_factor = 8 : i64, sc.parallel_access}
    } {sc.loop_unroll_factor = 1 : i64, sc.parallel_access}
    %dma_start3A_135 = arith.constant 0 : i32
    %dma_start3A_136 = arith.constant 0 : i32
    %dma_start3A_137 = tpu.memref_slice %arg8[%dma_start3A_135, %dma_start3A_136] : memref<32x768xf32, #tpu.memory_space<vmem>> -> memref<32x768xf32, #tpu.memory_space<vmem>>
    %dma_start3A_138 = arith.constant 0 : i32
    %dma_start3A_139 = tpu.memref_slice %arg4[%add3A_8, %dma_start3A_138] : memref<12544x768xf32, #tpu.memory_space<hbm>> -> memref<32x768xf32, #tpu.memory_space<hbm>>
    %dma_start3A_140 = arith.constant 0 : i32
    %dma_start3A_141 = tpu.memref_slice %arg4[%add3A_8, %dma_start3A_140] : memref<12544x768xf32, #tpu.memory_space<hbm>> -> memref<32x768xf32, #tpu.memory_space<hbm>>
    %dma_start3A_142 = arith.constant 0 : i32
    %dma_start3A_143 = arith.constant 0 : i32
    %dma_start3A_144 = tpu.memref_slice %arg8[%dma_start3A_142, %dma_start3A_143] : memref<32x768xf32, #tpu.memory_space<vmem>> -> memref<32x768xf32, #tpu.memory_space<vmem>>
    tpu.enqueue_dma source(%dma_start3A_144 : memref<32x768xf32, #tpu.memory_space<vmem>>) target(%dma_start3A_141 : memref<32x768xf32, #tpu.memory_space<hbm>>) target_semaphore(%arg11 : memref<!tpu.dma_semaphore, #tpu.memory_space<semaphore_mem>>)
    %dma_wait3A_145 = arith.constant 0 : i32
    %dma_wait3A_146 = arith.constant 0 : i32
    %dma_wait3A_147 = tpu.memref_slice %arg7[%dma_wait3A_145, %dma_wait3A_146] : memref<32x768xf32, #tpu.memory_space<vmem>> -> memref<32x768xf32, #tpu.memory_space<vmem>>
    %dma_wait3A_148 = arith.constant 0 : i32
    %dma_wait3A_149 = tpu.memref_slice %arg2[%add3A_10, %dma_wait3A_148] : memref<12544x768xf32, #tpu.memory_space<hbm>> -> memref<32x768xf32, #tpu.memory_space<hbm>>
    %dma_wait3A_150 = arith.constant 0 : i32
    %dma_wait3A_151 = arith.constant 0 : i32
    %dma_wait3A_152 = tpu.memref_slice %arg7[%dma_wait3A_150, %dma_wait3A_151] : memref<32x768xf32, #tpu.memory_space<vmem>> -> memref<32x768xf32, #tpu.memory_space<vmem>>
    %dma_wait3A_153 = arith.constant 0 : i32
    %dma_wait3A_154 = tpu.memref_slice %arg2[%add3A_10, %dma_wait3A_153] : memref<12544x768xf32, #tpu.memory_space<hbm>> -> memref<32x768xf32, #tpu.memory_space<hbm>>
    tpu.wait_dma2 semaphore(%arg10 : memref<!tpu.dma_semaphore, #tpu.memory_space<semaphore_mem>>) src(%dma_wait3A_154 : memref<32x768xf32, #tpu.memory_space<hbm>>) dst(%dma_wait3A_152 : memref<32x768xf32, #tpu.memory_space<vmem>>)
    %dma_start3A_155 = arith.constant 0 : i32
    %dma_start3A_156 = arith.constant 0 : i32
    %dma_start3A_157 = tpu.memref_slice %arg6[%dma_start3A_155, %dma_start3A_156] : memref<32x768xf32, #tpu.memory_space<vmem>> -> memref<32x768xf32, #tpu.memory_space<vmem>>
    %dma_start3A_158 = arith.constant 0 : i32
    %dma_start3A_159 = tpu.memref_slice %arg2[%add3A_12, %dma_start3A_158] : memref<12544x768xf32, #tpu.memory_space<hbm>> -> memref<32x768xf32, #tpu.memory_space<hbm>>
    %dma_start3A_160 = arith.constant 0 : i32
    %dma_start3A_161 = arith.constant 0 : i32
    %dma_start3A_162 = tpu.memref_slice %arg6[%dma_start3A_160, %dma_start3A_161] : memref<32x768xf32, #tpu.memory_space<vmem>> -> memref<32x768xf32, #tpu.memory_space<vmem>>
    %dma_start3A_163 = arith.constant 0 : i32
    %dma_start3A_164 = tpu.memref_slice %arg2[%add3A_12, %dma_start3A_163] : memref<12544x768xf32, #tpu.memory_space<hbm>> -> memref<32x768xf32, #tpu.memory_space<hbm>>
    tpu.enqueue_dma source(%dma_start3A_164 : memref<32x768xf32, #tpu.memory_space<hbm>>) target(%dma_start3A_162 : memref<32x768xf32, #tpu.memory_space<vmem>>) target_semaphore(%arg10 : memref<!tpu.dma_semaphore, #tpu.memory_space<semaphore_mem>>)
    %dma_wait3A_165 = arith.constant 0 : i32
    %dma_wait3A_166 = arith.constant 0 : i32
    %dma_wait3A_167 = tpu.memref_slice %arg9[%dma_wait3A_165, %dma_wait3A_166] : memref<32x768xf32, #tpu.memory_space<vmem>> -> memref<32x768xf32, #tpu.memory_space<vmem>>
    %dma_wait3A_168 = arith.constant 0 : i32
    %dma_wait3A_169 = tpu.memref_slice %arg4[%add3A_6, %dma_wait3A_168] : memref<12544x768xf32, #tpu.memory_space<hbm>> -> memref<32x768xf32, #tpu.memory_space<hbm>>
    %dma_wait3A_170 = arith.constant 0 : i32
    %dma_wait3A_171 = tpu.memref_slice %arg4[%add3A_6, %dma_wait3A_170] : memref<12544x768xf32, #tpu.memory_space<hbm>> -> memref<32x768xf32, #tpu.memory_space<hbm>>
    %dma_wait3A_172 = arith.constant 0 : i32
    %dma_wait3A_173 = arith.constant 0 : i32
    %dma_wait3A_174 = tpu.memref_slice %arg9[%dma_wait3A_172, %dma_wait3A_173] : memref<32x768xf32, #tpu.memory_space<vmem>> -> memref<32x768xf32, #tpu.memory_space<vmem>>
    tpu.wait_dma2 semaphore(%arg12 : memref<!tpu.dma_semaphore, #tpu.memory_space<semaphore_mem>>) src(%dma_wait3A_174 : memref<32x768xf32, #tpu.memory_space<vmem>>) dst(%dma_wait3A_171 : memref<32x768xf32, #tpu.memory_space<hbm>>)
    %parallel_loop3A_175 = arith.constant 0 : i32
    %parallel_loop3A_176 = arith.constant 32 : i32
    %parallel_loop3A_177 = arith.constant 1 : i32
    scf.for %parallel_loop3A_585 = %parallel_loop3A_175 to %parallel_loop3A_176 step %parallel_loop3A_177  : i32 {
      %parallel_loop3A_586 = vector.broadcast %parallel_loop3A_585 : i32 to vector<16xi32>
      %parallel_loop3A_587 = arith.constant 0 : i32
      %parallel_loop3A_588 = arith.constant 48 : i32
      %parallel_loop3A_589 = arith.constant 1 : i32
      scf.for %parallel_loop3A_590 = %parallel_loop3A_587 to %parallel_loop3A_588 step %parallel_loop3A_589  : i32 {
        %parallel_loop3A_591 = arith.constant 16 : i32
        %parallel_loop3A_592 = arith.muli %parallel_loop3A_590, %parallel_loop3A_591 : i32
        %parallel_loop3A_593 = arith.index_cast %parallel_loop3A_592 : i32 to index
        %parallel_loop3A_594 = tpu.vector_load %arg5[%parallel_loop3A_593] {strides = array<i32>} : memref<768xi32, #tpu.memory_space<vmem>>, vector<16xi32>,
        %parallel_loop3A_595 = tpu.vector_load_idx %arg7[%parallel_loop3A_586, %parallel_loop3A_594] : memref<32x768xf32, #tpu.memory_space<vmem>>[vector<16xi32>, vector<16xi32>], vector<16xf32>,
        %parallel_loop3A_596 = arith.constant 16 : i32
        %parallel_loop3A_597 = arith.muli %parallel_loop3A_590, %parallel_loop3A_596 : i32
        %parallel_loop3A_598 = arith.index_cast %parallel_loop3A_585 : i32 to index
        %parallel_loop3A_599 = arith.index_cast %parallel_loop3A_597 : i32 to index
        %parallel_loop3A_600 = tpu.vector_load %arg9[%parallel_loop3A_598, %parallel_loop3A_599] {strides = array<i32>} : memref<32x768xf32, #tpu.memory_space<vmem>>, vector<16xf32>,
        tpu.vector_store %arg9[%parallel_loop3A_598, %parallel_loop3A_599], %parallel_loop3A_595 {strides = array<i32>} : memref<32x768xf32, #tpu.memory_space<vmem>>, vector<16xf32>,
      } {sc.loop_unroll_factor = 8 : i64, sc.parallel_access}
    } {sc.loop_unroll_factor = 1 : i64, sc.parallel_access}
    %dma_start3A_178 = arith.constant 0 : i32
    %dma_start3A_179 = arith.constant 0 : i32
    %dma_start3A_180 = tpu.memref_slice %arg9[%dma_start3A_178, %dma_start3A_179] : memref<32x768xf32, #tpu.memory_space<vmem>> -> memref<32x768xf32, #tpu.memory_space<vmem>>
    %dma_start3A_181 = arith.constant 0 : i32
    %dma_start3A_182 = tpu.memref_slice %arg4[%add3A_10, %dma_start3A_181] : memref<12544x768xf32, #tpu.memory_space<hbm>> -> memref<32x768xf32, #tpu.memory_space<hbm>>
    %dma_start3A_183 = arith.constant 0 : i32
    %dma_start3A_184 = tpu.memref_slice %arg4[%add3A_10, %dma_start3A_183] : memref<12544x768xf32, #tpu.memory_space<hbm>> -> memref<32x768xf32, #tpu.memory_space<hbm>>
    %dma_start3A_185 = arith.constant 0 : i32
    %dma_start3A_186 = arith.constant 0 : i32
    %dma_start3A_187 = tpu.memref_slice %arg9[%dma_start3A_185, %dma_start3A_186] : memref<32x768xf32, #tpu.memory_space<vmem>> -> memref<32x768xf32, #tpu.memory_space<vmem>>
    tpu.enqueue_dma source(%dma_start3A_187 : memref<32x768xf32, #tpu.memory_space<vmem>>) target(%dma_start3A_184 : memref<32x768xf32, #tpu.memory_space<hbm>>) target_semaphore(%arg12 : memref<!tpu.dma_semaphore, #tpu.memory_space<semaphore_mem>>)
    %dma_wait3A_188 = arith.constant 0 : i32
    %dma_wait3A_189 = arith.constant 0 : i32
    %dma_wait3A_190 = tpu.memref_slice %arg6[%dma_wait3A_188, %dma_wait3A_189] : memref<32x768xf32, #tpu.memory_space<vmem>> -> memref<32x768xf32, #tpu.memory_space<vmem>>
    %dma_wait3A_191 = arith.constant 0 : i32
    %dma_wait3A_192 = tpu.memref_slice %arg2[%add3A_12, %dma_wait3A_191] : memref<12544x768xf32, #tpu.memory_space<hbm>> -> memref<32x768xf32, #tpu.memory_space<hbm>>
    %dma_wait3A_193 = arith.constant 0 : i32
    %dma_wait3A_194 = arith.constant 0 : i32
    %dma_wait3A_195 = tpu.memref_slice %arg6[%dma_wait3A_193, %dma_wait3A_194] : memref<32x768xf32, #tpu.memory_space<vmem>> -> memref<32x768xf32, #tpu.memory_space<vmem>>
    %dma_wait3A_196 = arith.constant 0 : i32
    %dma_wait3A_197 = tpu.memref_slice %arg2[%add3A_12, %dma_wait3A_196] : memref<12544x768xf32, #tpu.memory_space<hbm>> -> memref<32x768xf32, #tpu.memory_space<hbm>>
    tpu.wait_dma2 semaphore(%arg10 : memref<!tpu.dma_semaphore, #tpu.memory_space<semaphore_mem>>) src(%dma_wait3A_197 : memref<32x768xf32, #tpu.memory_space<hbm>>) dst(%dma_wait3A_195 : memref<32x768xf32, #tpu.memory_space<vmem>>)
    %dma_start3A_198 = arith.constant 0 : i32
    %dma_start3A_199 = arith.constant 0 : i32
    %dma_start3A_200 = tpu.memref_slice %arg7[%dma_start3A_198, %dma_start3A_199] : memref<32x768xf32, #tpu.memory_space<vmem>> -> memref<32x768xf32, #tpu.memory_space<vmem>>
    %dma_start3A_201 = arith.constant 0 : i32
    %dma_start3A_202 = tpu.memref_slice %arg2[%add3A_14, %dma_start3A_201] : memref<12544x768xf32, #tpu.memory_space<hbm>> -> memref<32x768xf32, #tpu.memory_space<hbm>>
    %dma_start3A_203 = arith.constant 0 : i32
    %dma_start3A_204 = arith.constant 0 : i32
    %dma_start3A_205 = tpu.memref_slice %arg7[%dma_start3A_203, %dma_start3A_204] : memref<32x768xf32, #tpu.memory_space<vmem>> -> memref<32x768xf32, #tpu.memory_space<vmem>>
    %dma_start3A_206 = arith.constant 0 : i32
    %dma_start3A_207 = tpu.memref_slice %arg2[%add3A_14, %dma_start3A_206] : memref<12544x768xf32, #tpu.memory_space<hbm>> -> memref<32x768xf32, #tpu.memory_space<hbm>>
    tpu.enqueue_dma source(%dma_start3A_207 : memref<32x768xf32, #tpu.memory_space<hbm>>) target(%dma_start3A_205 : memref<32x768xf32, #tpu.memory_space<vmem>>) target_semaphore(%arg10 : memref<!tpu.dma_semaphore, #tpu.memory_space<semaphore_mem>>)
    %dma_wait3A_208 = arith.constant 0 : i32
    %dma_wait3A_209 = arith.constant 0 : i32
    %dma_wait3A_210 = tpu.memref_slice %arg8[%dma_wait3A_208, %dma_wait3A_209] : memref<32x768xf32, #tpu.memory_space<vmem>> -> memref<32x768xf32, #tpu.memory_space<vmem>>
    %dma_wait3A_211 = arith.constant 0 : i32
    %dma_wait3A_212 = tpu.memref_slice %arg4[%add3A_8, %dma_wait3A_211] : memref<12544x768xf32, #tpu.memory_space<hbm>> -> memref<32x768xf32, #tpu.memory_space<hbm>>
    %dma_wait3A_213 = arith.constant 0 : i32
    %dma_wait3A_214 = tpu.memref_slice %arg4[%add3A_8, %dma_wait3A_213] : memref<12544x768xf32, #tpu.memory_space<hbm>> -> memref<32x768xf32, #tpu.memory_space<hbm>>
    %dma_wait3A_215 = arith.constant 0 : i32
    %dma_wait3A_216 = arith.constant 0 : i32
    %dma_wait3A_217 = tpu.memref_slice %arg8[%dma_wait3A_215, %dma_wait3A_216] : memref<32x768xf32, #tpu.memory_space<vmem>> -> memref<32x768xf32, #tpu.memory_space<vmem>>
    tpu.wait_dma2 semaphore(%arg11 : memref<!tpu.dma_semaphore, #tpu.memory_space<semaphore_mem>>) src(%dma_wait3A_217 : memref<32x768xf32, #tpu.memory_space<vmem>>) dst(%dma_wait3A_214 : memref<32x768xf32, #tpu.memory_space<hbm>>)
    %parallel_loop3A_218 = arith.constant 0 : i32
    %parallel_loop3A_219 = arith.constant 32 : i32
    %parallel_loop3A_220 = arith.constant 1 : i32
    scf.for %parallel_loop3A_585 = %parallel_loop3A_218 to %parallel_loop3A_219 step %parallel_loop3A_220  : i32 {
      %parallel_loop3A_586 = vector.broadcast %parallel_loop3A_585 : i32 to vector<16xi32>
      %parallel_loop3A_587 = arith.constant 0 : i32
      %parallel_loop3A_588 = arith.constant 48 : i32
      %parallel_loop3A_589 = arith.constant 1 : i32
      scf.for %parallel_loop3A_590 = %parallel_loop3A_587 to %parallel_loop3A_588 step %parallel_loop3A_589  : i32 {
        %parallel_loop3A_591 = arith.constant 16 : i32
        %parallel_loop3A_592 = arith.muli %parallel_loop3A_590, %parallel_loop3A_591 : i32
        %parallel_loop3A_593 = arith.index_cast %parallel_loop3A_592 : i32 to index
        %parallel_loop3A_594 = tpu.vector_load %arg5[%parallel_loop3A_593] {strides = array<i32>} : memref<768xi32, #tpu.memory_space<vmem>>, vector<16xi32>,
        %parallel_loop3A_595 = tpu.vector_load_idx %arg6[%parallel_loop3A_586, %parallel_loop3A_594] : memref<32x768xf32, #tpu.memory_space<vmem>>[vector<16xi32>, vector<16xi32>], vector<16xf32>,
        %parallel_loop3A_596 = arith.constant 16 : i32
        %parallel_loop3A_597 = arith.muli %parallel_loop3A_590, %parallel_loop3A_596 : i32
        %parallel_loop3A_598 = arith.index_cast %parallel_loop3A_585 : i32 to index
        %parallel_loop3A_599 = arith.index_cast %parallel_loop3A_597 : i32 to index
        %parallel_loop3A_600 = tpu.vector_load %arg8[%parallel_loop3A_598, %parallel_loop3A_599] {strides = array<i32>} : memref<32x768xf32, #tpu.memory_space<vmem>>, vector<16xf32>,
        tpu.vector_store %arg8[%parallel_loop3A_598, %parallel_loop3A_599], %parallel_loop3A_595 {strides = array<i32>} : memref<32x768xf32, #tpu.memory_space<vmem>>, vector<16xf32>,
      } {sc.loop_unroll_factor = 8 : i64, sc.parallel_access}
    } {sc.loop_unroll_factor = 1 : i64, sc.parallel_access}
    %dma_start3A_221 = arith.constant 0 : i32
    %dma_start3A_222 = arith.constant 0 : i32
    %dma_start3A_223 = tpu.memref_slice %arg8[%dma_start3A_221, %dma_start3A_222] : memref<32x768xf32, #tpu.memory_space<vmem>> -> memref<32x768xf32, #tpu.memory_space<vmem>>
    %dma_start3A_224 = arith.constant 0 : i32
    %dma_start3A_225 = tpu.memref_slice %arg4[%add3A_12, %dma_start3A_224] : memref<12544x768xf32, #tpu.memory_space<hbm>> -> memref<32x768xf32, #tpu.memory_space<hbm>>
    %dma_start3A_226 = arith.constant 0 : i32
    %dma_start3A_227 = tpu.memref_slice %arg4[%add3A_12, %dma_start3A_226] : memref<12544x768xf32, #tpu.memory_space<hbm>> -> memref<32x768xf32, #tpu.memory_space<hbm>>
    %dma_start3A_228 = arith.constant 0 : i32
    %dma_start3A_229 = arith.constant 0 : i32
    %dma_start3A_230 = tpu.memref_slice %arg8[%dma_start3A_228, %dma_start3A_229] : memref<32x768xf32, #tpu.memory_space<vmem>> -> memref<32x768xf32, #tpu.memory_space<vmem>>
    tpu.enqueue_dma source(%dma_start3A_230 : memref<32x768xf32, #tpu.memory_space<vmem>>) target(%dma_start3A_227 : memref<32x768xf32, #tpu.memory_space<hbm>>) target_semaphore(%arg11 : memref<!tpu.dma_semaphore, #tpu.memory_space<semaphore_mem>>)
    %dma_wait3A_231 = arith.constant 0 : i32
    %dma_wait3A_232 = arith.constant 0 : i32
    %dma_wait3A_233 = tpu.memref_slice %arg7[%dma_wait3A_231, %dma_wait3A_232] : memref<32x768xf32, #tpu.memory_space<vmem>> -> memref<32x768xf32, #tpu.memory_space<vmem>>
    %dma_wait3A_234 = arith.constant 0 : i32
    %dma_wait3A_235 = tpu.memref_slice %arg2[%add3A_14, %dma_wait3A_234] : memref<12544x768xf32, #tpu.memory_space<hbm>> -> memref<32x768xf32, #tpu.memory_space<hbm>>
    %dma_wait3A_236 = arith.constant 0 : i32
    %dma_wait3A_237 = arith.constant 0 : i32
    %dma_wait3A_238 = tpu.memref_slice %arg7[%dma_wait3A_236, %dma_wait3A_237] : memref<32x768xf32, #tpu.memory_space<vmem>> -> memref<32x768xf32, #tpu.memory_space<vmem>>
    %dma_wait3A_239 = arith.constant 0 : i32
    %dma_wait3A_240 = tpu.memref_slice %arg2[%add3A_14, %dma_wait3A_239] : memref<12544x768xf32, #tpu.memory_space<hbm>> -> memref<32x768xf32, #tpu.memory_space<hbm>>
    tpu.wait_dma2 semaphore(%arg10 : memref<!tpu.dma_semaphore, #tpu.memory_space<semaphore_mem>>) src(%dma_wait3A_240 : memref<32x768xf32, #tpu.memory_space<hbm>>) dst(%dma_wait3A_238 : memref<32x768xf32, #tpu.memory_space<vmem>>)
    %dma_start3A_241 = arith.constant 0 : i32
    %dma_start3A_242 = arith.constant 0 : i32
    %dma_start3A_243 = tpu.memref_slice %arg6[%dma_start3A_241, %dma_start3A_242] : memref<32x768xf32, #tpu.memory_space<vmem>> -> memref<32x768xf32, #tpu.memory_space<vmem>>
    %dma_start3A_244 = arith.constant 0 : i32
    %dma_start3A_245 = tpu.memref_slice %arg2[%add3A_16, %dma_start3A_244] : memref<12544x768xf32, #tpu.memory_space<hbm>> -> memref<32x768xf32, #tpu.memory_space<hbm>>
    %dma_start3A_246 = arith.constant 0 : i32
    %dma_start3A_247 = arith.constant 0 : i32
    %dma_start3A_248 = tpu.memref_slice %arg6[%dma_start3A_246, %dma_start3A_247] : memref<32x768xf32, #tpu.memory_space<vmem>> -> memref<32x768xf32, #tpu.memory_space<vmem>>
    %dma_start3A_249 = arith.constant 0 : i32
    %dma_start3A_250 = tpu.memref_slice %arg2[%add3A_16, %dma_start3A_249] : memref<12544x768xf32, #tpu.memory_space<hbm>> -> memref<32x768xf32, #tpu.memory_space<hbm>>
    tpu.enqueue_dma source(%dma_start3A_250 : memref<32x768xf32, #tpu.memory_space<hbm>>) target(%dma_start3A_248 : memref<32x768xf32, #tpu.memory_space<vmem>>) target_semaphore(%arg10 : memref<!tpu.dma_semaphore, #tpu.memory_space<semaphore_mem>>)
    %dma_wait3A_251 = arith.constant 0 : i32
    %dma_wait3A_252 = arith.constant 0 : i32
    %dma_wait3A_253 = tpu.memref_slice %arg9[%dma_wait3A_251, %dma_wait3A_252] : memref<32x768xf32, #tpu.memory_space<vmem>> -> memref<32x768xf32, #tpu.memory_space<vmem>>
    %dma_wait3A_254 = arith.constant 0 : i32
    %dma_wait3A_255 = tpu.memref_slice %arg4[%add3A_10, %dma_wait3A_254] : memref<12544x768xf32, #tpu.memory_space<hbm>> -> memref<32x768xf32, #tpu.memory_space<hbm>>
    %dma_wait3A_256 = arith.constant 0 : i32
    %dma_wait3A_257 = tpu.memref_slice %arg4[%add3A_10, %dma_wait3A_256] : memref<12544x768xf32, #tpu.memory_space<hbm>> -> memref<32x768xf32, #tpu.memory_space<hbm>>
    %dma_wait3A_258 = arith.constant 0 : i32
    %dma_wait3A_259 = arith.constant 0 : i32
    %dma_wait3A_260 = tpu.memref_slice %arg9[%dma_wait3A_258, %dma_wait3A_259] : memref<32x768xf32, #tpu.memory_space<vmem>> -> memref<32x768xf32, #tpu.memory_space<vmem>>
    tpu.wait_dma2 semaphore(%arg12 : memref<!tpu.dma_semaphore, #tpu.memory_space<semaphore_mem>>) src(%dma_wait3A_260 : memref<32x768xf32, #tpu.memory_space<vmem>>) dst(%dma_wait3A_257 : memref<32x768xf32, #tpu.memory_space<hbm>>)
    %parallel_loop3A_261 = arith.constant 0 : i32
    %parallel_loop3A_262 = arith.constant 32 : i32
    %parallel_loop3A_263 = arith.constant 1 : i32
    scf.for %parallel_loop3A_585 = %parallel_loop3A_261 to %parallel_loop3A_262 step %parallel_loop3A_263  : i32 {
      %parallel_loop3A_586 = vector.broadcast %parallel_loop3A_585 : i32 to vector<16xi32>
      %parallel_loop3A_587 = arith.constant 0 : i32
      %parallel_loop3A_588 = arith.constant 48 : i32
      %parallel_loop3A_589 = arith.constant 1 : i32
      scf.for %parallel_loop3A_590 = %parallel_loop3A_587 to %parallel_loop3A_588 step %parallel_loop3A_589  : i32 {
        %parallel_loop3A_591 = arith.constant 16 : i32
        %parallel_loop3A_592 = arith.muli %parallel_loop3A_590, %parallel_loop3A_591 : i32
        %parallel_loop3A_593 = arith.index_cast %parallel_loop3A_592 : i32 to index
        %parallel_loop3A_594 = tpu.vector_load %arg5[%parallel_loop3A_593] {strides = array<i32>} : memref<768xi32, #tpu.memory_space<vmem>>, vector<16xi32>,
        %parallel_loop3A_595 = tpu.vector_load_idx %arg7[%parallel_loop3A_586, %parallel_loop3A_594] : memref<32x768xf32, #tpu.memory_space<vmem>>[vector<16xi32>, vector<16xi32>], vector<16xf32>,
        %parallel_loop3A_596 = arith.constant 16 : i32
        %parallel_loop3A_597 = arith.muli %parallel_loop3A_590, %parallel_loop3A_596 : i32
        %parallel_loop3A_598 = arith.index_cast %parallel_loop3A_585 : i32 to index
        %parallel_loop3A_599 = arith.index_cast %parallel_loop3A_597 : i32 to index
        %parallel_loop3A_600 = tpu.vector_load %arg9[%parallel_loop3A_598, %parallel_loop3A_599] {strides = array<i32>} : memref<32x768xf32, #tpu.memory_space<vmem>>, vector<16xf32>,
        tpu.vector_store %arg9[%parallel_loop3A_598, %parallel_loop3A_599], %parallel_loop3A_595 {strides = array<i32>} : memref<32x768xf32, #tpu.memory_space<vmem>>, vector<16xf32>,
      } {sc.loop_unroll_factor = 8 : i64, sc.parallel_access}
    } {sc.loop_unroll_factor = 1 : i64, sc.parallel_access}
    %dma_start3A_264 = arith.constant 0 : i32
    %dma_start3A_265 = arith.constant 0 : i32
    %dma_start3A_266 = tpu.memref_slice %arg9[%dma_start3A_264, %dma_start3A_265] : memref<32x768xf32, #tpu.memory_space<vmem>> -> memref<32x768xf32, #tpu.memory_space<vmem>>
    %dma_start3A_267 = arith.constant 0 : i32
    %dma_start3A_268 = tpu.memref_slice %arg4[%add3A_14, %dma_start3A_267] : memref<12544x768xf32, #tpu.memory_space<hbm>> -> memref<32x768xf32, #tpu.memory_space<hbm>>
    %dma_start3A_269 = arith.constant 0 : i32
    %dma_start3A_270 = tpu.memref_slice %arg4[%add3A_14, %dma_start3A_269] : memref<12544x768xf32, #tpu.memory_space<hbm>> -> memref<32x768xf32, #tpu.memory_space<hbm>>
    %dma_start3A_271 = arith.constant 0 : i32
    %dma_start3A_272 = arith.constant 0 : i32
    %dma_start3A_273 = tpu.memref_slice %arg9[%dma_start3A_271, %dma_start3A_272] : memref<32x768xf32, #tpu.memory_space<vmem>> -> memref<32x768xf32, #tpu.memory_space<vmem>>
    tpu.enqueue_dma source(%dma_start3A_273 : memref<32x768xf32, #tpu.memory_space<vmem>>) target(%dma_start3A_270 : memref<32x768xf32, #tpu.memory_space<hbm>>) target_semaphore(%arg12 : memref<!tpu.dma_semaphore, #tpu.memory_space<semaphore_mem>>)
    %dma_wait3A_274 = arith.constant 0 : i32
    %dma_wait3A_275 = arith.constant 0 : i32
    %dma_wait3A_276 = tpu.memref_slice %arg6[%dma_wait3A_274, %dma_wait3A_275] : memref<32x768xf32, #tpu.memory_space<vmem>> -> memref<32x768xf32, #tpu.memory_space<vmem>>
    %dma_wait3A_277 = arith.constant 0 : i32
    %dma_wait3A_278 = tpu.memref_slice %arg2[%add3A_16, %dma_wait3A_277] : memref<12544x768xf32, #tpu.memory_space<hbm>> -> memref<32x768xf32, #tpu.memory_space<hbm>>
    %dma_wait3A_279 = arith.constant 0 : i32
    %dma_wait3A_280 = arith.constant 0 : i32
    %dma_wait3A_281 = tpu.memref_slice %arg6[%dma_wait3A_279, %dma_wait3A_280] : memref<32x768xf32, #tpu.memory_space<vmem>> -> memref<32x768xf32, #tpu.memory_space<vmem>>
    %dma_wait3A_282 = arith.constant 0 : i32
    %dma_wait3A_283 = tpu.memref_slice %arg2[%add3A_16, %dma_wait3A_282] : memref<12544x768xf32, #tpu.memory_space<hbm>> -> memref<32x768xf32, #tpu.memory_space<hbm>>
    tpu.wait_dma2 semaphore(%arg10 : memref<!tpu.dma_semaphore, #tpu.memory_space<semaphore_mem>>) src(%dma_wait3A_283 : memref<32x768xf32, #tpu.memory_space<hbm>>) dst(%dma_wait3A_281 : memref<32x768xf32, #tpu.memory_space<vmem>>)
    %dma_start3A_284 = arith.constant 0 : i32
    %dma_start3A_285 = arith.constant 0 : i32
    %dma_start3A_286 = tpu.memref_slice %arg7[%dma_start3A_284, %dma_start3A_285] : memref<32x768xf32, #tpu.memory_space<vmem>> -> memref<32x768xf32, #tpu.memory_space<vmem>>
    %dma_start3A_287 = arith.constant 0 : i32
    %dma_start3A_288 = tpu.memref_slice %arg2[%add3A_18, %dma_start3A_287] : memref<12544x768xf32, #tpu.memory_space<hbm>> -> memref<32x768xf32, #tpu.memory_space<hbm>>
    %dma_start3A_289 = arith.constant 0 : i32
    %dma_start3A_290 = arith.constant 0 : i32
    %dma_start3A_291 = tpu.memref_slice %arg7[%dma_start3A_289, %dma_start3A_290] : memref<32x768xf32, #tpu.memory_space<vmem>> -> memref<32x768xf32, #tpu.memory_space<vmem>>
    %dma_start3A_292 = arith.constant 0 : i32
    %dma_start3A_293 = tpu.memref_slice %arg2[%add3A_18, %dma_start3A_292] : memref<12544x768xf32, #tpu.memory_space<hbm>> -> memref<32x768xf32, #tpu.memory_space<hbm>>
    tpu.enqueue_dma source(%dma_start3A_293 : memref<32x768xf32, #tpu.memory_space<hbm>>) target(%dma_start3A_291 : memref<32x768xf32, #tpu.memory_space<vmem>>) target_semaphore(%arg10 : memref<!tpu.dma_semaphore, #tpu.memory_space<semaphore_mem>>)
    %dma_wait3A_294 = arith.constant 0 : i32
    %dma_wait3A_295 = arith.constant 0 : i32
    %dma_wait3A_296 = tpu.memref_slice %arg8[%dma_wait3A_294, %dma_wait3A_295] : memref<32x768xf32, #tpu.memory_space<vmem>> -> memref<32x768xf32, #tpu.memory_space<vmem>>
    %dma_wait3A_297 = arith.constant 0 : i32
    %dma_wait3A_298 = tpu.memref_slice %arg4[%add3A_12, %dma_wait3A_297] : memref<12544x768xf32, #tpu.memory_space<hbm>> -> memref<32x768xf32, #tpu.memory_space<hbm>>
    %dma_wait3A_299 = arith.constant 0 : i32
    %dma_wait3A_300 = tpu.memref_slice %arg4[%add3A_12, %dma_wait3A_299] : memref<12544x768xf32, #tpu.memory_space<hbm>> -> memref<32x768xf32, #tpu.memory_space<hbm>>
    %dma_wait3A_301 = arith.constant 0 : i32
    %dma_wait3A_302 = arith.constant 0 : i32
    %dma_wait3A_303 = tpu.memref_slice %arg8[%dma_wait3A_301, %dma_wait3A_302] : memref<32x768xf32, #tpu.memory_space<vmem>> -> memref<32x768xf32, #tpu.memory_space<vmem>>
    tpu.wait_dma2 semaphore(%arg11 : memref<!tpu.dma_semaphore, #tpu.memory_space<semaphore_mem>>) src(%dma_wait3A_303 : memref<32x768xf32, #tpu.memory_space<vmem>>) dst(%dma_wait3A_300 : memref<32x768xf32, #tpu.memory_space<hbm>>)
    %parallel_loop3A_304 = arith.constant 0 : i32
    %parallel_loop3A_305 = arith.constant 32 : i32
    %parallel_loop3A_306 = arith.constant 1 : i32
    scf.for %parallel_loop3A_585 = %parallel_loop3A_304 to %parallel_loop3A_305 step %parallel_loop3A_306  : i32 {
      %parallel_loop3A_586 = vector.broadcast %parallel_loop3A_585 : i32 to vector<16xi32>
      %parallel_loop3A_587 = arith.constant 0 : i32
      %parallel_loop3A_588 = arith.constant 48 : i32
      %parallel_loop3A_589 = arith.constant 1 : i32
      scf.for %parallel_loop3A_590 = %parallel_loop3A_587 to %parallel_loop3A_588 step %parallel_loop3A_589  : i32 {
        %parallel_loop3A_591 = arith.constant 16 : i32
        %parallel_loop3A_592 = arith.muli %parallel_loop3A_590, %parallel_loop3A_591 : i32
        %parallel_loop3A_593 = arith.index_cast %parallel_loop3A_592 : i32 to index
        %parallel_loop3A_594 = tpu.vector_load %arg5[%parallel_loop3A_593] {strides = array<i32>} : memref<768xi32, #tpu.memory_space<vmem>>, vector<16xi32>,
        %parallel_loop3A_595 = tpu.vector_load_idx %arg6[%parallel_loop3A_586, %parallel_loop3A_594] : memref<32x768xf32, #tpu.memory_space<vmem>>[vector<16xi32>, vector<16xi32>], vector<16xf32>,
        %parallel_loop3A_596 = arith.constant 16 : i32
        %parallel_loop3A_597 = arith.muli %parallel_loop3A_590, %parallel_loop3A_596 : i32
        %parallel_loop3A_598 = arith.index_cast %parallel_loop3A_585 : i32 to index
        %parallel_loop3A_599 = arith.index_cast %parallel_loop3A_597 : i32 to index
        %parallel_loop3A_600 = tpu.vector_load %arg8[%parallel_loop3A_598, %parallel_loop3A_599] {strides = array<i32>} : memref<32x768xf32, #tpu.memory_space<vmem>>, vector<16xf32>,
        tpu.vector_store %arg8[%parallel_loop3A_598, %parallel_loop3A_599], %parallel_loop3A_595 {strides = array<i32>} : memref<32x768xf32, #tpu.memory_space<vmem>>, vector<16xf32>,
      } {sc.loop_unroll_factor = 8 : i64, sc.parallel_access}
    } {sc.loop_unroll_factor = 1 : i64, sc.parallel_access}
    %dma_start3A_307 = arith.constant 0 : i32
    %dma_start3A_308 = arith.constant 0 : i32
    %dma_start3A_309 = tpu.memref_slice %arg8[%dma_start3A_307, %dma_start3A_308] : memref<32x768xf32, #tpu.memory_space<vmem>> -> memref<32x768xf32, #tpu.memory_space<vmem>>
    %dma_start3A_310 = arith.constant 0 : i32
    %dma_start3A_311 = tpu.memref_slice %arg4[%add3A_16, %dma_start3A_310] : memref<12544x768xf32, #tpu.memory_space<hbm>> -> memref<32x768xf32, #tpu.memory_space<hbm>>
    %dma_start3A_312 = arith.constant 0 : i32
    %dma_start3A_313 = tpu.memref_slice %arg4[%add3A_16, %dma_start3A_312] : memref<12544x768xf32, #tpu.memory_space<hbm>> -> memref<32x768xf32, #tpu.memory_space<hbm>>
    %dma_start3A_314 = arith.constant 0 : i32
    %dma_start3A_315 = arith.constant 0 : i32
    %dma_start3A_316 = tpu.memref_slice %arg8[%dma_start3A_314, %dma_start3A_315] : memref<32x768xf32, #tpu.memory_space<vmem>> -> memref<32x768xf32, #tpu.memory_space<vmem>>
    tpu.enqueue_dma source(%dma_start3A_316 : memref<32x768xf32, #tpu.memory_space<vmem>>) target(%dma_start3A_313 : memref<32x768xf32, #tpu.memory_space<hbm>>) target_semaphore(%arg11 : memref<!tpu.dma_semaphore, #tpu.memory_space<semaphore_mem>>)
    %dma_wait3A_317 = arith.constant 0 : i32
    %dma_wait3A_318 = arith.constant 0 : i32
    %dma_wait3A_319 = tpu.memref_slice %arg7[%dma_wait3A_317, %dma_wait3A_318] : memref<32x768xf32, #tpu.memory_space<vmem>> -> memref<32x768xf32, #tpu.memory_space<vmem>>
    %dma_wait3A_320 = arith.constant 0 : i32
    %dma_wait3A_321 = tpu.memref_slice %arg2[%add3A_18, %dma_wait3A_320] : memref<12544x768xf32, #tpu.memory_space<hbm>> -> memref<32x768xf32, #tpu.memory_space<hbm>>
    %dma_wait3A_322 = arith.constant 0 : i32
    %dma_wait3A_323 = arith.constant 0 : i32
    %dma_wait3A_324 = tpu.memref_slice %arg7[%dma_wait3A_322, %dma_wait3A_323] : memref<32x768xf32, #tpu.memory_space<vmem>> -> memref<32x768xf32, #tpu.memory_space<vmem>>
    %dma_wait3A_325 = arith.constant 0 : i32
    %dma_wait3A_326 = tpu.memref_slice %arg2[%add3A_18, %dma_wait3A_325] : memref<12544x768xf32, #tpu.memory_space<hbm>> -> memref<32x768xf32, #tpu.memory_space<hbm>>
    tpu.wait_dma2 semaphore(%arg10 : memref<!tpu.dma_semaphore, #tpu.memory_space<semaphore_mem>>) src(%dma_wait3A_326 : memref<32x768xf32, #tpu.memory_space<hbm>>) dst(%dma_wait3A_324 : memref<32x768xf32, #tpu.memory_space<vmem>>)
    %dma_start3A_327 = arith.constant 0 : i32
    %dma_start3A_328 = arith.constant 0 : i32
    %dma_start3A_329 = tpu.memref_slice %arg6[%dma_start3A_327, %dma_start3A_328] : memref<32x768xf32, #tpu.memory_space<vmem>> -> memref<32x768xf32, #tpu.memory_space<vmem>>
    %dma_start3A_330 = arith.constant 0 : i32
    %dma_start3A_331 = tpu.memref_slice %arg2[%add3A_20, %dma_start3A_330] : memref<12544x768xf32, #tpu.memory_space<hbm>> -> memref<32x768xf32, #tpu.memory_space<hbm>>
    %dma_start3A_332 = arith.constant 0 : i32
    %dma_start3A_333 = arith.constant 0 : i32
    %dma_start3A_334 = tpu.memref_slice %arg6[%dma_start3A_332, %dma_start3A_333] : memref<32x768xf32, #tpu.memory_space<vmem>> -> memref<32x768xf32, #tpu.memory_space<vmem>>
    %dma_start3A_335 = arith.constant 0 : i32
    %dma_start3A_336 = tpu.memref_slice %arg2[%add3A_20, %dma_start3A_335] : memref<12544x768xf32, #tpu.memory_space<hbm>> -> memref<32x768xf32, #tpu.memory_space<hbm>>
    tpu.enqueue_dma source(%dma_start3A_336 : memref<32x768xf32, #tpu.memory_space<hbm>>) target(%dma_start3A_334 : memref<32x768xf32, #tpu.memory_space<vmem>>) target_semaphore(%arg10 : memref<!tpu.dma_semaphore, #tpu.memory_space<semaphore_mem>>)
    %dma_wait3A_337 = arith.constant 0 : i32
    %dma_wait3A_338 = arith.constant 0 : i32
    %dma_wait3A_339 = tpu.memref_slice %arg9[%dma_wait3A_337, %dma_wait3A_338] : memref<32x768xf32, #tpu.memory_space<vmem>> -> memref<32x768xf32, #tpu.memory_space<vmem>>
    %dma_wait3A_340 = arith.constant 0 : i32
    %dma_wait3A_341 = tpu.memref_slice %arg4[%add3A_14, %dma_wait3A_340] : memref<12544x768xf32, #tpu.memory_space<hbm>> -> memref<32x768xf32, #tpu.memory_space<hbm>>
    %dma_wait3A_342 = arith.constant 0 : i32
    %dma_wait3A_343 = tpu.memref_slice %arg4[%add3A_14, %dma_wait3A_342] : memref<12544x768xf32, #tpu.memory_space<hbm>> -> memref<32x768xf32, #tpu.memory_space<hbm>>
    %dma_wait3A_344 = arith.constant 0 : i32
    %dma_wait3A_345 = arith.constant 0 : i32
    %dma_wait3A_346 = tpu.memref_slice %arg9[%dma_wait3A_344, %dma_wait3A_345] : memref<32x768xf32, #tpu.memory_space<vmem>> -> memref<32x768xf32, #tpu.memory_space<vmem>>
    tpu.wait_dma2 semaphore(%arg12 : memref<!tpu.dma_semaphore, #tpu.memory_space<semaphore_mem>>) src(%dma_wait3A_346 : memref<32x768xf32, #tpu.memory_space<vmem>>) dst(%dma_wait3A_343 : memref<32x768xf32, #tpu.memory_space<hbm>>)
    %parallel_loop3A_347 = arith.constant 0 : i32
    %parallel_loop3A_348 = arith.constant 32 : i32
    %parallel_loop3A_349 = arith.constant 1 : i32
    scf.for %parallel_loop3A_585 = %parallel_loop3A_347 to %parallel_loop3A_348 step %parallel_loop3A_349  : i32 {
      %parallel_loop3A_586 = vector.broadcast %parallel_loop3A_585 : i32 to vector<16xi32>
      %parallel_loop3A_587 = arith.constant 0 : i32
      %parallel_loop3A_588 = arith.constant 48 : i32
      %parallel_loop3A_589 = arith.constant 1 : i32
      scf.for %parallel_loop3A_590 = %parallel_loop3A_587 to %parallel_loop3A_588 step %parallel_loop3A_589  : i32 {
        %parallel_loop3A_591 = arith.constant 16 : i32
        %parallel_loop3A_592 = arith.muli %parallel_loop3A_590, %parallel_loop3A_591 : i32
        %parallel_loop3A_593 = arith.index_cast %parallel_loop3A_592 : i32 to index
        %parallel_loop3A_594 = tpu.vector_load %arg5[%parallel_loop3A_593] {strides = array<i32>} : memref<768xi32, #tpu.memory_space<vmem>>, vector<16xi32>,
        %parallel_loop3A_595 = tpu.vector_load_idx %arg7[%parallel_loop3A_586, %parallel_loop3A_594] : memref<32x768xf32, #tpu.memory_space<vmem>>[vector<16xi32>, vector<16xi32>], vector<16xf32>,
        %parallel_loop3A_596 = arith.constant 16 : i32
        %parallel_loop3A_597 = arith.muli %parallel_loop3A_590, %parallel_loop3A_596 : i32
        %parallel_loop3A_598 = arith.index_cast %parallel_loop3A_585 : i32 to index
        %parallel_loop3A_599 = arith.index_cast %parallel_loop3A_597 : i32 to index
        %parallel_loop3A_600 = tpu.vector_load %arg9[%parallel_loop3A_598, %parallel_loop3A_599] {strides = array<i32>} : memref<32x768xf32, #tpu.memory_space<vmem>>, vector<16xf32>,
        tpu.vector_store %arg9[%parallel_loop3A_598, %parallel_loop3A_599], %parallel_loop3A_595 {strides = array<i32>} : memref<32x768xf32, #tpu.memory_space<vmem>>, vector<16xf32>,
      } {sc.loop_unroll_factor = 8 : i64, sc.parallel_access}
    } {sc.loop_unroll_factor = 1 : i64, sc.parallel_access}
    %dma_start3A_350 = arith.constant 0 : i32
    %dma_start3A_351 = arith.constant 0 : i32
    %dma_start3A_352 = tpu.memref_slice %arg9[%dma_start3A_350, %dma_start3A_351] : memref<32x768xf32, #tpu.memory_space<vmem>> -> memref<32x768xf32, #tpu.memory_space<vmem>>
    %dma_start3A_353 = arith.constant 0 : i32
    %dma_start3A_354 = tpu.memref_slice %arg4[%add3A_18, %dma_start3A_353] : memref<12544x768xf32, #tpu.memory_space<hbm>> -> memref<32x768xf32, #tpu.memory_space<hbm>>
    %dma_start3A_355 = arith.constant 0 : i32
    %dma_start3A_356 = tpu.memref_slice %arg4[%add3A_18, %dma_start3A_355] : memref<12544x768xf32, #tpu.memory_space<hbm>> -> memref<32x768xf32, #tpu.memory_space<hbm>>
    %dma_start3A_357 = arith.constant 0 : i32
    %dma_start3A_358 = arith.constant 0 : i32
    %dma_start3A_359 = tpu.memref_slice %arg9[%dma_start3A_357, %dma_start3A_358] : memref<32x768xf32, #tpu.memory_space<vmem>> -> memref<32x768xf32, #tpu.memory_space<vmem>>
    tpu.enqueue_dma source(%dma_start3A_359 : memref<32x768xf32, #tpu.memory_space<vmem>>) target(%dma_start3A_356 : memref<32x768xf32, #tpu.memory_space<hbm>>) target_semaphore(%arg12 : memref<!tpu.dma_semaphore, #tpu.memory_space<semaphore_mem>>)
    %dma_wait3A_360 = arith.constant 0 : i32
    %dma_wait3A_361 = arith.constant 0 : i32
    %dma_wait3A_362 = tpu.memref_slice %arg6[%dma_wait3A_360, %dma_wait3A_361] : memref<32x768xf32, #tpu.memory_space<vmem>> -> memref<32x768xf32, #tpu.memory_space<vmem>>
    %dma_wait3A_363 = arith.constant 0 : i32
    %dma_wait3A_364 = tpu.memref_slice %arg2[%add3A_20, %dma_wait3A_363] : memref<12544x768xf32, #tpu.memory_space<hbm>> -> memref<32x768xf32, #tpu.memory_space<hbm>>
    %dma_wait3A_365 = arith.constant 0 : i32
    %dma_wait3A_366 = arith.constant 0 : i32
    %dma_wait3A_367 = tpu.memref_slice %arg6[%dma_wait3A_365, %dma_wait3A_366] : memref<32x768xf32, #tpu.memory_space<vmem>> -> memref<32x768xf32, #tpu.memory_space<vmem>>
    %dma_wait3A_368 = arith.constant 0 : i32
    %dma_wait3A_369 = tpu.memref_slice %arg2[%add3A_20, %dma_wait3A_368] : memref<12544x768xf32, #tpu.memory_space<hbm>> -> memref<32x768xf32, #tpu.memory_space<hbm>>
    tpu.wait_dma2 semaphore(%arg10 : memref<!tpu.dma_semaphore, #tpu.memory_space<semaphore_mem>>) src(%dma_wait3A_369 : memref<32x768xf32, #tpu.memory_space<hbm>>) dst(%dma_wait3A_367 : memref<32x768xf32, #tpu.memory_space<vmem>>)
    %dma_start3A_370 = arith.constant 0 : i32
    %dma_start3A_371 = arith.constant 0 : i32
    %dma_start3A_372 = tpu.memref_slice %arg7[%dma_start3A_370, %dma_start3A_371] : memref<32x768xf32, #tpu.memory_space<vmem>> -> memref<32x768xf32, #tpu.memory_space<vmem>>
    %dma_start3A_373 = arith.constant 0 : i32
    %dma_start3A_374 = tpu.memref_slice %arg2[%add3A_22, %dma_start3A_373] : memref<12544x768xf32, #tpu.memory_space<hbm>> -> memref<32x768xf32, #tpu.memory_space<hbm>>
    %dma_start3A_375 = arith.constant 0 : i32
    %dma_start3A_376 = arith.constant 0 : i32
    %dma_start3A_377 = tpu.memref_slice %arg7[%dma_start3A_375, %dma_start3A_376] : memref<32x768xf32, #tpu.memory_space<vmem>> -> memref<32x768xf32, #tpu.memory_space<vmem>>
    %dma_start3A_378 = arith.constant 0 : i32
    %dma_start3A_379 = tpu.memref_slice %arg2[%add3A_22, %dma_start3A_378] : memref<12544x768xf32, #tpu.memory_space<hbm>> -> memref<32x768xf32, #tpu.memory_space<hbm>>
    tpu.enqueue_dma source(%dma_start3A_379 : memref<32x768xf32, #tpu.memory_space<hbm>>) target(%dma_start3A_377 : memref<32x768xf32, #tpu.memory_space<vmem>>) target_semaphore(%arg10 : memref<!tpu.dma_semaphore, #tpu.memory_space<semaphore_mem>>)
    %dma_wait3A_380 = arith.constant 0 : i32
    %dma_wait3A_381 = arith.constant 0 : i32
    %dma_wait3A_382 = tpu.memref_slice %arg8[%dma_wait3A_380, %dma_wait3A_381] : memref<32x768xf32, #tpu.memory_space<vmem>> -> memref<32x768xf32, #tpu.memory_space<vmem>>
    %dma_wait3A_383 = arith.constant 0 : i32
    %dma_wait3A_384 = tpu.memref_slice %arg4[%add3A_16, %dma_wait3A_383] : memref<12544x768xf32, #tpu.memory_space<hbm>> -> memref<32x768xf32, #tpu.memory_space<hbm>>
    %dma_wait3A_385 = arith.constant 0 : i32
    %dma_wait3A_386 = tpu.memref_slice %arg4[%add3A_16, %dma_wait3A_385] : memref<12544x768xf32, #tpu.memory_space<hbm>> -> memref<32x768xf32, #tpu.memory_space<hbm>>
    %dma_wait3A_387 = arith.constant 0 : i32
    %dma_wait3A_388 = arith.constant 0 : i32
    %dma_wait3A_389 = tpu.memref_slice %arg8[%dma_wait3A_387, %dma_wait3A_388] : memref<32x768xf32, #tpu.memory_space<vmem>> -> memref<32x768xf32, #tpu.memory_space<vmem>>
    tpu.wait_dma2 semaphore(%arg11 : memref<!tpu.dma_semaphore, #tpu.memory_space<semaphore_mem>>) src(%dma_wait3A_389 : memref<32x768xf32, #tpu.memory_space<vmem>>) dst(%dma_wait3A_386 : memref<32x768xf32, #tpu.memory_space<hbm>>)
    %parallel_loop3A_390 = arith.constant 0 : i32
    %parallel_loop3A_391 = arith.constant 32 : i32
    %parallel_loop3A_392 = arith.constant 1 : i32
    scf.for %parallel_loop3A_585 = %parallel_loop3A_390 to %parallel_loop3A_391 step %parallel_loop3A_392  : i32 {
      %parallel_loop3A_586 = vector.broadcast %parallel_loop3A_585 : i32 to vector<16xi32>
      %parallel_loop3A_587 = arith.constant 0 : i32
      %parallel_loop3A_588 = arith.constant 48 : i32
      %parallel_loop3A_589 = arith.constant 1 : i32
      scf.for %parallel_loop3A_590 = %parallel_loop3A_587 to %parallel_loop3A_588 step %parallel_loop3A_589  : i32 {
        %parallel_loop3A_591 = arith.constant 16 : i32
        %parallel_loop3A_592 = arith.muli %parallel_loop3A_590, %parallel_loop3A_591 : i32
        %parallel_loop3A_593 = arith.index_cast %parallel_loop3A_592 : i32 to index
        %parallel_loop3A_594 = tpu.vector_load %arg5[%parallel_loop3A_593] {strides = array<i32>} : memref<768xi32, #tpu.memory_space<vmem>>, vector<16xi32>,
        %parallel_loop3A_595 = tpu.vector_load_idx %arg6[%parallel_loop3A_586, %parallel_loop3A_594] : memref<32x768xf32, #tpu.memory_space<vmem>>[vector<16xi32>, vector<16xi32>], vector<16xf32>,
        %parallel_loop3A_596 = arith.constant 16 : i32
        %parallel_loop3A_597 = arith.muli %parallel_loop3A_590, %parallel_loop3A_596 : i32
        %parallel_loop3A_598 = arith.index_cast %parallel_loop3A_585 : i32 to index
        %parallel_loop3A_599 = arith.index_cast %parallel_loop3A_597 : i32 to index
        %parallel_loop3A_600 = tpu.vector_load %arg8[%parallel_loop3A_598, %parallel_loop3A_599] {strides = array<i32>} : memref<32x768xf32, #tpu.memory_space<vmem>>, vector<16xf32>,
        tpu.vector_store %arg8[%parallel_loop3A_598, %parallel_loop3A_599], %parallel_loop3A_595 {strides = array<i32>} : memref<32x768xf32, #tpu.memory_space<vmem>>, vector<16xf32>,
      } {sc.loop_unroll_factor = 8 : i64, sc.parallel_access}
    } {sc.loop_unroll_factor = 1 : i64, sc.parallel_access}
    %dma_start3A_393 = arith.constant 0 : i32
    %dma_start3A_394 = arith.constant 0 : i32
    %dma_start3A_395 = tpu.memref_slice %arg8[%dma_start3A_393, %dma_start3A_394] : memref<32x768xf32, #tpu.memory_space<vmem>> -> memref<32x768xf32, #tpu.memory_space<vmem>>
    %dma_start3A_396 = arith.constant 0 : i32
    %dma_start3A_397 = tpu.memref_slice %arg4[%add3A_20, %dma_start3A_396] : memref<12544x768xf32, #tpu.memory_space<hbm>> -> memref<32x768xf32, #tpu.memory_space<hbm>>
    %dma_start3A_398 = arith.constant 0 : i32
    %dma_start3A_399 = tpu.memref_slice %arg4[%add3A_20, %dma_start3A_398] : memref<12544x768xf32, #tpu.memory_space<hbm>> -> memref<32x768xf32, #tpu.memory_space<hbm>>
    %dma_start3A_400 = arith.constant 0 : i32
    %dma_start3A_401 = arith.constant 0 : i32
    %dma_start3A_402 = tpu.memref_slice %arg8[%dma_start3A_400, %dma_start3A_401] : memref<32x768xf32, #tpu.memory_space<vmem>> -> memref<32x768xf32, #tpu.memory_space<vmem>>
    tpu.enqueue_dma source(%dma_start3A_402 : memref<32x768xf32, #tpu.memory_space<vmem>>) target(%dma_start3A_399 : memref<32x768xf32, #tpu.memory_space<hbm>>) target_semaphore(%arg11 : memref<!tpu.dma_semaphore, #tpu.memory_space<semaphore_mem>>)
    %dma_wait3A_403 = arith.constant 0 : i32
    %dma_wait3A_404 = arith.constant 0 : i32
    %dma_wait3A_405 = tpu.memref_slice %arg7[%dma_wait3A_403, %dma_wait3A_404] : memref<32x768xf32, #tpu.memory_space<vmem>> -> memref<32x768xf32, #tpu.memory_space<vmem>>
    %dma_wait3A_406 = arith.constant 0 : i32
    %dma_wait3A_407 = tpu.memref_slice %arg2[%add3A_22, %dma_wait3A_406] : memref<12544x768xf32, #tpu.memory_space<hbm>> -> memref<32x768xf32, #tpu.memory_space<hbm>>
    %dma_wait3A_408 = arith.constant 0 : i32
    %dma_wait3A_409 = arith.constant 0 : i32
    %dma_wait3A_410 = tpu.memref_slice %arg7[%dma_wait3A_408, %dma_wait3A_409] : memref<32x768xf32, #tpu.memory_space<vmem>> -> memref<32x768xf32, #tpu.memory_space<vmem>>
    %dma_wait3A_411 = arith.constant 0 : i32
    %dma_wait3A_412 = tpu.memref_slice %arg2[%add3A_22, %dma_wait3A_411] : memref<12544x768xf32, #tpu.memory_space<hbm>> -> memref<32x768xf32, #tpu.memory_space<hbm>>
    tpu.wait_dma2 semaphore(%arg10 : memref<!tpu.dma_semaphore, #tpu.memory_space<semaphore_mem>>) src(%dma_wait3A_412 : memref<32x768xf32, #tpu.memory_space<hbm>>) dst(%dma_wait3A_410 : memref<32x768xf32, #tpu.memory_space<vmem>>)
    %dma_start3A_413 = arith.constant 0 : i32
    %dma_start3A_414 = arith.constant 0 : i32
    %dma_start3A_415 = tpu.memref_slice %arg6[%dma_start3A_413, %dma_start3A_414] : memref<32x768xf32, #tpu.memory_space<vmem>> -> memref<32x768xf32, #tpu.memory_space<vmem>>
    %dma_start3A_416 = arith.constant 0 : i32
    %dma_start3A_417 = tpu.memref_slice %arg2[%add3A_24, %dma_start3A_416] : memref<12544x768xf32, #tpu.memory_space<hbm>> -> memref<32x768xf32, #tpu.memory_space<hbm>>
    %dma_start3A_418 = arith.constant 0 : i32
    %dma_start3A_419 = arith.constant 0 : i32
    %dma_start3A_420 = tpu.memref_slice %arg6[%dma_start3A_418, %dma_start3A_419] : memref<32x768xf32, #tpu.memory_space<vmem>> -> memref<32x768xf32, #tpu.memory_space<vmem>>
    %dma_start3A_421 = arith.constant 0 : i32
    %dma_start3A_422 = tpu.memref_slice %arg2[%add3A_24, %dma_start3A_421] : memref<12544x768xf32, #tpu.memory_space<hbm>> -> memref<32x768xf32, #tpu.memory_space<hbm>>
    tpu.enqueue_dma source(%dma_start3A_422 : memref<32x768xf32, #tpu.memory_space<hbm>>) target(%dma_start3A_420 : memref<32x768xf32, #tpu.memory_space<vmem>>) target_semaphore(%arg10 : memref<!tpu.dma_semaphore, #tpu.memory_space<semaphore_mem>>)
    %dma_wait3A_423 = arith.constant 0 : i32
    %dma_wait3A_424 = arith.constant 0 : i32
    %dma_wait3A_425 = tpu.memref_slice %arg9[%dma_wait3A_423, %dma_wait3A_424] : memref<32x768xf32, #tpu.memory_space<vmem>> -> memref<32x768xf32, #tpu.memory_space<vmem>>
    %dma_wait3A_426 = arith.constant 0 : i32
    %dma_wait3A_427 = tpu.memref_slice %arg4[%add3A_18, %dma_wait3A_426] : memref<12544x768xf32, #tpu.memory_space<hbm>> -> memref<32x768xf32, #tpu.memory_space<hbm>>
    %dma_wait3A_428 = arith.constant 0 : i32
    %dma_wait3A_429 = tpu.memref_slice %arg4[%add3A_18, %dma_wait3A_428] : memref<12544x768xf32, #tpu.memory_space<hbm>> -> memref<32x768xf32, #tpu.memory_space<hbm>>
    %dma_wait3A_430 = arith.constant 0 : i32
    %dma_wait3A_431 = arith.constant 0 : i32
    %dma_wait3A_432 = tpu.memref_slice %arg9[%dma_wait3A_430, %dma_wait3A_431] : memref<32x768xf32, #tpu.memory_space<vmem>> -> memref<32x768xf32, #tpu.memory_space<vmem>>
    tpu.wait_dma2 semaphore(%arg12 : memref<!tpu.dma_semaphore, #tpu.memory_space<semaphore_mem>>) src(%dma_wait3A_432 : memref<32x768xf32, #tpu.memory_space<vmem>>) dst(%dma_wait3A_429 : memref<32x768xf32, #tpu.memory_space<hbm>>)
    %parallel_loop3A_433 = arith.constant 0 : i32
    %parallel_loop3A_434 = arith.constant 32 : i32
    %parallel_loop3A_435 = arith.constant 1 : i32
    scf.for %parallel_loop3A_585 = %parallel_loop3A_433 to %parallel_loop3A_434 step %parallel_loop3A_435  : i32 {
      %parallel_loop3A_586 = vector.broadcast %parallel_loop3A_585 : i32 to vector<16xi32>
      %parallel_loop3A_587 = arith.constant 0 : i32
      %parallel_loop3A_588 = arith.constant 48 : i32
      %parallel_loop3A_589 = arith.constant 1 : i32
      scf.for %parallel_loop3A_590 = %parallel_loop3A_587 to %parallel_loop3A_588 step %parallel_loop3A_589  : i32 {
        %parallel_loop3A_591 = arith.constant 16 : i32
        %parallel_loop3A_592 = arith.muli %parallel_loop3A_590, %parallel_loop3A_591 : i32
        %parallel_loop3A_593 = arith.index_cast %parallel_loop3A_592 : i32 to index
        %parallel_loop3A_594 = tpu.vector_load %arg5[%parallel_loop3A_593] {strides = array<i32>} : memref<768xi32, #tpu.memory_space<vmem>>, vector<16xi32>,
        %parallel_loop3A_595 = tpu.vector_load_idx %arg7[%parallel_loop3A_586, %parallel_loop3A_594] : memref<32x768xf32, #tpu.memory_space<vmem>>[vector<16xi32>, vector<16xi32>], vector<16xf32>,
        %parallel_loop3A_596 = arith.constant 16 : i32
        %parallel_loop3A_597 = arith.muli %parallel_loop3A_590, %parallel_loop3A_596 : i32
        %parallel_loop3A_598 = arith.index_cast %parallel_loop3A_585 : i32 to index
        %parallel_loop3A_599 = arith.index_cast %parallel_loop3A_597 : i32 to index
        %parallel_loop3A_600 = tpu.vector_load %arg9[%parallel_loop3A_598, %parallel_loop3A_599] {strides = array<i32>} : memref<32x768xf32, #tpu.memory_space<vmem>>, vector<16xf32>,
        tpu.vector_store %arg9[%parallel_loop3A_598, %parallel_loop3A_599], %parallel_loop3A_595 {strides = array<i32>} : memref<32x768xf32, #tpu.memory_space<vmem>>, vector<16xf32>,
      } {sc.loop_unroll_factor = 8 : i64, sc.parallel_access}
    } {sc.loop_unroll_factor = 1 : i64, sc.parallel_access}
    %dma_start3A_436 = arith.constant 0 : i32
    %dma_start3A_437 = arith.constant 0 : i32
    %dma_start3A_438 = tpu.memref_slice %arg9[%dma_start3A_436, %dma_start3A_437] : memref<32x768xf32, #tpu.memory_space<vmem>> -> memref<32x768xf32, #tpu.memory_space<vmem>>
    %dma_start3A_439 = arith.constant 0 : i32
    %dma_start3A_440 = tpu.memref_slice %arg4[%add3A_22, %dma_start3A_439] : memref<12544x768xf32, #tpu.memory_space<hbm>> -> memref<32x768xf32, #tpu.memory_space<hbm>>
    %dma_start3A_441 = arith.constant 0 : i32
    %dma_start3A_442 = tpu.memref_slice %arg4[%add3A_22, %dma_start3A_441] : memref<12544x768xf32, #tpu.memory_space<hbm>> -> memref<32x768xf32, #tpu.memory_space<hbm>>
    %dma_start3A_443 = arith.constant 0 : i32
    %dma_start3A_444 = arith.constant 0 : i32
    %dma_start3A_445 = tpu.memref_slice %arg9[%dma_start3A_443, %dma_start3A_444] : memref<32x768xf32, #tpu.memory_space<vmem>> -> memref<32x768xf32, #tpu.memory_space<vmem>>
    tpu.enqueue_dma source(%dma_start3A_445 : memref<32x768xf32, #tpu.memory_space<vmem>>) target(%dma_start3A_442 : memref<32x768xf32, #tpu.memory_space<hbm>>) target_semaphore(%arg12 : memref<!tpu.dma_semaphore, #tpu.memory_space<semaphore_mem>>)
    %dma_wait3A_446 = arith.constant 0 : i32
    %dma_wait3A_447 = arith.constant 0 : i32
    %dma_wait3A_448 = tpu.memref_slice %arg6[%dma_wait3A_446, %dma_wait3A_447] : memref<32x768xf32, #tpu.memory_space<vmem>> -> memref<32x768xf32, #tpu.memory_space<vmem>>
    %dma_wait3A_449 = arith.constant 0 : i32
    %dma_wait3A_450 = tpu.memref_slice %arg2[%add3A_24, %dma_wait3A_449] : memref<12544x768xf32, #tpu.memory_space<hbm>> -> memref<32x768xf32, #tpu.memory_space<hbm>>
    %dma_wait3A_451 = arith.constant 0 : i32
    %dma_wait3A_452 = arith.constant 0 : i32
    %dma_wait3A_453 = tpu.memref_slice %arg6[%dma_wait3A_451, %dma_wait3A_452] : memref<32x768xf32, #tpu.memory_space<vmem>> -> memref<32x768xf32, #tpu.memory_space<vmem>>
    %dma_wait3A_454 = arith.constant 0 : i32
    %dma_wait3A_455 = tpu.memref_slice %arg2[%add3A_24, %dma_wait3A_454] : memref<12544x768xf32, #tpu.memory_space<hbm>> -> memref<32x768xf32, #tpu.memory_space<hbm>>
    tpu.wait_dma2 semaphore(%arg10 : memref<!tpu.dma_semaphore, #tpu.memory_space<semaphore_mem>>) src(%dma_wait3A_455 : memref<32x768xf32, #tpu.memory_space<hbm>>) dst(%dma_wait3A_453 : memref<32x768xf32, #tpu.memory_space<vmem>>)
    %dma_start3A_456 = arith.constant 0 : i32
    %dma_start3A_457 = arith.constant 0 : i32
    %dma_start3A_458 = tpu.memref_slice %arg7[%dma_start3A_456, %dma_start3A_457] : memref<32x768xf32, #tpu.memory_space<vmem>> -> memref<32x768xf32, #tpu.memory_space<vmem>>
    %dma_start3A_459 = arith.constant 0 : i32
    %dma_start3A_460 = tpu.memref_slice %arg2[%add3A_26, %dma_start3A_459] : memref<12544x768xf32, #tpu.memory_space<hbm>> -> memref<32x768xf32, #tpu.memory_space<hbm>>
    %dma_start3A_461 = arith.constant 0 : i32
    %dma_start3A_462 = arith.constant 0 : i32
    %dma_start3A_463 = tpu.memref_slice %arg7[%dma_start3A_461, %dma_start3A_462] : memref<32x768xf32, #tpu.memory_space<vmem>> -> memref<32x768xf32, #tpu.memory_space<vmem>>
    %dma_start3A_464 = arith.constant 0 : i32
    %dma_start3A_465 = tpu.memref_slice %arg2[%add3A_26, %dma_start3A_464] : memref<12544x768xf32, #tpu.memory_space<hbm>> -> memref<32x768xf32, #tpu.memory_space<hbm>>
    tpu.enqueue_dma source(%dma_start3A_465 : memref<32x768xf32, #tpu.memory_space<hbm>>) target(%dma_start3A_463 : memref<32x768xf32, #tpu.memory_space<vmem>>) target_semaphore(%arg10 : memref<!tpu.dma_semaphore, #tpu.memory_space<semaphore_mem>>)
    %dma_wait3A_466 = arith.constant 0 : i32
    %dma_wait3A_467 = arith.constant 0 : i32
    %dma_wait3A_468 = tpu.memref_slice %arg8[%dma_wait3A_466, %dma_wait3A_467] : memref<32x768xf32, #tpu.memory_space<vmem>> -> memref<32x768xf32, #tpu.memory_space<vmem>>
    %dma_wait3A_469 = arith.constant 0 : i32
    %dma_wait3A_470 = tpu.memref_slice %arg4[%add3A_20, %dma_wait3A_469] : memref<12544x768xf32, #tpu.memory_space<hbm>> -> memref<32x768xf32, #tpu.memory_space<hbm>>
    %dma_wait3A_471 = arith.constant 0 : i32
    %dma_wait3A_472 = tpu.memref_slice %arg4[%add3A_20, %dma_wait3A_471] : memref<12544x768xf32, #tpu.memory_space<hbm>> -> memref<32x768xf32, #tpu.memory_space<hbm>>
    %dma_wait3A_473 = arith.constant 0 : i32
    %dma_wait3A_474 = arith.constant 0 : i32
    %dma_wait3A_475 = tpu.memref_slice %arg8[%dma_wait3A_473, %dma_wait3A_474] : memref<32x768xf32, #tpu.memory_space<vmem>> -> memref<32x768xf32, #tpu.memory_space<vmem>>
    tpu.wait_dma2 semaphore(%arg11 : memref<!tpu.dma_semaphore, #tpu.memory_space<semaphore_mem>>) src(%dma_wait3A_475 : memref<32x768xf32, #tpu.memory_space<vmem>>) dst(%dma_wait3A_472 : memref<32x768xf32, #tpu.memory_space<hbm>>)
    %parallel_loop3A_476 = arith.constant 0 : i32
    %parallel_loop3A_477 = arith.constant 32 : i32
    %parallel_loop3A_478 = arith.constant 1 : i32
    scf.for %parallel_loop3A_585 = %parallel_loop3A_476 to %parallel_loop3A_477 step %parallel_loop3A_478  : i32 {
      %parallel_loop3A_586 = vector.broadcast %parallel_loop3A_585 : i32 to vector<16xi32>
      %parallel_loop3A_587 = arith.constant 0 : i32
      %parallel_loop3A_588 = arith.constant 48 : i32
      %parallel_loop3A_589 = arith.constant 1 : i32
      scf.for %parallel_loop3A_590 = %parallel_loop3A_587 to %parallel_loop3A_588 step %parallel_loop3A_589  : i32 {
        %parallel_loop3A_591 = arith.constant 16 : i32
        %parallel_loop3A_592 = arith.muli %parallel_loop3A_590, %parallel_loop3A_591 : i32
        %parallel_loop3A_593 = arith.index_cast %parallel_loop3A_592 : i32 to index
        %parallel_loop3A_594 = tpu.vector_load %arg5[%parallel_loop3A_593] {strides = array<i32>} : memref<768xi32, #tpu.memory_space<vmem>>, vector<16xi32>,
        %parallel_loop3A_595 = tpu.vector_load_idx %arg6[%parallel_loop3A_586, %parallel_loop3A_594] : memref<32x768xf32, #tpu.memory_space<vmem>>[vector<16xi32>, vector<16xi32>], vector<16xf32>,
        %parallel_loop3A_596 = arith.constant 16 : i32
        %parallel_loop3A_597 = arith.muli %parallel_loop3A_590, %parallel_loop3A_596 : i32
        %parallel_loop3A_598 = arith.index_cast %parallel_loop3A_585 : i32 to index
        %parallel_loop3A_599 = arith.index_cast %parallel_loop3A_597 : i32 to index
        %parallel_loop3A_600 = tpu.vector_load %arg8[%parallel_loop3A_598, %parallel_loop3A_599] {strides = array<i32>} : memref<32x768xf32, #tpu.memory_space<vmem>>, vector<16xf32>,
        tpu.vector_store %arg8[%parallel_loop3A_598, %parallel_loop3A_599], %parallel_loop3A_595 {strides = array<i32>} : memref<32x768xf32, #tpu.memory_space<vmem>>, vector<16xf32>,
      } {sc.loop_unroll_factor = 8 : i64, sc.parallel_access}
    } {sc.loop_unroll_factor = 1 : i64, sc.parallel_access}
    %dma_start3A_479 = arith.constant 0 : i32
    %dma_start3A_480 = arith.constant 0 : i32
    %dma_start3A_481 = tpu.memref_slice %arg8[%dma_start3A_479, %dma_start3A_480] : memref<32x768xf32, #tpu.memory_space<vmem>> -> memref<32x768xf32, #tpu.memory_space<vmem>>
    %dma_start3A_482 = arith.constant 0 : i32
    %dma_start3A_483 = tpu.memref_slice %arg4[%add3A_24, %dma_start3A_482] : memref<12544x768xf32, #tpu.memory_space<hbm>> -> memref<32x768xf32, #tpu.memory_space<hbm>>
    %dma_start3A_484 = arith.constant 0 : i32
    %dma_start3A_485 = tpu.memref_slice %arg4[%add3A_24, %dma_start3A_484] : memref<12544x768xf32, #tpu.memory_space<hbm>> -> memref<32x768xf32, #tpu.memory_space<hbm>>
    %dma_start3A_486 = arith.constant 0 : i32
    %dma_start3A_487 = arith.constant 0 : i32
    %dma_start3A_488 = tpu.memref_slice %arg8[%dma_start3A_486, %dma_start3A_487] : memref<32x768xf32, #tpu.memory_space<vmem>> -> memref<32x768xf32, #tpu.memory_space<vmem>>
    tpu.enqueue_dma source(%dma_start3A_488 : memref<32x768xf32, #tpu.memory_space<vmem>>) target(%dma_start3A_485 : memref<32x768xf32, #tpu.memory_space<hbm>>) target_semaphore(%arg11 : memref<!tpu.dma_semaphore, #tpu.memory_space<semaphore_mem>>)
    %dma_wait3A_489 = arith.constant 0 : i32
    %dma_wait3A_490 = arith.constant 0 : i32
    %dma_wait3A_491 = tpu.memref_slice %arg7[%dma_wait3A_489, %dma_wait3A_490] : memref<32x768xf32, #tpu.memory_space<vmem>> -> memref<32x768xf32, #tpu.memory_space<vmem>>
    %dma_wait3A_492 = arith.constant 0 : i32
    %dma_wait3A_493 = tpu.memref_slice %arg2[%add3A_26, %dma_wait3A_492] : memref<12544x768xf32, #tpu.memory_space<hbm>> -> memref<32x768xf32, #tpu.memory_space<hbm>>
    %dma_wait3A_494 = arith.constant 0 : i32
    %dma_wait3A_495 = arith.constant 0 : i32
    %dma_wait3A_496 = tpu.memref_slice %arg7[%dma_wait3A_494, %dma_wait3A_495] : memref<32x768xf32, #tpu.memory_space<vmem>> -> memref<32x768xf32, #tpu.memory_space<vmem>>
    %dma_wait3A_497 = arith.constant 0 : i32
    %dma_wait3A_498 = tpu.memref_slice %arg2[%add3A_26, %dma_wait3A_497] : memref<12544x768xf32, #tpu.memory_space<hbm>> -> memref<32x768xf32, #tpu.memory_space<hbm>>
    tpu.wait_dma2 semaphore(%arg10 : memref<!tpu.dma_semaphore, #tpu.memory_space<semaphore_mem>>) src(%dma_wait3A_498 : memref<32x768xf32, #tpu.memory_space<hbm>>) dst(%dma_wait3A_496 : memref<32x768xf32, #tpu.memory_space<vmem>>)
    %dma_start3A_499 = arith.constant 0 : i32
    %dma_start3A_500 = arith.constant 0 : i32
    %dma_start3A_501 = tpu.memref_slice %arg6[%dma_start3A_499, %dma_start3A_500] : memref<32x768xf32, #tpu.memory_space<vmem>> -> memref<8x768xf32, #tpu.memory_space<vmem>>
    %dma_start3A_502 = arith.constant 0 : i32
    %dma_start3A_503 = tpu.memref_slice %arg2[%add3A_28, %dma_start3A_502] : memref<12544x768xf32, #tpu.memory_space<hbm>> -> memref<8x768xf32, #tpu.memory_space<hbm>>
    %dma_start3A_504 = arith.constant 0 : i32
    %dma_start3A_505 = arith.constant 0 : i32
    %dma_start3A_506 = tpu.memref_slice %arg6[%dma_start3A_504, %dma_start3A_505] : memref<32x768xf32, #tpu.memory_space<vmem>> -> memref<8x768xf32, #tpu.memory_space<vmem>>
    %dma_start3A_507 = arith.constant 0 : i32
    %dma_start3A_508 = tpu.memref_slice %arg2[%add3A_28, %dma_start3A_507] : memref<12544x768xf32, #tpu.memory_space<hbm>> -> memref<8x768xf32, #tpu.memory_space<hbm>>
    tpu.enqueue_dma source(%dma_start3A_508 : memref<8x768xf32, #tpu.memory_space<hbm>>) target(%dma_start3A_506 : memref<8x768xf32, #tpu.memory_space<vmem>>) target_semaphore(%arg10 : memref<!tpu.dma_semaphore, #tpu.memory_space<semaphore_mem>>)
    %dma_wait3A_509 = arith.constant 0 : i32
    %dma_wait3A_510 = arith.constant 0 : i32
    %dma_wait3A_511 = tpu.memref_slice %arg9[%dma_wait3A_509, %dma_wait3A_510] : memref<32x768xf32, #tpu.memory_space<vmem>> -> memref<32x768xf32, #tpu.memory_space<vmem>>
    %dma_wait3A_512 = arith.constant 0 : i32
    %dma_wait3A_513 = tpu.memref_slice %arg4[%add3A_22, %dma_wait3A_512] : memref<12544x768xf32, #tpu.memory_space<hbm>> -> memref<32x768xf32, #tpu.memory_space<hbm>>
    %dma_wait3A_514 = arith.constant 0 : i32
    %dma_wait3A_515 = tpu.memref_slice %arg4[%add3A_22, %dma_wait3A_514] : memref<12544x768xf32, #tpu.memory_space<hbm>> -> memref<32x768xf32, #tpu.memory_space<hbm>>
    %dma_wait3A_516 = arith.constant 0 : i32
    %dma_wait3A_517 = arith.constant 0 : i32
    %dma_wait3A_518 = tpu.memref_slice %arg9[%dma_wait3A_516, %dma_wait3A_517] : memref<32x768xf32, #tpu.memory_space<vmem>> -> memref<32x768xf32, #tpu.memory_space<vmem>>
    tpu.wait_dma2 semaphore(%arg12 : memref<!tpu.dma_semaphore, #tpu.memory_space<semaphore_mem>>) src(%dma_wait3A_518 : memref<32x768xf32, #tpu.memory_space<vmem>>) dst(%dma_wait3A_515 : memref<32x768xf32, #tpu.memory_space<hbm>>)
    %parallel_loop3A_519 = arith.constant 0 : i32
    %parallel_loop3A_520 = arith.constant 32 : i32
    %parallel_loop3A_521 = arith.constant 1 : i32
    scf.for %parallel_loop3A_585 = %parallel_loop3A_519 to %parallel_loop3A_520 step %parallel_loop3A_521  : i32 {
      %parallel_loop3A_586 = vector.broadcast %parallel_loop3A_585 : i32 to vector<16xi32>
      %parallel_loop3A_587 = arith.constant 0 : i32
      %parallel_loop3A_588 = arith.constant 48 : i32
      %parallel_loop3A_589 = arith.constant 1 : i32
      scf.for %parallel_loop3A_590 = %parallel_loop3A_587 to %parallel_loop3A_588 step %parallel_loop3A_589  : i32 {
        %parallel_loop3A_591 = arith.constant 16 : i32
        %parallel_loop3A_592 = arith.muli %parallel_loop3A_590, %parallel_loop3A_591 : i32
        %parallel_loop3A_593 = arith.index_cast %parallel_loop3A_592 : i32 to index
        %parallel_loop3A_594 = tpu.vector_load %arg5[%parallel_loop3A_593] {strides = array<i32>} : memref<768xi32, #tpu.memory_space<vmem>>, vector<16xi32>,
        %parallel_loop3A_595 = tpu.vector_load_idx %arg7[%parallel_loop3A_586, %parallel_loop3A_594] : memref<32x768xf32, #tpu.memory_space<vmem>>[vector<16xi32>, vector<16xi32>], vector<16xf32>,
        %parallel_loop3A_596 = arith.constant 16 : i32
        %parallel_loop3A_597 = arith.muli %parallel_loop3A_590, %parallel_loop3A_596 : i32
        %parallel_loop3A_598 = arith.index_cast %parallel_loop3A_585 : i32 to index
        %parallel_loop3A_599 = arith.index_cast %parallel_loop3A_597 : i32 to index
        %parallel_loop3A_600 = tpu.vector_load %arg9[%parallel_loop3A_598, %parallel_loop3A_599] {strides = array<i32>} : memref<32x768xf32, #tpu.memory_space<vmem>>, vector<16xf32>,
        tpu.vector_store %arg9[%parallel_loop3A_598, %parallel_loop3A_599], %parallel_loop3A_595 {strides = array<i32>} : memref<32x768xf32, #tpu.memory_space<vmem>>, vector<16xf32>,
      } {sc.loop_unroll_factor = 8 : i64, sc.parallel_access}
    } {sc.loop_unroll_factor = 1 : i64, sc.parallel_access}
    %dma_start3A_522 = arith.constant 0 : i32
    %dma_start3A_523 = arith.constant 0 : i32
    %dma_start3A_524 = tpu.memref_slice %arg9[%dma_start3A_522, %dma_start3A_523] : memref<32x768xf32, #tpu.memory_space<vmem>> -> memref<32x768xf32, #tpu.memory_space<vmem>>
    %dma_start3A_525 = arith.constant 0 : i32
    %dma_start3A_526 = tpu.memref_slice %arg4[%add3A_26, %dma_start3A_525] : memref<12544x768xf32, #tpu.memory_space<hbm>> -> memref<32x768xf32, #tpu.memory_space<hbm>>
    %dma_start3A_527 = arith.constant 0 : i32
    %dma_start3A_528 = tpu.memref_slice %arg4[%add3A_26, %dma_start3A_527] : memref<12544x768xf32, #tpu.memory_space<hbm>> -> memref<32x768xf32, #tpu.memory_space<hbm>>
    %dma_start3A_529 = arith.constant 0 : i32
    %dma_start3A_530 = arith.constant 0 : i32
    %dma_start3A_531 = tpu.memref_slice %arg9[%dma_start3A_529, %dma_start3A_530] : memref<32x768xf32, #tpu.memory_space<vmem>> -> memref<32x768xf32, #tpu.memory_space<vmem>>
    tpu.enqueue_dma source(%dma_start3A_531 : memref<32x768xf32, #tpu.memory_space<vmem>>) target(%dma_start3A_528 : memref<32x768xf32, #tpu.memory_space<hbm>>) target_semaphore(%arg12 : memref<!tpu.dma_semaphore, #tpu.memory_space<semaphore_mem>>)
    %dma_wait3A_532 = arith.constant 0 : i32
    %dma_wait3A_533 = arith.constant 0 : i32
    %dma_wait3A_534 = tpu.memref_slice %arg6[%dma_wait3A_532, %dma_wait3A_533] : memref<32x768xf32, #tpu.memory_space<vmem>> -> memref<8x768xf32, #tpu.memory_space<vmem>>
    %dma_wait3A_535 = arith.constant 0 : i32
    %dma_wait3A_536 = tpu.memref_slice %arg2[%add3A_28, %dma_wait3A_535] : memref<12544x768xf32, #tpu.memory_space<hbm>> -> memref<8x768xf32, #tpu.memory_space<hbm>>
    %dma_wait3A_537 = arith.constant 0 : i32
    %dma_wait3A_538 = arith.constant 0 : i32
    %dma_wait3A_539 = tpu.memref_slice %arg6[%dma_wait3A_537, %dma_wait3A_538] : memref<32x768xf32, #tpu.memory_space<vmem>> -> memref<8x768xf32, #tpu.memory_space<vmem>>
    %dma_wait3A_540 = arith.constant 0 : i32
    %dma_wait3A_541 = tpu.memref_slice %arg2[%add3A_28, %dma_wait3A_540] : memref<12544x768xf32, #tpu.memory_space<hbm>> -> memref<8x768xf32, #tpu.memory_space<hbm>>
    tpu.wait_dma2 semaphore(%arg10 : memref<!tpu.dma_semaphore, #tpu.memory_space<semaphore_mem>>) src(%dma_wait3A_541 : memref<8x768xf32, #tpu.memory_space<hbm>>) dst(%dma_wait3A_539 : memref<8x768xf32, #tpu.memory_space<vmem>>)
    %dma_wait3A_542 = arith.constant 0 : i32
    %dma_wait3A_543 = arith.constant 0 : i32
    %dma_wait3A_544 = tpu.memref_slice %arg8[%dma_wait3A_542, %dma_wait3A_543] : memref<32x768xf32, #tpu.memory_space<vmem>> -> memref<32x768xf32, #tpu.memory_space<vmem>>
    %dma_wait3A_545 = arith.constant 0 : i32
    %dma_wait3A_546 = tpu.memref_slice %arg4[%add3A_24, %dma_wait3A_545] : memref<12544x768xf32, #tpu.memory_space<hbm>> -> memref<32x768xf32, #tpu.memory_space<hbm>>
    %dma_wait3A_547 = arith.constant 0 : i32
    %dma_wait3A_548 = tpu.memref_slice %arg4[%add3A_24, %dma_wait3A_547] : memref<12544x768xf32, #tpu.memory_space<hbm>> -> memref<32x768xf32, #tpu.memory_space<hbm>>
    %dma_wait3A_549 = arith.constant 0 : i32
    %dma_wait3A_550 = arith.constant 0 : i32
    %dma_wait3A_551 = tpu.memref_slice %arg8[%dma_wait3A_549, %dma_wait3A_550] : memref<32x768xf32, #tpu.memory_space<vmem>> -> memref<32x768xf32, #tpu.memory_space<vmem>>
    tpu.wait_dma2 semaphore(%arg11 : memref<!tpu.dma_semaphore, #tpu.memory_space<semaphore_mem>>) src(%dma_wait3A_551 : memref<32x768xf32, #tpu.memory_space<vmem>>) dst(%dma_wait3A_548 : memref<32x768xf32, #tpu.memory_space<hbm>>)
    %parallel_loop3A_552 = arith.constant 0 : i32
    %parallel_loop3A_553 = arith.constant 8 : i32
    %parallel_loop3A_554 = arith.constant 1 : i32
    scf.for %parallel_loop3A_585 = %parallel_loop3A_552 to %parallel_loop3A_553 step %parallel_loop3A_554  : i32 {
      %parallel_loop3A_586 = vector.broadcast %parallel_loop3A_585 : i32 to vector<16xi32>
      %parallel_loop3A_587 = arith.constant 0 : i32
      %parallel_loop3A_588 = arith.constant 48 : i32
      %parallel_loop3A_589 = arith.constant 1 : i32
      scf.for %parallel_loop3A_590 = %parallel_loop3A_587 to %parallel_loop3A_588 step %parallel_loop3A_589  : i32 {
        %parallel_loop3A_591 = arith.constant 16 : i32
        %parallel_loop3A_592 = arith.muli %parallel_loop3A_590, %parallel_loop3A_591 : i32
        %parallel_loop3A_593 = arith.index_cast %parallel_loop3A_592 : i32 to index
        %parallel_loop3A_594 = tpu.vector_load %arg5[%parallel_loop3A_593] {strides = array<i32>} : memref<768xi32, #tpu.memory_space<vmem>>, vector<16xi32>,
        %parallel_loop3A_595 = tpu.vector_load_idx %arg6[%parallel_loop3A_586, %parallel_loop3A_594] : memref<32x768xf32, #tpu.memory_space<vmem>>[vector<16xi32>, vector<16xi32>], vector<16xf32>,
        %parallel_loop3A_596 = arith.constant 16 : i32
        %parallel_loop3A_597 = arith.muli %parallel_loop3A_590, %parallel_loop3A_596 : i32
        %parallel_loop3A_598 = arith.index_cast %parallel_loop3A_585 : i32 to index
        %parallel_loop3A_599 = arith.index_cast %parallel_loop3A_597 : i32 to index
        %parallel_loop3A_600 = tpu.vector_load %arg8[%parallel_loop3A_598, %parallel_loop3A_599] {strides = array<i32>} : memref<32x768xf32, #tpu.memory_space<vmem>>, vector<16xf32>,
        tpu.vector_store %arg8[%parallel_loop3A_598, %parallel_loop3A_599], %parallel_loop3A_595 {strides = array<i32>} : memref<32x768xf32, #tpu.memory_space<vmem>>, vector<16xf32>,
      } {sc.loop_unroll_factor = 8 : i64, sc.parallel_access}
    } {sc.loop_unroll_factor = 1 : i64, sc.parallel_access}
    %dma_start3A_555 = arith.constant 0 : i32
    %dma_start3A_556 = arith.constant 0 : i32
    %dma_start3A_557 = tpu.memref_slice %arg8[%dma_start3A_555, %dma_start3A_556] : memref<32x768xf32, #tpu.memory_space<vmem>> -> memref<8x768xf32, #tpu.memory_space<vmem>>
    %dma_start3A_558 = arith.constant 0 : i32
    %dma_start3A_559 = tpu.memref_slice %arg4[%add3A_28, %dma_start3A_558] : memref<12544x768xf32, #tpu.memory_space<hbm>> -> memref<8x768xf32, #tpu.memory_space<hbm>>
    %dma_start3A_560 = arith.constant 0 : i32
    %dma_start3A_561 = tpu.memref_slice %arg4[%add3A_28, %dma_start3A_560] : memref<12544x768xf32, #tpu.memory_space<hbm>> -> memref<8x768xf32, #tpu.memory_space<hbm>>
    %dma_start3A_562 = arith.constant 0 : i32
    %dma_start3A_563 = arith.constant 0 : i32
    %dma_start3A_564 = tpu.memref_slice %arg8[%dma_start3A_562, %dma_start3A_563] : memref<32x768xf32, #tpu.memory_space<vmem>> -> memref<8x768xf32, #tpu.memory_space<vmem>>
    tpu.enqueue_dma source(%dma_start3A_564 : memref<8x768xf32, #tpu.memory_space<vmem>>) target(%dma_start3A_561 : memref<8x768xf32, #tpu.memory_space<hbm>>) target_semaphore(%arg11 : memref<!tpu.dma_semaphore, #tpu.memory_space<semaphore_mem>>)
    %dma_wait3A_565 = arith.constant 0 : i32
    %dma_wait3A_566 = arith.constant 0 : i32
    %dma_wait3A_567 = tpu.memref_slice %arg8[%dma_wait3A_565, %dma_wait3A_566] : memref<32x768xf32, #tpu.memory_space<vmem>> -> memref<8x768xf32, #tpu.memory_space<vmem>>
    %dma_wait3A_568 = arith.constant 0 : i32
    %dma_wait3A_569 = tpu.memref_slice %arg4[%add3A_28, %dma_wait3A_568] : memref<12544x768xf32, #tpu.memory_space<hbm>> -> memref<8x768xf32, #tpu.memory_space<hbm>>
    %dma_wait3A_570 = arith.constant 0 : i32
    %dma_wait3A_571 = tpu.memref_slice %arg4[%add3A_28, %dma_wait3A_570] : memref<12544x768xf32, #tpu.memory_space<hbm>> -> memref<8x768xf32, #tpu.memory_space<hbm>>
    %dma_wait3A_572 = arith.constant 0 : i32
    %dma_wait3A_573 = arith.constant 0 : i32
    %dma_wait3A_574 = tpu.memref_slice %arg8[%dma_wait3A_572, %dma_wait3A_573] : memref<32x768xf32, #tpu.memory_space<vmem>> -> memref<8x768xf32, #tpu.memory_space<vmem>>
    tpu.wait_dma2 semaphore(%arg11 : memref<!tpu.dma_semaphore, #tpu.memory_space<semaphore_mem>>) src(%dma_wait3A_574 : memref<8x768xf32, #tpu.memory_space<vmem>>) dst(%dma_wait3A_571 : memref<8x768xf32, #tpu.memory_space<hbm>>)
    %dma_wait3A_575 = arith.constant 0 : i32
    %dma_wait3A_576 = arith.constant 0 : i32
    %dma_wait3A_577 = tpu.memref_slice %arg9[%dma_wait3A_575, %dma_wait3A_576] : memref<32x768xf32, #tpu.memory_space<vmem>> -> memref<32x768xf32, #tpu.memory_space<vmem>>
    %dma_wait3A_578 = arith.constant 0 : i32
    %dma_wait3A_579 = tpu.memref_slice %arg4[%add3A_26, %dma_wait3A_578] : memref<12544x768xf32, #tpu.memory_space<hbm>> -> memref<32x768xf32, #tpu.memory_space<hbm>>
    %dma_wait3A_580 = arith.constant 0 : i32
    %dma_wait3A_581 = tpu.memref_slice %arg4[%add3A_26, %dma_wait3A_580] : memref<12544x768xf32, #tpu.memory_space<hbm>> -> memref<32x768xf32, #tpu.memory_space<hbm>>
    %dma_wait3A_582 = arith.constant 0 : i32
    %dma_wait3A_583 = arith.constant 0 : i32
    %dma_wait3A_584 = tpu.memref_slice %arg9[%dma_wait3A_582, %dma_wait3A_583] : memref<32x768xf32, #tpu.memory_space<vmem>> -> memref<32x768xf32, #tpu.memory_space<vmem>>
    tpu.wait_dma2 semaphore(%arg12 : memref<!tpu.dma_semaphore, #tpu.memory_space<semaphore_mem>>) src(%dma_wait3A_584 : memref<32x768xf32, #tpu.memory_space<vmem>>) dst(%dma_wait3A_581 : memref<32x768xf32, #tpu.memory_space<hbm>>)
    return
  }
}

</mosaic_0001>

<sc_bundles>
// kernel: kernel.3.cloned.1.call-start
scs
__scs_entry_jumppad:
0x0: {  	(pc) =	sbr.rel $0x88, $3  }
0x1: {  	(tag) =	ssettag $0x0;
	lr =	simm.s32 $0x1  }
0x2: {  	[smem:$0x3FA0] =	sst lr;
	_ =	strace $0xD0000000  }
0x3: {  	_ = 	snop  }
0x4: {  	_ = 	snop  }
0x5: {  	_ = 	snop  }
0x6: {  	_ = 	snop  }
0x7: {  	_ = 	snop  }
__scs_overlays_trampoline_lowered:
0x8: {  	[smem:$0x3FAF] =	sst s0  }
0x9: {  	[smem:$0x3FB0] =	sst s1  }
0xa: {  	[smem:$0x3FB1] =	sst s2  }
0xb: {  	[smem:$0x3FB2] =	sst s3  }
0xc: {  	[smem:$0x3FB3] =	sst s4  }
0xd: {  	[smem:$0x3FB4] =	sst s5  }
0xe: {  	[smem:$0x3FB5] =	sst s6  }
0xf: {  	[smem:$0x3FB6] =	sst s7  }
0x10: {  	[smem:$0x3FB7] =	sst s8  }
0x11: {  	[smem:$0x3FB8] =	sst s9;
	s0 =	simm.s32 @!p0 $0x0  }
0x12: {  	s1 =	sld [smem:$0x3F9E];
	s0 =	simm.s32 @p0 $0x1  }
0x13: {  	[smem:$0x3FB9] =	sst s0;
	s0 =	simm.s32 @!p1 $0x0  }
0x14: {  	s2 =	sld [smem:$0x3F9D];
	s0 =	simm.s32 @p1 $0x1  }
0x15: {  	[smem:$0x3FBA] =	sst s0;
	s0 =	simm.s32 @!p2 $0x0  }
0x16: {  	s3 =	sld [smem:$0x3FDB];
	s0 =	simm.s32 @p2 $0x1  }
0x17: {  	s4 =	simm.s32 $0x1BF5;
	[smem:$0x3FBC] =	sst s0  }
0x18: {  	s0 =	sld [smem:$0x3F9F];
	_ =	swait.ge [sflag:s4], $0x0  }
0x19: {  	s7 =	sld [smem:$0x3FA0]  }
0x1a: {  	s8 =	sadd.s32 $0xFFFFE003, lr  }
0x1b: {  	s9 =	sadd.s32 $0xFFFFFEF7, lr;
	s5 =	simm.s32 $0xFFFFFFFF;
	p2 =	slt.u32 s8, $0xFFFFF086  }
0x1c: {  	p1 =	slt.u32 s9, $0xF7A;
	s5 =	simm.s32 @!p2 $0x0  }
0x1d: {  	s5 =	simm.s32 @p1 $0x1;
	p0 =	seq.s32 s7, s2  }
0x1e: {  	s7 =	smul.u32 @!p0 $0xF7A, s2;
	p2 =	seq.s32 @!p0 s5, $0x0  }
0x1f: {  	s9 =	smul.u32 $0xF7A, s1;
	s8 =	simm.s32 @!p0 $0x1BF5;
	p2 =	por !p2, p0  }
0x20: {  	[sflag:s8] =	ssyncset.s32 @!p0 $0xFFFFF086;
	s6 =	sadd.s32 @!p0 s3, s7;
	s7 =	simm.s32 @!p0 $0x108  }
0x21: {  	s3 =	sadd.s32 s3, s9;
	s6 =	sadd.s32 @!p0 $0x88, s6;
	s7 =	simm.s32 @p2 $0x1082  }
0x22: {  	[simem:s7], [sflag:s8] =	dma.local @!p0 [hbm:s6], $0xF7A  }
0x23: {  	s9 =	sor.u32 $0xD0000000, s2;
	s6 =	simm.s32 $0x108;
	_ =	swait.ge @!p0 [sflag:s8], $0x0  }
0x24: {  	s3 =	sadd.s32 $0x88, s3;
	s6 =	simm.s32 @!p1 $0x1082;
	[sflag:s4] =	ssyncset.s32 $0xFFFFF086  }
0x25: {  	[simem:s6], [sflag:s4] =	dma.local [hbm:s3], $0xF7A  }
0x26: {  	[smem:$0x3FA0] =	sst s1;
	(tag) =	ssettag s2;
	_ =	strace s9  }
0x27: {  	s1 =	sld [smem:$0x3FB0]  }
0x28: {  	s2 =	sld [smem:$0x3FB1]  }
0x29: {  	s4 =	sld [smem:$0x3FB3]  }
0x2a: {  	p0 =	seq.s32 s5, $0x0;
	s5 =	sld [smem:$0x3FB4]  }
0x2b: {  	s6 =	sld [smem:$0x3FB5]  }
0x2c: {  	s7 =	sld [smem:$0x3FB6]  }
0x2d: {  	s3 =	simm.s32 $0x108;
	s8 =	sld [smem:$0x3FB7]  }
0x2e: {  	s3 =	simm.s32 @!p0 $0x1082;
	s9 =	sld [smem:$0x3FB8]  }
0x2f: {  	lr =	sadd.s32 s0, s3;
	s0 =	sld [smem:$0x3FAF]  }
0x30: {  	s3 =	sld [smem:$0x3FB2]  }
0x31: {  	[smem:$0x3FBB] =	sst s10  }
0x32: {  	s10 =	sld [smem:$0x3FB9];
	_ =	sdelay $0x3  }
0x33: {  	p0 =	seq.s32 s10, $0x1;
	s10 =	sld [smem:$0x3FBB];
	_ =	sdelay $0x3  }
0x34: {  	[smem:$0x3FBB] =	sst s10  }
0x35: {  	s10 =	sld [smem:$0x3FBA];
	_ =	sdelay $0x3  }
0x36: {  	p1 =	seq.s32 s10, $0x1;
	s10 =	sld [smem:$0x3FBB];
	_ =	sdelay $0x3  }
0x37: {  	[smem:$0x3FBB] =	sst s10  }
0x38: {  	s10 =	sld [smem:$0x3FBC]  }
0x39: {  	_ = 	snop;
	(pc) =	sbr.ind lr, $3  }
0x3a: {  	_ = 	snop  }
0x3b: {  	_ = 	snop  }
0x3c: {  	p2 =	seq.s32 s10, $0x1;
	s10 =	sld [smem:$0x3FBB]  }
0x3d: {  	_ =	shalt  }
0x3e: {  	_ =	shalt  }
0x3f: {  	_ =	shalt  }
0x40: {  	_ =	shalt  }
0x41: {  	_ =	shalt  }
0x42: {  	_ =	shalt  }
0x43: {  	_ =	shalt  }
0x44: {  	_ =	shalt  }
0x45: {  	_ =	shalt  }
0x46: {  	_ =	shalt  }
0x47: {  	_ =	shalt  }
0x48: {  	_ =	shalt  }
0x49: {  	_ =	shalt  }
0x4a: {  	_ =	shalt  }
0x4b: {  	_ =	shalt  }
0x4c: {  	_ =	shalt  }
0x4d: {  	_ =	shalt  }
0x4e: {  	_ =	shalt  }
0x4f: {  	_ =	shalt  }
0x50: {  	_ =	shalt  }
0x51: {  	_ =	shalt  }
0x52: {  	_ =	shalt  }
0x53: {  	_ =	shalt  }
0x54: {  	_ =	shalt  }
0x55: {  	_ =	shalt  }
0x56: {  	_ =	shalt  }
0x57: {  	_ =	shalt  }
0x58: {  	_ =	shalt  }
0x59: {  	_ =	shalt  }
0x5a: {  	_ =	shalt  }
0x5b: {  	_ =	shalt  }
0x5c: {  	_ =	shalt  }
0x5d: {  	_ =	shalt  }
0x5e: {  	_ =	shalt  }
0x5f: {  	_ =	shalt  }
0x60: {  	_ =	shalt  }
0x61: {  	_ =	shalt  }
0x62: {  	_ =	shalt  }
0x63: {  	_ =	shalt  }
0x64: {  	_ =	shalt  }
0x65: {  	_ =	shalt  }
0x66: {  	_ =	shalt  }
0x67: {  	_ =	shalt  }
0x68: {  	_ =	shalt  }
0x69: {  	_ =	shalt  }
0x6a: {  	_ =	shalt  }
0x6b: {  	_ =	shalt  }
0x6c: {  	_ =	shalt  }
0x6d: {  	_ =	shalt  }
0x6e: {  	_ =	shalt  }
0x6f: {  	_ =	shalt  }
0x70: {  	_ =	shalt  }
0x71: {  	_ =	shalt  }
0x72: {  	_ =	shalt  }
0x73: {  	_ =	shalt  }
0x74: {  	_ =	shalt  }
0x75: {  	_ =	shalt  }
0x76: {  	_ =	shalt  }
0x77: {  	_ =	shalt  }
0x78: {  	_ =	shalt  }
0x79: {  	_ =	shalt  }
0x7a: {  	_ =	shalt  }
0x7b: {  	_ =	shalt  }
0x7c: {  	_ =	shalt  }
0x7d: {  	_ =	shalt  }
0x7e: {  	_ =	shalt  }
0x7f: {  	_ =	shalt  }
0x80: {  	_ =	shalt  }
0x81: {  	_ =	shalt  }
0x82: {  	_ =	shalt  }
0x83: {  	_ =	shalt  }
0x84: {  	_ =	shalt  }
0x85: {  	_ =	shalt  }
0x86: {  	_ =	shalt  }
0x87: {  	_ =	shalt  }
.Lfunc_end0:
.L_simem_size_0:
called_computation_lowered:
.L_overlay_start_0:
0x88: {  	s2 =	sld [smem:$0x3FD9]  }
0x89: {  	s3 =	sld [smem:$0x3FFE];
	_ =	sdelay $0x1  }
0x8a: {  	s1 =	srdreg.scid  }
0x8b: {  	s0 =	sand.u32 $0x1, s1  }
0x8c: {  	s17 =	sshll.u32 s0, $0xA;
	s2 =	sadd.s32 s3, s2  }
0x8d: {  	s2 =	sadd.s32 s2, s17  }
0x8e: {  	[smem:$0x3FC7] =	sst s2  }
0x8f: {  	_ = 	snop  }
0x90: {  	s2 =	sld [smem:$0x3FC9]  }
0x91: {  	s18 =	sld [smem:$0x3FD0];
	(tm) =	ssettm $0x1  }
0x92: {  	s4 =	sld [smem:$0x3FFB];
	_ =	sdelay $0x3  }
0x93: {  	_ =	strace s4  }
0x94: {  	s4 =	sld [smem:$0x3FFC];
	_ =	sdelay $0x3  }
0x95: {  	_ =	strace s4  }
0x96: {  	s4 =	sld [smem:$0x3FFD];
	_ =	sdelay $0x3  }
0x97: {  	_ =	strace s4  }
0x98: {  	_ =	strace $0x8FFFFFFF  }
0x99: {  	s19 =	sld [smem:$0x3FDB];
	_ =	sdelay $0x1  }
0x9a: {  	s5 =	simm.s32 $_scs_section_size  }
0x9b: {  	s6 =	simm.s32 $_size__tile_overlayer_lowered;
	s7 =	simm.s32 $_tile_overlayer_lowered  }
0x9c: {  	s22 =	simm.s32 $0x1BFF;
	s21 =	sshll.u32 s7, $0x1;
	s4 =	sadd.s32 s5, s19  }
0x9d: {  	s8 =	simm.s32 $0x0;
	s20 =	sshll.u32 s6, $0x1;
	s6 =	sadd.s32 s21, s4  }
0x9e: {  	[timem:s8], [sflag:s22] =	dma.local [hbm:s6], s20  }
0x9f: {  	_ =	swait.ge [sflag:s22], s20  }
0xa0: {  	s5 =	ssub.s32 $0x0, s20;
	[sflag:s22] =	ssyncset.done $0x0  }
0xa1: {  	[sflag:s22] =	ssyncadd.s32 s5;
	_ =	sdelay $0x1  }
0xa2: {  	s23 =	simm.s32 $0x1B8B  }
0xa3: {  	_ =	swait.ge [sflag:s23], $0x1  }
0xa4: {  	[sflag:s23] =	ssyncset.done $0x0  }
0xa5: {  	s25 =	simm.s32 $0x1B8E;
	s24 =	sld [smem:$0x3FFE];
	[sflag:s23] =	ssyncadd.s32 $0xFFFFFFFF  }
0xa6: {  	s26 =	simm.s32 $execute0_lowered;
	[smem:$0x3FD2] =	sst s25  }
0xa7: {  	s6 =	sshll.u32 s26, $0x1;
	_ =	strace $0x80000046;
	[dreg:$0x1] =	wrdreg $0xFFFFFFFF  }
0xa8: {  	s28 =	simm.s32 $_size_execute0_lowered;
	s4 =	sadd.s32 s4, s6;
	[dreg:$0x0] =	wrdreg $0x0  }
0xa9: {  	s6 =	sshll.u32 s28, $0x1;
	[dreg:$0x2] =	wrdreg s4  }
0xaa: {  	[dreg:$0x3] =	wrdreg s6  }
0xab: {  	[dreg:$0x4] =	wrdreg $0xC0  }
0xac: {  	_ =	task [dreg:s8], $0x5FFFF  }
0xad: {  	[dreg:$0x1] =	wrdreg $0xFFFFFFFF  }
0xae: {  	[dreg:$0x0] =	wrdreg $0x60  }
0xaf: {  	[dreg:$0x2] =	wrdreg s2  }
0xb0: {  	[dreg:$0x3] =	wrdreg s24  }
0xb1: {  	[dreg:$0x4] =	wrdreg s18  }
0xb2: {  	[dreg:$0x5] =	wrdreg $0x9  }
0xb3: {  	_ =	task.clear_ibuf [dreg:s8], $0x6FFFF;
	_ =	strace $0x90000046  }
0xb4: {  	s29 =	simm.s32 $0x9;
	_ =	strace $0x80000048  }
0xb5: {  	_ =	swait.ge [sflag:s29], $0x1  }
0xb6: {  	[sflag:s29] =	ssyncadd.s32 $0xFFFFFFFF  }
0xb7: {  	_ =	strace $0x90000048  }
0xb8: {  	_ =	sfence  }
0xb9: {  	s30 =	sld [smem:$0x0];
	_ =	sdelay $0x2  }
0xba: {  	s31 =	sshll.u32 s1, $0xD;
	s1 =	sshrl.u32 s1, $0x2  }
0xbb: {  	s3 =	sand.u32 $0x4000, s31;
	s1 =	sadd.s32 s1, s30  }
0xbc: {  	s0 =	sor.u32 s3, s0;
	s1 =	sshll.u32 s1, $0x11  }
0xbd: {  	s0 =	sor.u32 s1, s0  }
0xbe: {  	s0 =	sadd.s32 $0x8F2B, s0  }
0xbf: {  	[sflag:s0] =	ssyncadd.remote.s32 $0x1  }
0xc0: {  	_ =	sfence.sel $0xFFFF  }
0xc1: {  	[dreg:$0x0] =	wrdreg $0xFFFFFFFF;
	(pc) =	sbr.abs _section_cstart, $3  }
0xc2: {  	[dreg:$0x1] =	wrdreg $0xFFFFFFFF  }
0xc3: {  	_ =	task.clear_ibuf [dreg:s8], $0x2FFFF;
	_ =	strace $0x9FFFFFFF  }
0xc4: {  	(tm) =	ssettm $0x7FFFFFFF  }
0xc5: {  	_ =	shalt  }
tec
execute0_lowered:
.L_overlay_start_1:
0x0: {  	(tag) =	ssettag $0x1  }
0x1: {  	s0 =	srdreg.scid;
	s1 =	stileid.u32  }
0x2: {  	s0 =	sand.u32 $0x1, s0;
	s1 =	sshll.u32 s1, $0x1  }
0x3: {  	s1 =	sor.u32 s0, s1  }
0x4: {  	s1 =	smul.u32 $0x188, s1  }
0x5: {  	s0 =	ssub.s32 $0x2, s0  }
0x6: {  	s2 =	rddreg [dreg:$0x0];
	s5 =	sshrl.u32 s0, $0x1;
	s3 =	sshrl.u32 s1, $0x3  }
0x7: {  	s4 =	rddreg [dreg:$0x2];
	s0 =	ssub.s32 s0, s5;
	s3 =	smul.u32 $0x300, s3  }
0x8: {  	s1 =	simm.s32 $0x0;
	s31 =	smax.u32 s0, $0x1;
	s0 =	simm.s32 $0x300  }
0x9: {  	[smem:$0x7FF] =	sst s1;
	s6 =	sadd.s32 $0xC00, s3;
	s7 =	sadd.s32 $0x1800, s3  }
0xa: {  	s21 =	sadd.s32 $0x2400, s3;
	s22 =	sadd.s32 $0x3000, s3;
	s24 =	sadd.s32 $0x3C00, s3  }
0xb: {  	s25 =	sadd.s32 $0x4800, s3;
	s9 =	sadd.s32 $0x5400, s3;
	s10 =	sadd.s32 $0x6000, s3  }
0xc: {  	s12 =	sadd.s32 $0x6C00, s3;
	s13 =	sadd.s32 $0x7800, s3;
	s18 =	sadd.s32 s2, s6  }
0xd: {  	s14 =	sadd.s32 $0x8400, s3;
	s19 =	sadd.s32 s2, s7;
	[dreg:$0x4] =	wrdreg s18  }
0xe: {  	s20 =	sadd.s32 s4, s6;
	s8 =	sadd.s32 s2, s21;
	[dreg:$0x5] =	wrdreg s19  }
0xf: {  	s7 =	sadd.s32 s4, s7;
	s23 =	sadd.s32 s2, s22;
	[dreg:$0x6] =	wrdreg s20  }
0x10: {  	s5 =	sadd.s32 s4, s21;
	s26 =	sadd.s32 s2, s24;
	[dreg:$0x7] =	wrdreg s8  }
0x11: {  	s6 =	sadd.s32 s4, s22;
	s11 =	sadd.s32 s2, s9;
	[dreg:$0x8] =	wrdreg s7  }
0x12: {  	s15 =	sadd.s32 s2, s10;
	s16 =	sadd.s32 s4, s9;
	[dreg:$0x9] =	wrdreg s23  }
0x13: {  	s17 =	sadd.s32 s2, s12;
	s21 =	sadd.s32 s4, s13;
	[dreg:$0xa] =	wrdreg s5  }
0x14: {  	s22 =	sadd.s32 s2, s3;
	s28 =	sadd.s32 s4, s14;
	[dreg:$0xb] =	wrdreg s26  }
0x15: {  	[dreg:$0xc] =	wrdreg s6;
	s8 =	sadd.s32 s2, s25;
	s5 =	sadd.s32 s4, s24  }
0x16: {  	[dreg:$0xf] =	wrdreg s11;
	s7 =	sadd.s32 s4, s25;
	s18 =	sadd.s32 s4, s10  }
0x17: {  	s19 =	sadd.s32 s2, s13;
	s20 =	sadd.s32 s4, s12;
	s24 =	rddreg [dreg:$0x1]  }
0x18: {  	s23 =	sadd.s32 s4, s3;
	s3 =	sadd.s32 $0x9000, s3;
	[dreg:$0xd] =	wrdreg s8  }
0x19: {  	s25 =	sadd.s32 s2, s14;
	s6 =	simm.s32 $0x2;
	[dreg:$0xe] =	wrdreg s5  }
0x1a: {  	[dreg:$0x10] =	wrdreg s7;
	s26 =	sadd.s32 s2, s3;
	s29 =	sadd.s32 s4, s3  }
0x1b: {  	s30 =	sadd.s32 $0x400, s24;
	s24 =	simm.s32 $0x4;
	s2 =	simm.s32 $0x1  }
0x1c: {  	s3 =	simm.s32 $0x6300;
	s4 =	simm.s32 $0xC300;
	s5 =	simm.s32 $0x12300  }
0x1d: {  	s7 =	simm.s32 $0x3;
	s8 =	simm.s32 $0x0;
	_ =	strace $0x80000047  }
.LBB2_1:
0x1e: {  	[tilespmem:s1], [sflag:$0x4] =	stream.linear.gather [hbm4b:s30+s1], $0x300, $0x38;
	[tilespmem:$0x18300] =	vst v63  }
0x1f: {  	_ =	swait.ge [sflag:s24], $0x300  }
0x20: {  	[sflag:s24] =	ssyncset.done $0x0  }
0x21: {  	[sflag:s24] =	ssyncadd.s32 $0xFFFFFD00  }
0x22: {  	[tilespmem:s0], [sflag:$0x1] =	stream.linear.gather [hbm4b:s22+s1], $0x6000, $0x38;
	[tilespmem:$0x18300] =	vst v63  }
0x23: {  	_ =	swait.ge [sflag:s2], $0x6000  }
0x24: {  	[sflag:s2] =	ssyncset.done $0x0  }
0x25: {  	s9 =	rddreg [dreg:$0x4];
	[sflag:s2] =	ssyncadd.s32 $0xFFFFA000  }
0x26: {  	[tilespmem:s3], [sflag:$0x1] =	stream.linear.gather [hbm4b:s9+s1], $0x6000, $0x38;
	[tilespmem:$0x18300] =	vst v63  }
0x27: {  	s10 =	simm.s32 $0x0;
	s9 =	simm.s32 $0x0  }
.LBB2_2:
0x28: {  	s11 =	simm.s32 $0x40  }
0x29: {  	v2 =	vld [tilespmem:s11+$0x30]  }
0x2a: {  	v3 =	vld [tilespmem:s11+$0xFFFFFFD0]  }
0x2b: {  	v4 =	vld [tilespmem:s11+$0xFFFFFFE0]  }
0x2c: {  	v5 =	vld [tilespmem:s11+$0xFFFFFFF0]  }
0x2d: {  	v7 =	vld [tilespmem:s11+$0x10]  }
0x2e: {  	v0 =	vmov s10;
	v10 =	vld [tilespmem:s11+$0x20]  }
0x2f: {  	v1 =	vshrl.u32 v0, $0x3;
	v11 =	vld [tilespmem:s11+$0xFFFFFFC0]  }
0x30: {  	v0 =	vshll.u32 v0, $0x7;
	v1 =	vmul.u32 $0x1800, v1  }
0x31: {  	v0 =	vand.u32 $0x380, v0;
	v8 =	vshll.u32 v2, $0x3;
	v9 =	vand.u32 $0x7F, v3  }
0x32: {  	v3 =	vshll.u32 v3, $0x3;
	v12 =	vshll.u32 v4, $0x3;
	v2 =	vand.u32 $0x7F, v2  }
0x33: {  	v13 =	vshll.u32 v5, $0x3;
	v14 =	vshll.u32 v7, $0x3;
	v15 =	vshll.u32 v10, $0x3  }
0x34: {  	v16 =	vshll.u32 v11, $0x3;
	v4 =	vand.u32 $0x7F, v4;
	v8 =	vand.u32 $0xFFFFFC00, v8  }
0x35: {  	v6 =	vld [tilespmem:s11+$0x0];
	v5 =	vand.u32 $0x7F, v5;
	v7 =	vand.u32 $0x7F, v7;
	v8 =	vadd.s32 v1, v8  }
0x36: {  	v10 =	vand.u32 $0x7F, v10;
	v3 =	vand.u32 $0xFFFFFC00, v3;
	v2 =	vor.u32 v2, v8  }
0x37: {  	v13 =	vand.u32 $0xFFFFFC00, v13;
	v14 =	vand.u32 $0xFFFFFC00, v14;
	v2 =	vor.u32 v0, v2  }
0x38: {  	v15 =	vand.u32 $0xFFFFFC00, v15;
	v16 =	vand.u32 $0xFFFFFC00, v16;
	v3 =	vadd.s32 v1, v3  }
0x39: {  	s14 =	simm.s32 $0xC0;
	v13 =	vadd.s32 v1, v13;
	v16 =	vadd.s32 v1, v16;
	v14 =	vadd.s32 v1, v14  }
0x3a: {  	v18 =	vld [tilespmem:s14+$0xFFFFFFD0];
	v15 =	vadd.s32 v1, v15;
	v8 =	vand.u32 $0xFFFFFC00, v12;
	v12 =	vshll.u32 v6, $0x3  }
0x3b: {  	v23 =	vld [tilespmem:s14+$0xFFFFFFF0];
	v6 =	vand.u32 $0x7F, v6;
	v3 =	vor.u32 v9, v3;
	v5 =	vor.u32 v5, v13  }
0x3c: {  	v7 =	vor.u32 v7, v14;
	v10 =	vor.u32 v10, v15;
	v12 =	vand.u32 $0xFFFFFC00, v12;
	v17 =	vld.idx.msk [tilespmem:v2+s0+$0x0], $0xffff  }
0x3d: {  	v8 =	vadd.s32 v1, v8;
	v9 =	vor.u32 v0, v3;
	v2 =	vand.u32 $0x7F, v11;
	v11 =	vld [tilespmem:s14+$0x30]  }
0x3e: {  	v14 =	vor.u32 v0, v5;
	v12 =	vadd.s32 v1, v12;
	v4 =	vor.u32 v4, v8  }
0x3f: {  	v20 =	vld [tilespmem:s14+$0xFFFFFFE0];
	v6 =	vor.u32 v6, v12;
	v12 =	vor.u32 v0, v4;
	v2 =	vor.u32 v2, v16  }
0x40: {  	v19 =	vor.u32 v0, v7;
	v7 =	vshll.u32 v18, $0x3;
	v8 =	vor.u32 v0, v2;
	v2 =	vld [tilespmem:s14+$0x0]  }
0x41: {  	v3 =	vld [tilespmem:s14+$0x10];
	v24 =	vor.u32 v0, v10;
	v15 =	vand.u32 $0xFFFFFC00, v7;
	v7 =	vshll.u32 v23, $0x3  }
0x42: {  	v5 =	vand.u32 $0x7F, v18;
	v4 =	vld [tilespmem:s14+$0x20];
	v18 =	vand.u32 $0xFFFFFC00, v7;
	v13 =	vshll.u32 v11, $0x3  }
0x43: {  	s12 =	sshrl.u32 s10, $0x3;
	v21 =	vld [tilespmem:s14+$0xFFFFFFC0];
	v6 =	vor.u32 v0, v6;
	v18 =	vadd.s32 v1, v18;
	v10 =	vand.u32 $0xFFFFFC00, v13  }
0x44: {  	s13 =	smul.u32 $0x6000, s12;
	s14 =	sand.u32 $0x7, s9;
	v7 =	vld.idx.msk [tilespmem:v12+s0+$0x0], $0xffff;
	v11 =	vand.u32 $0x7F, v11;
	v13 =	vshll.u32 v20, $0x3;
	v10 =	vadd.s32 v1, v10  }
0x45: {  	s12 =	sshll.u32 s14, $0x9;
	v16 =	vand.u32 $0xFFFFFC00, v13;
	v13 =	vshll.u32 v2, $0x3;
	v10 =	vor.u32 v11, v10;
	v11 =	vld.idx.msk [tilespmem:v8+s0+$0x0], $0xffff  }
0x46: {  	s11 =	sor.u32 s12, s13;
	v8 =	vld.idx.msk [tilespmem:v9+s0+$0x0], $0xffff;
	v25 =	vand.u32 $0xFFFFFC00, v13;
	v9 =	vshll.u32 v3, $0x3;
	v22 =	vor.u32 v0, v10  }
0x47: {  	s11 =	sshra.s32 s11, $0x2;
	v13 =	vadd.s32 v1, v15;
	v12 =	vand.u32 $0xFFFFFC00, v9;
	v10 =	vshll.u32 v4, $0x3;
	v9 =	vld.idx.msk [tilespmem:v14+s0+$0x0], $0xffff  }
0x48: {  	s11 =	sadd.s32 $0xC340, s11;
	v15 =	vadd.s32 v1, v16;
	v14 =	vshll.u32 v21, $0x3;
	v26 =	vand.u32 $0xFFFFFC00, v10;
	v10 =	vld.idx.msk [tilespmem:v6+s0+$0x0], $0xffff  }
0x49: {  	[tilespmem:s11+$0x30] =	vst v17;
	v16 =	vadd.s32 v1, v25;
	v14 =	vand.u32 $0xFFFFFC00, v14;
	v6 =	vld.idx.msk [tilespmem:v19+s0+$0x0], $0xffff;
	v17 =	vadd.s32 v1, v12  }
0x4a: {  	v19 =	vadd.s32 v1, v14;
	v14 =	vadd.s32 v1, v26;
	[tilespmem:s11+$0xFFFFFFC0] =	vst v11;
	v11 =	vld.idx.msk [tilespmem:v24+s0+$0x0], $0xffff  }
0x4b: {  	s14 =	simm.s32 $0x140;
	s13 =	simm.s32 $0x8;
	s12 =	smov.u32 s11;
	v12 =	vld.idx.msk [tilespmem:v22+s0+$0x0], $0xffff;
	v22 =	vand.u32 $0x7F, v21;
	v21 =	vand.u32 $0x7F, v20;
	v20 =	vand.u32 $0x7F, v23  }
.LBB2_3:
0x4c: {  	v23 =	vld [tilespmem:s14+$0x30];
	s13 =	sadd.s32 $0x8, s13;
	v2 =	vand.u32 $0x7F, v2;
	v3 =	vand.u32 $0x7F, v3;
	v4 =	vand.u32 $0x7F, v4;
	[tilespmem:s11+$0xFFFFFFD0] =	vst v8  }
0x4d: {  	v19 =	vor.u32 v22, v19;
	v5 =	vor.u32 v5, v13;
	v13 =	vor.u32 v21, v15;
	v8 =	vld [tilespmem:s14+$0xFFFFFFD0];
	p0 =	slt.u32 s13, $0x28;
	[tilespmem:s11+$0xFFFFFFE0] =	vst v7  }
0x4e: {  	v7 =	vor.u32 v20, v18;
	v15 =	vor.u32 v2, v16;
	v16 =	vor.u32 v3, v17;
	v21 =	vld [tilespmem:s14+$0xFFFFFFE0];
	[tilespmem:s11+$0xFFFFFFF0] =	vst v9  }
0x4f: {  	v17 =	vor.u32 v0, v5;
	v4 =	vor.u32 v4, v14;
	v9 =	vor.u32 v0, v19;
	s11 =	sadd.s32 $0x400, s11;
	v20 =	vld [tilespmem:s14+$0xFFFFFFF0];
	[tilespmem:s12+$0x0] =	vst v10  }
0x50: {  	v14 =	vor.u32 v0, v7;
	v18 =	vor.u32 v0, v15;
	v10 =	vor.u32 v0, v13;
	v2 =	vld [tilespmem:s14+$0x0];
	[tilespmem:s11+$0x30] =	vst v12  }
0x51: {  	v24 =	vor.u32 v0, v4;
	v12 =	vor.u32 v0, v16;
	v3 =	vld [tilespmem:s14+$0x10];
	v7 =	vshll.u32 v23, $0x3;
	[tilespmem:s12+$0x10] =	vst v6  }
0x52: {  	v5 =	vand.u32 $0x7F, v8;
	v6 =	vshll.u32 v8, $0x3;
	v4 =	vld [tilespmem:s14+$0x20];
	v7 =	vand.u32 $0xFFFFFC00, v7;
	[tilespmem:s12+$0x20] =	vst v11;
	s12 =	smov.u32 s11  }
0x53: {  	v13 =	vand.u32 $0x7F, v23;
	v11 =	vld [tilespmem:s14+$0xFFFFFFC0];
	v8 =	vshll.u32 v21, $0x3;
	v7 =	vadd.s32 v1, v7  }
0x54: {  	v6 =	vand.u32 $0xFFFFFC00, v6;
	v15 =	vshll.u32 v20, $0x3;
	v7 =	vor.u32 v13, v7;
	v23 =	vld.idx.msk [tilespmem:v9+s0+$0x0], $0xffff  }
0x55: {  	v16 =	vand.u32 $0xFFFFFC00, v8;
	v9 =	vshll.u32 v2, $0x3;
	v22 =	vor.u32 v0, v7;
	v8 =	vld.idx.msk [tilespmem:v17+s0+$0x0], $0xffff  }
0x56: {  	v17 =	vand.u32 $0xFFFFFC00, v15;
	v19 =	vand.u32 $0xFFFFFC00, v9;
	v9 =	vshll.u32 v3, $0x3;
	v7 =	vld.idx.msk [tilespmem:v10+s0+$0x0], $0xffff  }
.Ltmp0:
0x57: {  	v13 =	vadd.s32 v1, v6;
	v25 =	vand.u32 $0xFFFFFC00, v9;
	v6 =	vshll.u32 v4, $0x3;
	v9 =	vld.idx.msk [tilespmem:v14+s0+$0x0], $0xffff;
	(pc) =	sbr.rel @p0 .LBB2_3-.Ltmp0, $4  }
0x58: {  	v15 =	vadd.s32 v1, v16;
	v14 =	vshll.u32 v11, $0x3;
	v26 =	vand.u32 $0xFFFFFC00, v6;
	v10 =	vld.idx.msk [tilespmem:v18+s0+$0x0], $0xffff  }
0x59: {  	v16 =	vadd.s32 v1, v19;
	v18 =	vadd.s32 v1, v17;
	v14 =	vand.u32 $0xFFFFFC00, v14;
	v6 =	vld.idx.msk [tilespmem:v12+s0+$0x0], $0xffff  }
0x5a: {  	v17 =	vadd.s32 v1, v25;
	v19 =	vadd.s32 v1, v14;
	v14 =	vadd.s32 v1, v26;
	v12 =	vld.idx.msk [tilespmem:v22+s0+$0x0], $0xffff  }
0x5b: {  	v21 =	vand.u32 $0x7F, v21;
	s14 =	sadd.s32 $0x80, s14;
	v20 =	vand.u32 $0x7F, v20;
	v22 =	vand.u32 $0x7F, v11;
	[tilespmem:s11+$0xFFFFFFC0] =	vst v23;
	v11 =	vld.idx.msk [tilespmem:v24+s0+$0x0], $0xffff  }
0x5c: {  	v1 =	vor.u32 v22, v19  }
0x5d: {  	v5 =	vor.u32 v5, v13;
	v1 =	vor.u32 v0, v1  }
0x5e: {  	v57 =	vor.u32 v21, v15;
	v5 =	vor.u32 v0, v5  }
0x5f: {  	v2 =	vand.u32 $0x7F, v2;
	v58 =	vor.u32 v20, v18;
	v13 =	vor.u32 v0, v57  }
0x60: {  	v3 =	vand.u32 $0x7F, v3;
	[tilespmem:s11+$0xFFFFFFD0] =	vst v8;
	v2 =	vor.u32 v2, v16;
	v59 =	vor.u32 v0, v58  }
0x61: {  	v4 =	vand.u32 $0x7F, v4;
	[tilespmem:s11+$0xFFFFFFE0] =	vst v7;
	v3 =	vor.u32 v3, v17;
	v2 =	vor.u32 v0, v2  }
0x62: {  	[tilespmem:s11+$0xFFFFFFF0] =	vst v9;
	v4 =	vor.u32 v4, v14;
	v3 =	vor.u32 v0, v3;
	v1 =	vld.idx.msk [tilespmem:v1+s0+$0x0], $0xffff  }
0x63: {  	[tilespmem:s12+$0x0] =	vst v10;
	v60 =	vor.u32 v0, v4;
	v61 =	vld.idx.msk [tilespmem:v5+s0+$0x0], $0xffff  }
0x64: {  	s14 =	sadd.s32 $0x400, s11;
	[tilespmem:s12+$0x10] =	vst v6;
	v62 =	vld.idx.msk [tilespmem:v13+s0+$0x0], $0xffff  }
0x65: {  	[tilespmem:s14+$0x30] =	vst v12;
	v63 =	vld.idx.msk [tilespmem:v59+s0+$0x0], $0xffff  }
0x66: {  	[tilespmem:s12+$0x20] =	vst v11;
	v2 =	vld.idx.msk [tilespmem:v2+s0+$0x0], $0xffff  }
0x67: {  	s10 =	sadd.s32 $0x1, s10;
	v3 =	vld.idx.msk [tilespmem:v3+s0+$0x0], $0xffff;
	[tilespmem:s14+$0xFFFFFFC0] =	vst v1  }
0x68: {  	p0 =	sne.s32 s10, $0x20;
	v0 =	vld.idx.msk [tilespmem:v60+s0+$0x0], $0xffff;
	[tilespmem:s14+$0xFFFFFFD0] =	vst v61  }
.Ltmp1:
0x69: {  	[tilespmem:s14+$0xFFFFFFE0] =	vst v62;
	(pc) =	sbr.rel @p0 .LBB2_2-.Ltmp1, $4  }
0x6a: {  	[tilespmem:s14+$0xFFFFFFF0] =	vst v63  }
0x6b: {  	[tilespmem:s14+$0x0] =	vst v2  }
0x6c: {  	[tilespmem:s14+$0x10] =	vst v3  }
0x6d: {  	s9 =	sadd.s32 $0x1, s9;
	[tilespmem:s14+$0x20] =	vst v0  }
0x6e: {  	s9 =	simm.s32 $0x0  }
0x6f: {  	[hbm4b:s23+s9] =	stream.linear.scatter [tilespmem:s4], [sflag:$0x2], $0x6000, $0x38;
	[tilespmem:$0x18300] =	vst v63  }
0x70: {  	_ =	swait.ge [sflag:s2], $0x6000  }
0x71: {  	[sflag:s2] =	ssyncset.done $0x0  }
0x72: {  	s10 =	rddreg [dreg:$0x5];
	[sflag:s2] =	ssyncadd.s32 $0xFFFFA000  }
0x73: {  	[tilespmem:s0], [sflag:$0x1] =	stream.linear.gather [hbm4b:s10+s9], $0x6000, $0x38;
	[tilespmem:$0x18300] =	vst v63  }
0x74: {  	s10 =	simm.s32 $0x0  }
.LBB2_6:
0x75: {  	s11 =	simm.s32 $0x40  }
0x76: {  	v2 =	vld [tilespmem:s11+$0x30]  }
0x77: {  	v3 =	vld [tilespmem:s11+$0xFFFFFFD0]  }
0x78: {  	v4 =	vld [tilespmem:s11+$0xFFFFFFE0]  }
0x79: {  	v5 =	vld [tilespmem:s11+$0xFFFFFFF0]  }
0x7a: {  	v7 =	vld [tilespmem:s11+$0x10]  }
0x7b: {  	v0 =	vmov s10;
	v10 =	vld [tilespmem:s11+$0x20]  }
0x7c: {  	v1 =	vshrl.u32 v0, $0x3;
	v11 =	vld [tilespmem:s11+$0xFFFFFFC0]  }
0x7d: {  	v0 =	vshll.u32 v0, $0x7;
	v1 =	vmul.u32 $0x1800, v1  }
0x7e: {  	v0 =	vand.u32 $0x380, v0;
	v8 =	vshll.u32 v2, $0x3;
	v9 =	vand.u32 $0x7F, v3  }
0x7f: {  	v3 =	vshll.u32 v3, $0x3;
	v12 =	vshll.u32 v4, $0x3;
	v2 =	vand.u32 $0x7F, v2  }
0x80: {  	v13 =	vshll.u32 v5, $0x3;
	v14 =	vshll.u32 v7, $0x3;
	v15 =	vshll.u32 v10, $0x3  }
0x81: {  	v16 =	vshll.u32 v11, $0x3;
	v4 =	vand.u32 $0x7F, v4;
	v8 =	vand.u32 $0xFFFFFC00, v8  }
0x82: {  	v6 =	vld [tilespmem:s11+$0x0];
	v5 =	vand.u32 $0x7F, v5;
	v7 =	vand.u32 $0x7F, v7;
	v8 =	vadd.s32 v1, v8  }
0x83: {  	v10 =	vand.u32 $0x7F, v10;
	v3 =	vand.u32 $0xFFFFFC00, v3;
	v2 =	vor.u32 v2, v8  }
0x84: {  	v13 =	vand.u32 $0xFFFFFC00, v13;
	v14 =	vand.u32 $0xFFFFFC00, v14;
	v2 =	vor.u32 v0, v2  }
0x85: {  	v15 =	vand.u32 $0xFFFFFC00, v15;
	v16 =	vand.u32 $0xFFFFFC00, v16;
	v3 =	vadd.s32 v1, v3  }
0x86: {  	s14 =	simm.s32 $0xC0;
	v13 =	vadd.s32 v1, v13;
	v16 =	vadd.s32 v1, v16;
	v14 =	vadd.s32 v1, v14  }
0x87: {  	v18 =	vld [tilespmem:s14+$0xFFFFFFD0];
	v15 =	vadd.s32 v1, v15;
	v8 =	vand.u32 $0xFFFFFC00, v12;
	v12 =	vshll.u32 v6, $0x3  }
0x88: {  	v23 =	vld [tilespmem:s14+$0xFFFFFFF0];
	v6 =	vand.u32 $0x7F, v6;
	v3 =	vor.u32 v9, v3;
	v5 =	vor.u32 v5, v13  }
0x89: {  	v7 =	vor.u32 v7, v14;
	v10 =	vor.u32 v10, v15;
	v12 =	vand.u32 $0xFFFFFC00, v12;
	v17 =	vld.idx.msk [tilespmem:v2+s3+$0x0], $0xffff  }
0x8a: {  	v8 =	vadd.s32 v1, v8;
	v9 =	vor.u32 v0, v3;
	v2 =	vand.u32 $0x7F, v11;
	v11 =	vld [tilespmem:s14+$0x30]  }
0x8b: {  	v14 =	vor.u32 v0, v5;
	v12 =	vadd.s32 v1, v12;
	v4 =	vor.u32 v4, v8  }
0x8c: {  	v20 =	vld [tilespmem:s14+$0xFFFFFFE0];
	v6 =	vor.u32 v6, v12;
	v12 =	vor.u32 v0, v4;
	v2 =	vor.u32 v2, v16  }
0x8d: {  	v19 =	vor.u32 v0, v7;
	v7 =	vshll.u32 v18, $0x3;
	v8 =	vor.u32 v0, v2;
	v2 =	vld [tilespmem:s14+$0x0]  }
0x8e: {  	v3 =	vld [tilespmem:s14+$0x10];
	v24 =	vor.u32 v0, v10;
	v15 =	vand.u32 $0xFFFFFC00, v7;
	v7 =	vshll.u32 v23, $0x3  }
0x8f: {  	v5 =	vand.u32 $0x7F, v18;
	v4 =	vld [tilespmem:s14+$0x20];
	v18 =	vand.u32 $0xFFFFFC00, v7;
	v13 =	vshll.u32 v11, $0x3  }
0x90: {  	s12 =	sshrl.u32 s10, $0x3;
	v21 =	vld [tilespmem:s14+$0xFFFFFFC0];
	v6 =	vor.u32 v0, v6;
	v18 =	vadd.s32 v1, v18;
	v10 =	vand.u32 $0xFFFFFC00, v13  }
0x91: {  	s13 =	smul.u32 $0x6000, s12;
	s14 =	sand.u32 $0x7, s9;
	v7 =	vld.idx.msk [tilespmem:v12+s3+$0x0], $0xffff;
	v11 =	vand.u32 $0x7F, v11;
	v13 =	vshll.u32 v20, $0x3;
	v10 =	vadd.s32 v1, v10  }
0x92: {  	s12 =	sshll.u32 s14, $0x9;
	v16 =	vand.u32 $0xFFFFFC00, v13;
	v13 =	vshll.u32 v2, $0x3;
	v10 =	vor.u32 v11, v10;
	v11 =	vld.idx.msk [tilespmem:v8+s3+$0x0], $0xffff  }
0x93: {  	s11 =	sor.u32 s12, s13;
	v8 =	vld.idx.msk [tilespmem:v9+s3+$0x0], $0xffff;
	v25 =	vand.u32 $0xFFFFFC00, v13;
	v9 =	vshll.u32 v3, $0x3;
	v22 =	vor.u32 v0, v10  }
0x94: {  	s11 =	sshra.s32 s11, $0x2;
	v13 =	vadd.s32 v1, v15;
	v12 =	vand.u32 $0xFFFFFC00, v9;
	v10 =	vshll.u32 v4, $0x3;
	v9 =	vld.idx.msk [tilespmem:v14+s3+$0x0], $0xffff  }
0x95: {  	s11 =	sadd.s32 $0x12340, s11;
	v15 =	vadd.s32 v1, v16;
	v14 =	vshll.u32 v21, $0x3;
	v26 =	vand.u32 $0xFFFFFC00, v10;
	v10 =	vld.idx.msk [tilespmem:v6+s3+$0x0], $0xffff  }
0x96: {  	[tilespmem:s11+$0x30] =	vst v17;
	v16 =	vadd.s32 v1, v25;
	v14 =	vand.u32 $0xFFFFFC00, v14;
	v6 =	vld.idx.msk [tilespmem:v19+s3+$0x0], $0xffff;
	v17 =	vadd.s32 v1, v12  }
0x97: {  	v19 =	vadd.s32 v1, v14;
	v14 =	vadd.s32 v1, v26;
	[tilespmem:s11+$0xFFFFFFC0] =	vst v11;
	v11 =	vld.idx.msk [tilespmem:v24+s3+$0x0], $0xffff  }
0x98: {  	s14 =	simm.s32 $0x140;
	s13 =	simm.s32 $0x8;
	s12 =	smov.u32 s11;
	v12 =	vld.idx.msk [tilespmem:v22+s3+$0x0], $0xffff;
	v22 =	vand.u32 $0x7F, v21;
	v21 =	vand.u32 $0x7F, v20;
	v20 =	vand.u32 $0x7F, v23  }
.LBB2_7:
0x99: {  	v23 =	vld [tilespmem:s14+$0x30];
	s13 =	sadd.s32 $0x8, s13;
	v2 =	vand.u32 $0x7F, v2;
	v3 =	vand.u32 $0x7F, v3;
	v4 =	vand.u32 $0x7F, v4;
	[tilespmem:s11+$0xFFFFFFD0] =	vst v8  }
0x9a: {  	v19 =	vor.u32 v22, v19;
	v5 =	vor.u32 v5, v13;
	v13 =	vor.u32 v21, v15;
	v8 =	vld [tilespmem:s14+$0xFFFFFFD0];
	p0 =	slt.u32 s13, $0x28;
	[tilespmem:s11+$0xFFFFFFE0] =	vst v7  }
0x9b: {  	v7 =	vor.u32 v20, v18;
	v15 =	vor.u32 v2, v16;
	v16 =	vor.u32 v3, v17;
	v21 =	vld [tilespmem:s14+$0xFFFFFFE0];
	[tilespmem:s11+$0xFFFFFFF0] =	vst v9  }
0x9c: {  	v17 =	vor.u32 v0, v5;
	v4 =	vor.u32 v4, v14;
	v9 =	vor.u32 v0, v19;
	s11 =	sadd.s32 $0x400, s11;
	v20 =	vld [tilespmem:s14+$0xFFFFFFF0];
	[tilespmem:s12+$0x0] =	vst v10  }
0x9d: {  	v14 =	vor.u32 v0, v7;
	v18 =	vor.u32 v0, v15;
	v10 =	vor.u32 v0, v13;
	v2 =	vld [tilespmem:s14+$0x0];
	[tilespmem:s11+$0x30] =	vst v12  }
0x9e: {  	v24 =	vor.u32 v0, v4;
	v12 =	vor.u32 v0, v16;
	v3 =	vld [tilespmem:s14+$0x10];
	v7 =	vshll.u32 v23, $0x3;
	[tilespmem:s12+$0x10] =	vst v6  }
0x9f: {  	v5 =	vand.u32 $0x7F, v8;
	v6 =	vshll.u32 v8, $0x3;
	v4 =	vld [tilespmem:s14+$0x20];
	v7 =	vand.u32 $0xFFFFFC00, v7;
	[tilespmem:s12+$0x20] =	vst v11;
	s12 =	smov.u32 s11  }
0xa0: {  	v13 =	vand.u32 $0x7F, v23;
	v11 =	vld [tilespmem:s14+$0xFFFFFFC0];
	v8 =	vshll.u32 v21, $0x3;
	v7 =	vadd.s32 v1, v7  }
0xa1: {  	v6 =	vand.u32 $0xFFFFFC00, v6;
	v15 =	vshll.u32 v20, $0x3;
	v7 =	vor.u32 v13, v7;
	v23 =	vld.idx.msk [tilespmem:v9+s3+$0x0], $0xffff  }
0xa2: {  	v16 =	vand.u32 $0xFFFFFC00, v8;
	v9 =	vshll.u32 v2, $0x3;
	v22 =	vor.u32 v0, v7;
	v8 =	vld.idx.msk [tilespmem:v17+s3+$0x0], $0xffff  }
0xa3: {  	v17 =	vand.u32 $0xFFFFFC00, v15;
	v19 =	vand.u32 $0xFFFFFC00, v9;
	v9 =	vshll.u32 v3, $0x3;
	v7 =	vld.idx.msk [tilespmem:v10+s3+$0x0], $0xffff  }
.Ltmp2:
0xa4: {  	v13 =	vadd.s32 v1, v6;
	v25 =	vand.u32 $0xFFFFFC00, v9;
	v6 =	vshll.u32 v4, $0x3;
	v9 =	vld.idx.msk [tilespmem:v14+s3+$0x0], $0xffff;
	(pc) =	sbr.rel @p0 .LBB2_7-.Ltmp2, $4  }
0xa5: {  	v15 =	vadd.s32 v1, v16;
	v14 =	vshll.u32 v11, $0x3;
	v26 =	vand.u32 $0xFFFFFC00, v6;
	v10 =	vld.idx.msk [tilespmem:v18+s3+$0x0], $0xffff  }
0xa6: {  	v16 =	vadd.s32 v1, v19;
	v18 =	vadd.s32 v1, v17;
	v14 =	vand.u32 $0xFFFFFC00, v14;
	v6 =	vld.idx.msk [tilespmem:v12+s3+$0x0], $0xffff  }
0xa7: {  	v17 =	vadd.s32 v1, v25;
	v19 =	vadd.s32 v1, v14;
	v14 =	vadd.s32 v1, v26;
	v12 =	vld.idx.msk [tilespmem:v22+s3+$0x0], $0xffff  }
0xa8: {  	v21 =	vand.u32 $0x7F, v21;
	s14 =	sadd.s32 $0x80, s14;
	v20 =	vand.u32 $0x7F, v20;
	v22 =	vand.u32 $0x7F, v11;
	[tilespmem:s11+$0xFFFFFFC0] =	vst v23;
	v11 =	vld.idx.msk [tilespmem:v24+s3+$0x0], $0xffff  }
0xa9: {  	v1 =	vor.u32 v22, v19  }
0xaa: {  	v5 =	vor.u32 v5, v13;
	v1 =	vor.u32 v0, v1  }
0xab: {  	v57 =	vor.u32 v21, v15;
	v5 =	vor.u32 v0, v5  }
0xac: {  	v2 =	vand.u32 $0x7F, v2;
	v58 =	vor.u32 v20, v18;
	v13 =	vor.u32 v0, v57  }
0xad: {  	v3 =	vand.u32 $0x7F, v3;
	[tilespmem:s11+$0xFFFFFFD0] =	vst v8;
	v2 =	vor.u32 v2, v16;
	v59 =	vor.u32 v0, v58  }
0xae: {  	v4 =	vand.u32 $0x7F, v4;
	[tilespmem:s11+$0xFFFFFFE0] =	vst v7;
	v3 =	vor.u32 v3, v17;
	v2 =	vor.u32 v0, v2  }
0xaf: {  	[tilespmem:s11+$0xFFFFFFF0] =	vst v9;
	v4 =	vor.u32 v4, v14;
	v3 =	vor.u32 v0, v3;
	v1 =	vld.idx.msk [tilespmem:v1+s3+$0x0], $0xffff  }
0xb0: {  	[tilespmem:s12+$0x0] =	vst v10;
	v60 =	vor.u32 v0, v4;
	v61 =	vld.idx.msk [tilespmem:v5+s3+$0x0], $0xffff  }
0xb1: {  	s14 =	sadd.s32 $0x400, s11;
	[tilespmem:s12+$0x10] =	vst v6;
	v62 =	vld.idx.msk [tilespmem:v13+s3+$0x0], $0xffff  }
0xb2: {  	[tilespmem:s14+$0x30] =	vst v12;
	v63 =	vld.idx.msk [tilespmem:v59+s3+$0x0], $0xffff  }
0xb3: {  	[tilespmem:s12+$0x20] =	vst v11;
	v2 =	vld.idx.msk [tilespmem:v2+s3+$0x0], $0xffff  }
0xb4: {  	s10 =	sadd.s32 $0x1, s10;
	v3 =	vld.idx.msk [tilespmem:v3+s3+$0x0], $0xffff;
	[tilespmem:s14+$0xFFFFFFC0] =	vst v1  }
0xb5: {  	p0 =	sne.s32 s10, $0x20;
	v0 =	vld.idx.msk [tilespmem:v60+s3+$0x0], $0xffff;
	[tilespmem:s14+$0xFFFFFFD0] =	vst v61  }
.Ltmp3:
0xb6: {  	[tilespmem:s14+$0xFFFFFFE0] =	vst v62;
	(pc) =	sbr.rel @p0 .LBB2_6-.Ltmp3, $4  }
0xb7: {  	[tilespmem:s14+$0xFFFFFFF0] =	vst v63  }
0xb8: {  	[tilespmem:s14+$0x0] =	vst v2  }
0xb9: {  	[tilespmem:s14+$0x10] =	vst v3  }
0xba: {  	s9 =	sadd.s32 $0x1, s9;
	[tilespmem:s14+$0x20] =	vst v0  }
0xbb: {  	s9 =	simm.s32 $0x0;
	s10 =	rddreg [dreg:$0x6]  }
0xbc: {  	[hbm4b:s10+s9] =	stream.linear.scatter [tilespmem:s5], [sflag:$0x3], $0x6000, $0x38;
	[tilespmem:$0x18300] =	vst v63  }
0xbd: {  	_ =	swait.ge [sflag:s2], $0x6000  }
0xbe: {  	[sflag:s2] =	ssyncset.done $0x0  }
0xbf: {  	s14 =	rddreg [dreg:$0x7];
	[sflag:s2] =	ssyncadd.s32 $0xFFFFA000  }
0xc0: {  	[tilespmem:s3], [sflag:$0x1] =	stream.linear.gather [hbm4b:s14+s9], $0x6000, $0x38;
	[tilespmem:$0x18300] =	vst v63  }
0xc1: {  	_ =	swait.ge [sflag:s6], $0x6000  }
0xc2: {  	[sflag:s6] =	ssyncset.done $0x0  }
0xc3: {  	s10 =	simm.s32 $0x0;
	[sflag:s6] =	ssyncadd.s32 $0xFFFFA000  }
.LBB2_10:
0xc4: {  	s11 =	simm.s32 $0x40  }
0xc5: {  	v2 =	vld [tilespmem:s11+$0x30]  }
0xc6: {  	v3 =	vld [tilespmem:s11+$0xFFFFFFD0]  }
0xc7: {  	v4 =	vld [tilespmem:s11+$0xFFFFFFE0]  }
0xc8: {  	v5 =	vld [tilespmem:s11+$0xFFFFFFF0]  }
0xc9: {  	v7 =	vld [tilespmem:s11+$0x10]  }
0xca: {  	v0 =	vmov s10;
	v10 =	vld [tilespmem:s11+$0x20]  }
0xcb: {  	v1 =	vshrl.u32 v0, $0x3;
	v11 =	vld [tilespmem:s11+$0xFFFFFFC0]  }
0xcc: {  	v0 =	vshll.u32 v0, $0x7;
	v1 =	vmul.u32 $0x1800, v1  }
0xcd: {  	v0 =	vand.u32 $0x380, v0;
	v8 =	vshll.u32 v2, $0x3;
	v9 =	vand.u32 $0x7F, v3  }
0xce: {  	v3 =	vshll.u32 v3, $0x3;
	v12 =	vshll.u32 v4, $0x3;
	v2 =	vand.u32 $0x7F, v2  }
0xcf: {  	v13 =	vshll.u32 v5, $0x3;
	v14 =	vshll.u32 v7, $0x3;
	v15 =	vshll.u32 v10, $0x3  }
0xd0: {  	v16 =	vshll.u32 v11, $0x3;
	v4 =	vand.u32 $0x7F, v4;
	v8 =	vand.u32 $0xFFFFFC00, v8  }
0xd1: {  	v6 =	vld [tilespmem:s11+$0x0];
	v5 =	vand.u32 $0x7F, v5;
	v7 =	vand.u32 $0x7F, v7;
	v8 =	vadd.s32 v1, v8  }
0xd2: {  	v10 =	vand.u32 $0x7F, v10;
	v3 =	vand.u32 $0xFFFFFC00, v3;
	v2 =	vor.u32 v2, v8  }
0xd3: {  	v13 =	vand.u32 $0xFFFFFC00, v13;
	v14 =	vand.u32 $0xFFFFFC00, v14;
	v2 =	vor.u32 v0, v2  }
0xd4: {  	v15 =	vand.u32 $0xFFFFFC00, v15;
	v16 =	vand.u32 $0xFFFFFC00, v16;
	v3 =	vadd.s32 v1, v3  }
0xd5: {  	s14 =	simm.s32 $0xC0;
	v13 =	vadd.s32 v1, v13;
	v16 =	vadd.s32 v1, v16;
	v14 =	vadd.s32 v1, v14  }
0xd6: {  	v18 =	vld [tilespmem:s14+$0xFFFFFFD0];
	v15 =	vadd.s32 v1, v15;
	v8 =	vand.u32 $0xFFFFFC00, v12;
	v12 =	vshll.u32 v6, $0x3  }
0xd7: {  	v23 =	vld [tilespmem:s14+$0xFFFFFFF0];
	v6 =	vand.u32 $0x7F, v6;
	v3 =	vor.u32 v9, v3;
	v5 =	vor.u32 v5, v13  }
0xd8: {  	v7 =	vor.u32 v7, v14;
	v10 =	vor.u32 v10, v15;
	v12 =	vand.u32 $0xFFFFFC00, v12;
	v17 =	vld.idx.msk [tilespmem:v2+s0+$0x0], $0xffff  }
0xd9: {  	v8 =	vadd.s32 v1, v8;
	v9 =	vor.u32 v0, v3;
	v2 =	vand.u32 $0x7F, v11;
	v11 =	vld [tilespmem:s14+$0x30]  }
0xda: {  	v14 =	vor.u32 v0, v5;
	v12 =	vadd.s32 v1, v12;
	v4 =	vor.u32 v4, v8  }
0xdb: {  	v20 =	vld [tilespmem:s14+$0xFFFFFFE0];
	v6 =	vor.u32 v6, v12;
	v12 =	vor.u32 v0, v4;
	v2 =	vor.u32 v2, v16  }
0xdc: {  	v19 =	vor.u32 v0, v7;
	v7 =	vshll.u32 v18, $0x3;
	v8 =	vor.u32 v0, v2;
	v2 =	vld [tilespmem:s14+$0x0]  }
0xdd: {  	v3 =	vld [tilespmem:s14+$0x10];
	v24 =	vor.u32 v0, v10;
	v15 =	vand.u32 $0xFFFFFC00, v7;
	v7 =	vshll.u32 v23, $0x3  }
0xde: {  	v5 =	vand.u32 $0x7F, v18;
	v4 =	vld [tilespmem:s14+$0x20];
	v18 =	vand.u32 $0xFFFFFC00, v7;
	v13 =	vshll.u32 v11, $0x3  }
0xdf: {  	s12 =	sshrl.u32 s10, $0x3;
	v21 =	vld [tilespmem:s14+$0xFFFFFFC0];
	v6 =	vor.u32 v0, v6;
	v18 =	vadd.s32 v1, v18;
	v10 =	vand.u32 $0xFFFFFC00, v13  }
0xe0: {  	s13 =	smul.u32 $0x6000, s12;
	s14 =	sand.u32 $0x7, s9;
	v7 =	vld.idx.msk [tilespmem:v12+s0+$0x0], $0xffff;
	v11 =	vand.u32 $0x7F, v11;
	v13 =	vshll.u32 v20, $0x3;
	v10 =	vadd.s32 v1, v10  }
0xe1: {  	s12 =	sshll.u32 s14, $0x9;
	v16 =	vand.u32 $0xFFFFFC00, v13;
	v13 =	vshll.u32 v2, $0x3;
	v10 =	vor.u32 v11, v10;
	v11 =	vld.idx.msk [tilespmem:v8+s0+$0x0], $0xffff  }
0xe2: {  	s11 =	sor.u32 s12, s13;
	v8 =	vld.idx.msk [tilespmem:v9+s0+$0x0], $0xffff;
	v25 =	vand.u32 $0xFFFFFC00, v13;
	v9 =	vshll.u32 v3, $0x3;
	v22 =	vor.u32 v0, v10  }
0xe3: {  	s11 =	sshra.s32 s11, $0x2;
	v13 =	vadd.s32 v1, v15;
	v12 =	vand.u32 $0xFFFFFC00, v9;
	v10 =	vshll.u32 v4, $0x3;
	v9 =	vld.idx.msk [tilespmem:v14+s0+$0x0], $0xffff  }
0xe4: {  	s11 =	sadd.s32 $0xC340, s11;
	v15 =	vadd.s32 v1, v16;
	v14 =	vshll.u32 v21, $0x3;
	v26 =	vand.u32 $0xFFFFFC00, v10;
	v10 =	vld.idx.msk [tilespmem:v6+s0+$0x0], $0xffff  }
0xe5: {  	[tilespmem:s11+$0x30] =	vst v17;
	v16 =	vadd.s32 v1, v25;
	v14 =	vand.u32 $0xFFFFFC00, v14;
	v6 =	vld.idx.msk [tilespmem:v19+s0+$0x0], $0xffff;
	v17 =	vadd.s32 v1, v12  }
0xe6: {  	v19 =	vadd.s32 v1, v14;
	v14 =	vadd.s32 v1, v26;
	[tilespmem:s11+$0xFFFFFFC0] =	vst v11;
	v11 =	vld.idx.msk [tilespmem:v24+s0+$0x0], $0xffff  }
0xe7: {  	s14 =	simm.s32 $0x140;
	s13 =	simm.s32 $0x8;
	s12 =	smov.u32 s11;
	v12 =	vld.idx.msk [tilespmem:v22+s0+$0x0], $0xffff;
	v22 =	vand.u32 $0x7F, v21;
	v21 =	vand.u32 $0x7F, v20;
	v20 =	vand.u32 $0x7F, v23  }
.LBB2_11:
0xe8: {  	v23 =	vld [tilespmem:s14+$0x30];
	s13 =	sadd.s32 $0x8, s13;
	v2 =	vand.u32 $0x7F, v2;
	v3 =	vand.u32 $0x7F, v3;
	v4 =	vand.u32 $0x7F, v4;
	[tilespmem:s11+$0xFFFFFFD0] =	vst v8  }
0xe9: {  	v19 =	vor.u32 v22, v19;
	v5 =	vor.u32 v5, v13;
	v13 =	vor.u32 v21, v15;
	v8 =	vld [tilespmem:s14+$0xFFFFFFD0];
	p0 =	slt.u32 s13, $0x28;
	[tilespmem:s11+$0xFFFFFFE0] =	vst v7  }
0xea: {  	v7 =	vor.u32 v20, v18;
	v15 =	vor.u32 v2, v16;
	v16 =	vor.u32 v3, v17;
	v21 =	vld [tilespmem:s14+$0xFFFFFFE0];
	[tilespmem:s11+$0xFFFFFFF0] =	vst v9  }
0xeb: {  	v17 =	vor.u32 v0, v5;
	v4 =	vor.u32 v4, v14;
	v9 =	vor.u32 v0, v19;
	s11 =	sadd.s32 $0x400, s11;
	v20 =	vld [tilespmem:s14+$0xFFFFFFF0];
	[tilespmem:s12+$0x0] =	vst v10  }
0xec: {  	v14 =	vor.u32 v0, v7;
	v18 =	vor.u32 v0, v15;
	v10 =	vor.u32 v0, v13;
	v2 =	vld [tilespmem:s14+$0x0];
	[tilespmem:s11+$0x30] =	vst v12  }
0xed: {  	v24 =	vor.u32 v0, v4;
	v12 =	vor.u32 v0, v16;
	v3 =	vld [tilespmem:s14+$0x10];
	v7 =	vshll.u32 v23, $0x3;
	[tilespmem:s12+$0x10] =	vst v6  }
0xee: {  	v5 =	vand.u32 $0x7F, v8;
	v6 =	vshll.u32 v8, $0x3;
	v4 =	vld [tilespmem:s14+$0x20];
	v7 =	vand.u32 $0xFFFFFC00, v7;
	[tilespmem:s12+$0x20] =	vst v11;
	s12 =	smov.u32 s11  }
0xef: {  	v13 =	vand.u32 $0x7F, v23;
	v11 =	vld [tilespmem:s14+$0xFFFFFFC0];
	v8 =	vshll.u32 v21, $0x3;
	v7 =	vadd.s32 v1, v7  }
0xf0: {  	v6 =	vand.u32 $0xFFFFFC00, v6;
	v15 =	vshll.u32 v20, $0x3;
	v7 =	vor.u32 v13, v7;
	v23 =	vld.idx.msk [tilespmem:v9+s0+$0x0], $0xffff  }
0xf1: {  	v16 =	vand.u32 $0xFFFFFC00, v8;
	v9 =	vshll.u32 v2, $0x3;
	v22 =	vor.u32 v0, v7;
	v8 =	vld.idx.msk [tilespmem:v17+s0+$0x0], $0xffff  }
0xf2: {  	v17 =	vand.u32 $0xFFFFFC00, v15;
	v19 =	vand.u32 $0xFFFFFC00, v9;
	v9 =	vshll.u32 v3, $0x3;
	v7 =	vld.idx.msk [tilespmem:v10+s0+$0x0], $0xffff  }
.Ltmp4:
0xf3: {  	v13 =	vadd.s32 v1, v6;
	v25 =	vand.u32 $0xFFFFFC00, v9;
	v6 =	vshll.u32 v4, $0x3;
	v9 =	vld.idx.msk [tilespmem:v14+s0+$0x0], $0xffff;
	(pc) =	sbr.rel @p0 .LBB2_11-.Ltmp4, $4  }
0xf4: {  	v15 =	vadd.s32 v1, v16;
	v14 =	vshll.u32 v11, $0x3;
	v26 =	vand.u32 $0xFFFFFC00, v6;
	v10 =	vld.idx.msk [tilespmem:v18+s0+$0x0], $0xffff  }
0xf5: {  	v16 =	vadd.s32 v1, v19;
	v18 =	vadd.s32 v1, v17;
	v14 =	vand.u32 $0xFFFFFC00, v14;
	v6 =	vld.idx.msk [tilespmem:v12+s0+$0x0], $0xffff  }
0xf6: {  	v17 =	vadd.s32 v1, v25;
	v19 =	vadd.s32 v1, v14;
	v14 =	vadd.s32 v1, v26;
	v12 =	vld.idx.msk [tilespmem:v22+s0+$0x0], $0xffff  }
0xf7: {  	v21 =	vand.u32 $0x7F, v21;
	s14 =	sadd.s32 $0x80, s14;
	v20 =	vand.u32 $0x7F, v20;
	v22 =	vand.u32 $0x7F, v11;
	[tilespmem:s11+$0xFFFFFFC0] =	vst v23;
	v11 =	vld.idx.msk [tilespmem:v24+s0+$0x0], $0xffff  }
0xf8: {  	v1 =	vor.u32 v22, v19  }
0xf9: {  	v5 =	vor.u32 v5, v13;
	v1 =	vor.u32 v0, v1  }
0xfa: {  	v57 =	vor.u32 v21, v15;
	v5 =	vor.u32 v0, v5  }
0xfb: {  	v2 =	vand.u32 $0x7F, v2;
	v58 =	vor.u32 v20, v18;
	v13 =	vor.u32 v0, v57  }
0xfc: {  	v3 =	vand.u32 $0x7F, v3;
	[tilespmem:s11+$0xFFFFFFD0] =	vst v8;
	v2 =	vor.u32 v2, v16;
	v59 =	vor.u32 v0, v58  }
0xfd: {  	v4 =	vand.u32 $0x7F, v4;
	[tilespmem:s11+$0xFFFFFFE0] =	vst v7;
	v3 =	vor.u32 v3, v17;
	v2 =	vor.u32 v0, v2  }
0xfe: {  	[tilespmem:s11+$0xFFFFFFF0] =	vst v9;
	v4 =	vor.u32 v4, v14;
	v3 =	vor.u32 v0, v3;
	v1 =	vld.idx.msk [tilespmem:v1+s0+$0x0], $0xffff  }
0xff: {  	[tilespmem:s12+$0x0] =	vst v10;
	v60 =	vor.u32 v0, v4;
	v61 =	vld.idx.msk [tilespmem:v5+s0+$0x0], $0xffff  }
0x100: {  	s14 =	sadd.s32 $0x400, s11;
	[tilespmem:s12+$0x10] =	vst v6;
	v62 =	vld.idx.msk [tilespmem:v13+s0+$0x0], $0xffff  }
0x101: {  	[tilespmem:s14+$0x30] =	vst v12;
	v63 =	vld.idx.msk [tilespmem:v59+s0+$0x0], $0xffff  }
0x102: {  	[tilespmem:s12+$0x20] =	vst v11;
	v2 =	vld.idx.msk [tilespmem:v2+s0+$0x0], $0xffff  }
0x103: {  	s10 =	sadd.s32 $0x1, s10;
	v3 =	vld.idx.msk [tilespmem:v3+s0+$0x0], $0xffff;
	[tilespmem:s14+$0xFFFFFFC0] =	vst v1  }
0x104: {  	p0 =	sne.s32 s10, $0x20;
	v0 =	vld.idx.msk [tilespmem:v60+s0+$0x0], $0xffff;
	[tilespmem:s14+$0xFFFFFFD0] =	vst v61  }
.Ltmp5:
0x105: {  	[tilespmem:s14+$0xFFFFFFE0] =	vst v62;
	(pc) =	sbr.rel @p0 .LBB2_10-.Ltmp5, $4  }
0x106: {  	[tilespmem:s14+$0xFFFFFFF0] =	vst v63  }
0x107: {  	[tilespmem:s14+$0x0] =	vst v2  }
0x108: {  	[tilespmem:s14+$0x10] =	vst v3  }
0x109: {  	s9 =	sadd.s32 $0x1, s9;
	[tilespmem:s14+$0x20] =	vst v0  }
0x10a: {  	s9 =	simm.s32 $0x0;
	s10 =	rddreg [dreg:$0x8]  }
0x10b: {  	[hbm4b:s10+s9] =	stream.linear.scatter [tilespmem:s4], [sflag:$0x2], $0x6000, $0x38;
	[tilespmem:$0x18300] =	vst v63  }
0x10c: {  	_ =	swait.ge [sflag:s2], $0x6000  }
0x10d: {  	[sflag:s2] =	ssyncset.done $0x0  }
0x10e: {  	s14 =	rddreg [dreg:$0x9];
	[sflag:s2] =	ssyncadd.s32 $0xFFFFA000  }
0x10f: {  	[tilespmem:s0], [sflag:$0x1] =	stream.linear.gather [hbm4b:s14+s9], $0x6000, $0x38;
	[tilespmem:$0x18300] =	vst v63  }
0x110: {  	_ =	swait.ge [sflag:s7], $0x6000  }
0x111: {  	[sflag:s7] =	ssyncset.done $0x0  }
0x112: {  	s10 =	simm.s32 $0x0;
	[sflag:s7] =	ssyncadd.s32 $0xFFFFA000  }
.LBB2_14:
0x113: {  	s11 =	simm.s32 $0x40  }
0x114: {  	v2 =	vld [tilespmem:s11+$0x30]  }
0x115: {  	v3 =	vld [tilespmem:s11+$0xFFFFFFD0]  }
0x116: {  	v4 =	vld [tilespmem:s11+$0xFFFFFFE0]  }
0x117: {  	v5 =	vld [tilespmem:s11+$0xFFFFFFF0]  }
0x118: {  	v7 =	vld [tilespmem:s11+$0x10]  }
0x119: {  	v0 =	vmov s10;
	v10 =	vld [tilespmem:s11+$0x20]  }
0x11a: {  	v1 =	vshrl.u32 v0, $0x3;
	v11 =	vld [tilespmem:s11+$0xFFFFFFC0]  }
0x11b: {  	v0 =	vshll.u32 v0, $0x7;
	v1 =	vmul.u32 $0x1800, v1  }
0x11c: {  	v0 =	vand.u32 $0x380, v0;
	v8 =	vshll.u32 v2, $0x3;
	v9 =	vand.u32 $0x7F, v3  }
0x11d: {  	v3 =	vshll.u32 v3, $0x3;
	v12 =	vshll.u32 v4, $0x3;
	v2 =	vand.u32 $0x7F, v2  }
0x11e: {  	v13 =	vshll.u32 v5, $0x3;
	v14 =	vshll.u32 v7, $0x3;
	v15 =	vshll.u32 v10, $0x3  }
0x11f: {  	v16 =	vshll.u32 v11, $0x3;
	v4 =	vand.u32 $0x7F, v4;
	v8 =	vand.u32 $0xFFFFFC00, v8  }
0x120: {  	v6 =	vld [tilespmem:s11+$0x0];
	v5 =	vand.u32 $0x7F, v5;
	v7 =	vand.u32 $0x7F, v7;
	v8 =	vadd.s32 v1, v8  }
0x121: {  	v10 =	vand.u32 $0x7F, v10;
	v3 =	vand.u32 $0xFFFFFC00, v3;
	v2 =	vor.u32 v2, v8  }
0x122: {  	v13 =	vand.u32 $0xFFFFFC00, v13;
	v14 =	vand.u32 $0xFFFFFC00, v14;
	v2 =	vor.u32 v0, v2  }
0x123: {  	v15 =	vand.u32 $0xFFFFFC00, v15;
	v16 =	vand.u32 $0xFFFFFC00, v16;
	v3 =	vadd.s32 v1, v3  }
0x124: {  	s14 =	simm.s32 $0xC0;
	v13 =	vadd.s32 v1, v13;
	v16 =	vadd.s32 v1, v16;
	v14 =	vadd.s32 v1, v14  }
0x125: {  	v18 =	vld [tilespmem:s14+$0xFFFFFFD0];
	v15 =	vadd.s32 v1, v15;
	v8 =	vand.u32 $0xFFFFFC00, v12;
	v12 =	vshll.u32 v6, $0x3  }
0x126: {  	v23 =	vld [tilespmem:s14+$0xFFFFFFF0];
	v6 =	vand.u32 $0x7F, v6;
	v3 =	vor.u32 v9, v3;
	v5 =	vor.u32 v5, v13  }
0x127: {  	v7 =	vor.u32 v7, v14;
	v10 =	vor.u32 v10, v15;
	v12 =	vand.u32 $0xFFFFFC00, v12;
	v17 =	vld.idx.msk [tilespmem:v2+s3+$0x0], $0xffff  }
0x128: {  	v8 =	vadd.s32 v1, v8;
	v9 =	vor.u32 v0, v3;
	v2 =	vand.u32 $0x7F, v11;
	v11 =	vld [tilespmem:s14+$0x30]  }
0x129: {  	v14 =	vor.u32 v0, v5;
	v12 =	vadd.s32 v1, v12;
	v4 =	vor.u32 v4, v8  }
0x12a: {  	v20 =	vld [tilespmem:s14+$0xFFFFFFE0];
	v6 =	vor.u32 v6, v12;
	v12 =	vor.u32 v0, v4;
	v2 =	vor.u32 v2, v16  }
0x12b: {  	v19 =	vor.u32 v0, v7;
	v7 =	vshll.u32 v18, $0x3;
	v8 =	vor.u32 v0, v2;
	v2 =	vld [tilespmem:s14+$0x0]  }
0x12c: {  	v3 =	vld [tilespmem:s14+$0x10];
	v24 =	vor.u32 v0, v10;
	v15 =	vand.u32 $0xFFFFFC00, v7;
	v7 =	vshll.u32 v23, $0x3  }
0x12d: {  	v5 =	vand.u32 $0x7F, v18;
	v4 =	vld [tilespmem:s14+$0x20];
	v18 =	vand.u32 $0xFFFFFC00, v7;
	v13 =	vshll.u32 v11, $0x3  }
0x12e: {  	s12 =	sshrl.u32 s10, $0x3;
	v21 =	vld [tilespmem:s14+$0xFFFFFFC0];
	v6 =	vor.u32 v0, v6;
	v18 =	vadd.s32 v1, v18;
	v10 =	vand.u32 $0xFFFFFC00, v13  }
0x12f: {  	s13 =	smul.u32 $0x6000, s12;
	s14 =	sand.u32 $0x7, s9;
	v7 =	vld.idx.msk [tilespmem:v12+s3+$0x0], $0xffff;
	v11 =	vand.u32 $0x7F, v11;
	v13 =	vshll.u32 v20, $0x3;
	v10 =	vadd.s32 v1, v10  }
0x130: {  	s12 =	sshll.u32 s14, $0x9;
	v16 =	vand.u32 $0xFFFFFC00, v13;
	v13 =	vshll.u32 v2, $0x3;
	v10 =	vor.u32 v11, v10;
	v11 =	vld.idx.msk [tilespmem:v8+s3+$0x0], $0xffff  }
0x131: {  	s11 =	sor.u32 s12, s13;
	v8 =	vld.idx.msk [tilespmem:v9+s3+$0x0], $0xffff;
	v25 =	vand.u32 $0xFFFFFC00, v13;
	v9 =	vshll.u32 v3, $0x3;
	v22 =	vor.u32 v0, v10  }
0x132: {  	s11 =	sshra.s32 s11, $0x2;
	v13 =	vadd.s32 v1, v15;
	v12 =	vand.u32 $0xFFFFFC00, v9;
	v10 =	vshll.u32 v4, $0x3;
	v9 =	vld.idx.msk [tilespmem:v14+s3+$0x0], $0xffff  }
0x133: {  	s11 =	sadd.s32 $0x12340, s11;
	v15 =	vadd.s32 v1, v16;
	v14 =	vshll.u32 v21, $0x3;
	v26 =	vand.u32 $0xFFFFFC00, v10;
	v10 =	vld.idx.msk [tilespmem:v6+s3+$0x0], $0xffff  }
0x134: {  	[tilespmem:s11+$0x30] =	vst v17;
	v16 =	vadd.s32 v1, v25;
	v14 =	vand.u32 $0xFFFFFC00, v14;
	v6 =	vld.idx.msk [tilespmem:v19+s3+$0x0], $0xffff;
	v17 =	vadd.s32 v1, v12  }
0x135: {  	v19 =	vadd.s32 v1, v14;
	v14 =	vadd.s32 v1, v26;
	[tilespmem:s11+$0xFFFFFFC0] =	vst v11;
	v11 =	vld.idx.msk [tilespmem:v24+s3+$0x0], $0xffff  }
0x136: {  	s14 =	simm.s32 $0x140;
	s13 =	simm.s32 $0x8;
	s12 =	smov.u32 s11;
	v12 =	vld.idx.msk [tilespmem:v22+s3+$0x0], $0xffff;
	v22 =	vand.u32 $0x7F, v21;
	v21 =	vand.u32 $0x7F, v20;
	v20 =	vand.u32 $0x7F, v23  }
.LBB2_15:
0x137: {  	v23 =	vld [tilespmem:s14+$0x30];
	s13 =	sadd.s32 $0x8, s13;
	v2 =	vand.u32 $0x7F, v2;
	v3 =	vand.u32 $0x7F, v3;
	v4 =	vand.u32 $0x7F, v4;
	[tilespmem:s11+$0xFFFFFFD0] =	vst v8  }
0x138: {  	v19 =	vor.u32 v22, v19;
	v5 =	vor.u32 v5, v13;
	v13 =	vor.u32 v21, v15;
	v8 =	vld [tilespmem:s14+$0xFFFFFFD0];
	p0 =	slt.u32 s13, $0x28;
	[tilespmem:s11+$0xFFFFFFE0] =	vst v7  }
0x139: {  	v7 =	vor.u32 v20, v18;
	v15 =	vor.u32 v2, v16;
	v16 =	vor.u32 v3, v17;
	v21 =	vld [tilespmem:s14+$0xFFFFFFE0];
	[tilespmem:s11+$0xFFFFFFF0] =	vst v9  }
0x13a: {  	v17 =	vor.u32 v0, v5;
	v4 =	vor.u32 v4, v14;
	v9 =	vor.u32 v0, v19;
	s11 =	sadd.s32 $0x400, s11;
	v20 =	vld [tilespmem:s14+$0xFFFFFFF0];
	[tilespmem:s12+$0x0] =	vst v10  }
0x13b: {  	v14 =	vor.u32 v0, v7;
	v18 =	vor.u32 v0, v15;
	v10 =	vor.u32 v0, v13;
	v2 =	vld [tilespmem:s14+$0x0];
	[tilespmem:s11+$0x30] =	vst v12  }
0x13c: {  	v24 =	vor.u32 v0, v4;
	v12 =	vor.u32 v0, v16;
	v3 =	vld [tilespmem:s14+$0x10];
	v7 =	vshll.u32 v23, $0x3;
	[tilespmem:s12+$0x10] =	vst v6  }
0x13d: {  	v5 =	vand.u32 $0x7F, v8;
	v6 =	vshll.u32 v8, $0x3;
	v4 =	vld [tilespmem:s14+$0x20];
	v7 =	vand.u32 $0xFFFFFC00, v7;
	[tilespmem:s12+$0x20] =	vst v11;
	s12 =	smov.u32 s11  }
0x13e: {  	v13 =	vand.u32 $0x7F, v23;
	v11 =	vld [tilespmem:s14+$0xFFFFFFC0];
	v8 =	vshll.u32 v21, $0x3;
	v7 =	vadd.s32 v1, v7  }
0x13f: {  	v6 =	vand.u32 $0xFFFFFC00, v6;
	v15 =	vshll.u32 v20, $0x3;
	v7 =	vor.u32 v13, v7;
	v23 =	vld.idx.msk [tilespmem:v9+s3+$0x0], $0xffff  }
0x140: {  	v16 =	vand.u32 $0xFFFFFC00, v8;
	v9 =	vshll.u32 v2, $0x3;
	v22 =	vor.u32 v0, v7;
	v8 =	vld.idx.msk [tilespmem:v17+s3+$0x0], $0xffff  }
0x141: {  	v17 =	vand.u32 $0xFFFFFC00, v15;
	v19 =	vand.u32 $0xFFFFFC00, v9;
	v9 =	vshll.u32 v3, $0x3;
	v7 =	vld.idx.msk [tilespmem:v10+s3+$0x0], $0xffff  }
.Ltmp6:
0x142: {  	v13 =	vadd.s32 v1, v6;
	v25 =	vand.u32 $0xFFFFFC00, v9;
	v6 =	vshll.u32 v4, $0x3;
	v9 =	vld.idx.msk [tilespmem:v14+s3+$0x0], $0xffff;
	(pc) =	sbr.rel @p0 .LBB2_15-.Ltmp6, $4  }
0x143: {  	v15 =	vadd.s32 v1, v16;
	v14 =	vshll.u32 v11, $0x3;
	v26 =	vand.u32 $0xFFFFFC00, v6;
	v10 =	vld.idx.msk [tilespmem:v18+s3+$0x0], $0xffff  }
0x144: {  	v16 =	vadd.s32 v1, v19;
	v18 =	vadd.s32 v1, v17;
	v14 =	vand.u32 $0xFFFFFC00, v14;
	v6 =	vld.idx.msk [tilespmem:v12+s3+$0x0], $0xffff  }
0x145: {  	v17 =	vadd.s32 v1, v25;
	v19 =	vadd.s32 v1, v14;
	v14 =	vadd.s32 v1, v26;
	v12 =	vld.idx.msk [tilespmem:v22+s3+$0x0], $0xffff  }
0x146: {  	v21 =	vand.u32 $0x7F, v21;
	s14 =	sadd.s32 $0x80, s14;
	v20 =	vand.u32 $0x7F, v20;
	v22 =	vand.u32 $0x7F, v11;
	[tilespmem:s11+$0xFFFFFFC0] =	vst v23;
	v11 =	vld.idx.msk [tilespmem:v24+s3+$0x0], $0xffff  }
0x147: {  	v1 =	vor.u32 v22, v19  }
0x148: {  	v5 =	vor.u32 v5, v13;
	v1 =	vor.u32 v0, v1  }
0x149: {  	v57 =	vor.u32 v21, v15;
	v5 =	vor.u32 v0, v5  }
0x14a: {  	v2 =	vand.u32 $0x7F, v2;
	v58 =	vor.u32 v20, v18;
	v13 =	vor.u32 v0, v57  }
0x14b: {  	v3 =	vand.u32 $0x7F, v3;
	[tilespmem:s11+$0xFFFFFFD0] =	vst v8;
	v2 =	vor.u32 v2, v16;
	v59 =	vor.u32 v0, v58  }
0x14c: {  	v4 =	vand.u32 $0x7F, v4;
	[tilespmem:s11+$0xFFFFFFE0] =	vst v7;
	v3 =	vor.u32 v3, v17;
	v2 =	vor.u32 v0, v2  }
0x14d: {  	[tilespmem:s11+$0xFFFFFFF0] =	vst v9;
	v4 =	vor.u32 v4, v14;
	v3 =	vor.u32 v0, v3;
	v1 =	vld.idx.msk [tilespmem:v1+s3+$0x0], $0xffff  }
0x14e: {  	[tilespmem:s12+$0x0] =	vst v10;
	v60 =	vor.u32 v0, v4;
	v61 =	vld.idx.msk [tilespmem:v5+s3+$0x0], $0xffff  }
0x14f: {  	s14 =	sadd.s32 $0x400, s11;
	[tilespmem:s12+$0x10] =	vst v6;
	v62 =	vld.idx.msk [tilespmem:v13+s3+$0x0], $0xffff  }
0x150: {  	[tilespmem:s14+$0x30] =	vst v12;
	v63 =	vld.idx.msk [tilespmem:v59+s3+$0x0], $0xffff  }
0x151: {  	[tilespmem:s12+$0x20] =	vst v11;
	v2 =	vld.idx.msk [tilespmem:v2+s3+$0x0], $0xffff  }
0x152: {  	s10 =	sadd.s32 $0x1, s10;
	v3 =	vld.idx.msk [tilespmem:v3+s3+$0x0], $0xffff;
	[tilespmem:s14+$0xFFFFFFC0] =	vst v1  }
0x153: {  	p0 =	sne.s32 s10, $0x20;
	v0 =	vld.idx.msk [tilespmem:v60+s3+$0x0], $0xffff;
	[tilespmem:s14+$0xFFFFFFD0] =	vst v61  }
.Ltmp7:
0x154: {  	[tilespmem:s14+$0xFFFFFFE0] =	vst v62;
	(pc) =	sbr.rel @p0 .LBB2_14-.Ltmp7, $4  }
0x155: {  	[tilespmem:s14+$0xFFFFFFF0] =	vst v63  }
0x156: {  	[tilespmem:s14+$0x0] =	vst v2  }
0x157: {  	[tilespmem:s14+$0x10] =	vst v3  }
0x158: {  	s9 =	sadd.s32 $0x1, s9;
	[tilespmem:s14+$0x20] =	vst v0  }
0x159: {  	s9 =	simm.s32 $0x0;
	s10 =	rddreg [dreg:$0xa]  }
0x15a: {  	[hbm4b:s10+s9] =	stream.linear.scatter [tilespmem:s5], [sflag:$0x3], $0x6000, $0x38;
	[tilespmem:$0x18300] =	vst v63  }
0x15b: {  	_ =	swait.ge [sflag:s2], $0x6000  }
0x15c: {  	[sflag:s2] =	ssyncset.done $0x0  }
0x15d: {  	s14 =	rddreg [dreg:$0xb];
	[sflag:s2] =	ssyncadd.s32 $0xFFFFA000  }
0x15e: {  	[tilespmem:s3], [sflag:$0x1] =	stream.linear.gather [hbm4b:s14+s9], $0x6000, $0x38;
	[tilespmem:$0x18300] =	vst v63  }
0x15f: {  	_ =	swait.ge [sflag:s6], $0x6000  }
0x160: {  	[sflag:s6] =	ssyncset.done $0x0  }
0x161: {  	s10 =	simm.s32 $0x0;
	[sflag:s6] =	ssyncadd.s32 $0xFFFFA000  }
.LBB2_18:
0x162: {  	s11 =	simm.s32 $0x40  }
0x163: {  	v2 =	vld [tilespmem:s11+$0x30]  }
0x164: {  	v3 =	vld [tilespmem:s11+$0xFFFFFFD0]  }
0x165: {  	v4 =	vld [tilespmem:s11+$0xFFFFFFE0]  }
0x166: {  	v5 =	vld [tilespmem:s11+$0xFFFFFFF0]  }
0x167: {  	v7 =	vld [tilespmem:s11+$0x10]  }
0x168: {  	v0 =	vmov s10;
	v10 =	vld [tilespmem:s11+$0x20]  }
0x169: {  	v1 =	vshrl.u32 v0, $0x3;
	v11 =	vld [tilespmem:s11+$0xFFFFFFC0]  }
0x16a: {  	v0 =	vshll.u32 v0, $0x7;
	v1 =	vmul.u32 $0x1800, v1  }
0x16b: {  	v0 =	vand.u32 $0x380, v0;
	v8 =	vshll.u32 v2, $0x3;
	v9 =	vand.u32 $0x7F, v3  }
0x16c: {  	v3 =	vshll.u32 v3, $0x3;
	v12 =	vshll.u32 v4, $0x3;
	v2 =	vand.u32 $0x7F, v2  }
0x16d: {  	v13 =	vshll.u32 v5, $0x3;
	v14 =	vshll.u32 v7, $0x3;
	v15 =	vshll.u32 v10, $0x3  }
0x16e: {  	v16 =	vshll.u32 v11, $0x3;
	v4 =	vand.u32 $0x7F, v4;
	v8 =	vand.u32 $0xFFFFFC00, v8  }
0x16f: {  	v6 =	vld [tilespmem:s11+$0x0];
	v5 =	vand.u32 $0x7F, v5;
	v7 =	vand.u32 $0x7F, v7;
	v8 =	vadd.s32 v1, v8  }
0x170: {  	v10 =	vand.u32 $0x7F, v10;
	v3 =	vand.u32 $0xFFFFFC00, v3;
	v2 =	vor.u32 v2, v8  }
0x171: {  	v13 =	vand.u32 $0xFFFFFC00, v13;
	v14 =	vand.u32 $0xFFFFFC00, v14;
	v2 =	vor.u32 v0, v2  }
0x172: {  	v15 =	vand.u32 $0xFFFFFC00, v15;
	v16 =	vand.u32 $0xFFFFFC00, v16;
	v3 =	vadd.s32 v1, v3  }
0x173: {  	s14 =	simm.s32 $0xC0;
	v13 =	vadd.s32 v1, v13;
	v16 =	vadd.s32 v1, v16;
	v14 =	vadd.s32 v1, v14  }
0x174: {  	v18 =	vld [tilespmem:s14+$0xFFFFFFD0];
	v15 =	vadd.s32 v1, v15;
	v8 =	vand.u32 $0xFFFFFC00, v12;
	v12 =	vshll.u32 v6, $0x3  }
0x175: {  	v23 =	vld [tilespmem:s14+$0xFFFFFFF0];
	v6 =	vand.u32 $0x7F, v6;
	v3 =	vor.u32 v9, v3;
	v5 =	vor.u32 v5, v13  }
0x176: {  	v7 =	vor.u32 v7, v14;
	v10 =	vor.u32 v10, v15;
	v12 =	vand.u32 $0xFFFFFC00, v12;
	v17 =	vld.idx.msk [tilespmem:v2+s0+$0x0], $0xffff  }
0x177: {  	v8 =	vadd.s32 v1, v8;
	v9 =	vor.u32 v0, v3;
	v2 =	vand.u32 $0x7F, v11;
	v11 =	vld [tilespmem:s14+$0x30]  }
0x178: {  	v14 =	vor.u32 v0, v5;
	v12 =	vadd.s32 v1, v12;
	v4 =	vor.u32 v4, v8  }
0x179: {  	v20 =	vld [tilespmem:s14+$0xFFFFFFE0];
	v6 =	vor.u32 v6, v12;
	v12 =	vor.u32 v0, v4;
	v2 =	vor.u32 v2, v16  }
0x17a: {  	v19 =	vor.u32 v0, v7;
	v7 =	vshll.u32 v18, $0x3;
	v8 =	vor.u32 v0, v2;
	v2 =	vld [tilespmem:s14+$0x0]  }
0x17b: {  	v3 =	vld [tilespmem:s14+$0x10];
	v24 =	vor.u32 v0, v10;
	v15 =	vand.u32 $0xFFFFFC00, v7;
	v7 =	vshll.u32 v23, $0x3  }
0x17c: {  	v5 =	vand.u32 $0x7F, v18;
	v4 =	vld [tilespmem:s14+$0x20];
	v18 =	vand.u32 $0xFFFFFC00, v7;
	v13 =	vshll.u32 v11, $0x3  }
0x17d: {  	s12 =	sshrl.u32 s10, $0x3;
	v21 =	vld [tilespmem:s14+$0xFFFFFFC0];
	v6 =	vor.u32 v0, v6;
	v18 =	vadd.s32 v1, v18;
	v10 =	vand.u32 $0xFFFFFC00, v13  }
0x17e: {  	s13 =	smul.u32 $0x6000, s12;
	s14 =	sand.u32 $0x7, s9;
	v7 =	vld.idx.msk [tilespmem:v12+s0+$0x0], $0xffff;
	v11 =	vand.u32 $0x7F, v11;
	v13 =	vshll.u32 v20, $0x3;
	v10 =	vadd.s32 v1, v10  }
0x17f: {  	s12 =	sshll.u32 s14, $0x9;
	v16 =	vand.u32 $0xFFFFFC00, v13;
	v13 =	vshll.u32 v2, $0x3;
	v10 =	vor.u32 v11, v10;
	v11 =	vld.idx.msk [tilespmem:v8+s0+$0x0], $0xffff  }
0x180: {  	s11 =	sor.u32 s12, s13;
	v8 =	vld.idx.msk [tilespmem:v9+s0+$0x0], $0xffff;
	v25 =	vand.u32 $0xFFFFFC00, v13;
	v9 =	vshll.u32 v3, $0x3;
	v22 =	vor.u32 v0, v10  }
0x181: {  	s11 =	sshra.s32 s11, $0x2;
	v13 =	vadd.s32 v1, v15;
	v12 =	vand.u32 $0xFFFFFC00, v9;
	v10 =	vshll.u32 v4, $0x3;
	v9 =	vld.idx.msk [tilespmem:v14+s0+$0x0], $0xffff  }
0x182: {  	s11 =	sadd.s32 $0xC340, s11;
	v15 =	vadd.s32 v1, v16;
	v14 =	vshll.u32 v21, $0x3;
	v26 =	vand.u32 $0xFFFFFC00, v10;
	v10 =	vld.idx.msk [tilespmem:v6+s0+$0x0], $0xffff  }
0x183: {  	[tilespmem:s11+$0x30] =	vst v17;
	v16 =	vadd.s32 v1, v25;
	v14 =	vand.u32 $0xFFFFFC00, v14;
	v6 =	vld.idx.msk [tilespmem:v19+s0+$0x0], $0xffff;
	v17 =	vadd.s32 v1, v12  }
0x184: {  	v19 =	vadd.s32 v1, v14;
	v14 =	vadd.s32 v1, v26;
	[tilespmem:s11+$0xFFFFFFC0] =	vst v11;
	v11 =	vld.idx.msk [tilespmem:v24+s0+$0x0], $0xffff  }
0x185: {  	s14 =	simm.s32 $0x140;
	s13 =	simm.s32 $0x8;
	s12 =	smov.u32 s11;
	v12 =	vld.idx.msk [tilespmem:v22+s0+$0x0], $0xffff;
	v22 =	vand.u32 $0x7F, v21;
	v21 =	vand.u32 $0x7F, v20;
	v20 =	vand.u32 $0x7F, v23  }
.LBB2_19:
0x186: {  	v23 =	vld [tilespmem:s14+$0x30];
	s13 =	sadd.s32 $0x8, s13;
	v2 =	vand.u32 $0x7F, v2;
	v3 =	vand.u32 $0x7F, v3;
	v4 =	vand.u32 $0x7F, v4;
	[tilespmem:s11+$0xFFFFFFD0] =	vst v8  }
0x187: {  	v19 =	vor.u32 v22, v19;
	v5 =	vor.u32 v5, v13;
	v13 =	vor.u32 v21, v15;
	v8 =	vld [tilespmem:s14+$0xFFFFFFD0];
	p0 =	slt.u32 s13, $0x28;
	[tilespmem:s11+$0xFFFFFFE0] =	vst v7  }
0x188: {  	v7 =	vor.u32 v20, v18;
	v15 =	vor.u32 v2, v16;
	v16 =	vor.u32 v3, v17;
	v21 =	vld [tilespmem:s14+$0xFFFFFFE0];
	[tilespmem:s11+$0xFFFFFFF0] =	vst v9  }
0x189: {  	v17 =	vor.u32 v0, v5;
	v4 =	vor.u32 v4, v14;
	v9 =	vor.u32 v0, v19;
	s11 =	sadd.s32 $0x400, s11;
	v20 =	vld [tilespmem:s14+$0xFFFFFFF0];
	[tilespmem:s12+$0x0] =	vst v10  }
0x18a: {  	v14 =	vor.u32 v0, v7;
	v18 =	vor.u32 v0, v15;
	v10 =	vor.u32 v0, v13;
	v2 =	vld [tilespmem:s14+$0x0];
	[tilespmem:s11+$0x30] =	vst v12  }
0x18b: {  	v24 =	vor.u32 v0, v4;
	v12 =	vor.u32 v0, v16;
	v3 =	vld [tilespmem:s14+$0x10];
	v7 =	vshll.u32 v23, $0x3;
	[tilespmem:s12+$0x10] =	vst v6  }
0x18c: {  	v5 =	vand.u32 $0x7F, v8;
	v6 =	vshll.u32 v8, $0x3;
	v4 =	vld [tilespmem:s14+$0x20];
	v7 =	vand.u32 $0xFFFFFC00, v7;
	[tilespmem:s12+$0x20] =	vst v11;
	s12 =	smov.u32 s11  }
0x18d: {  	v13 =	vand.u32 $0x7F, v23;
	v11 =	vld [tilespmem:s14+$0xFFFFFFC0];
	v8 =	vshll.u32 v21, $0x3;
	v7 =	vadd.s32 v1, v7  }
0x18e: {  	v6 =	vand.u32 $0xFFFFFC00, v6;
	v15 =	vshll.u32 v20, $0x3;
	v7 =	vor.u32 v13, v7;
	v23 =	vld.idx.msk [tilespmem:v9+s0+$0x0], $0xffff  }
0x18f: {  	v16 =	vand.u32 $0xFFFFFC00, v8;
	v9 =	vshll.u32 v2, $0x3;
	v22 =	vor.u32 v0, v7;
	v8 =	vld.idx.msk [tilespmem:v17+s0+$0x0], $0xffff  }
0x190: {  	v17 =	vand.u32 $0xFFFFFC00, v15;
	v19 =	vand.u32 $0xFFFFFC00, v9;
	v9 =	vshll.u32 v3, $0x3;
	v7 =	vld.idx.msk [tilespmem:v10+s0+$0x0], $0xffff  }
.Ltmp8:
0x191: {  	v13 =	vadd.s32 v1, v6;
	v25 =	vand.u32 $0xFFFFFC00, v9;
	v6 =	vshll.u32 v4, $0x3;
	v9 =	vld.idx.msk [tilespmem:v14+s0+$0x0], $0xffff;
	(pc) =	sbr.rel @p0 .LBB2_19-.Ltmp8, $4  }
0x192: {  	v15 =	vadd.s32 v1, v16;
	v14 =	vshll.u32 v11, $0x3;
	v26 =	vand.u32 $0xFFFFFC00, v6;
	v10 =	vld.idx.msk [tilespmem:v18+s0+$0x0], $0xffff  }
0x193: {  	v16 =	vadd.s32 v1, v19;
	v18 =	vadd.s32 v1, v17;
	v14 =	vand.u32 $0xFFFFFC00, v14;
	v6 =	vld.idx.msk [tilespmem:v12+s0+$0x0], $0xffff  }
0x194: {  	v17 =	vadd.s32 v1, v25;
	v19 =	vadd.s32 v1, v14;
	v14 =	vadd.s32 v1, v26;
	v12 =	vld.idx.msk [tilespmem:v22+s0+$0x0], $0xffff  }
0x195: {  	v21 =	vand.u32 $0x7F, v21;
	s14 =	sadd.s32 $0x80, s14;
	v20 =	vand.u32 $0x7F, v20;
	v22 =	vand.u32 $0x7F, v11;
	[tilespmem:s11+$0xFFFFFFC0] =	vst v23;
	v11 =	vld.idx.msk [tilespmem:v24+s0+$0x0], $0xffff  }
0x196: {  	v1 =	vor.u32 v22, v19  }
0x197: {  	v5 =	vor.u32 v5, v13;
	v1 =	vor.u32 v0, v1  }
0x198: {  	v57 =	vor.u32 v21, v15;
	v5 =	vor.u32 v0, v5  }
0x199: {  	v2 =	vand.u32 $0x7F, v2;
	v58 =	vor.u32 v20, v18;
	v13 =	vor.u32 v0, v57  }
0x19a: {  	v3 =	vand.u32 $0x7F, v3;
	[tilespmem:s11+$0xFFFFFFD0] =	vst v8;
	v2 =	vor.u32 v2, v16;
	v59 =	vor.u32 v0, v58  }
0x19b: {  	v4 =	vand.u32 $0x7F, v4;
	[tilespmem:s11+$0xFFFFFFE0] =	vst v7;
	v3 =	vor.u32 v3, v17;
	v2 =	vor.u32 v0, v2  }
0x19c: {  	[tilespmem:s11+$0xFFFFFFF0] =	vst v9;
	v4 =	vor.u32 v4, v14;
	v3 =	vor.u32 v0, v3;
	v1 =	vld.idx.msk [tilespmem:v1+s0+$0x0], $0xffff  }
0x19d: {  	[tilespmem:s12+$0x0] =	vst v10;
	v60 =	vor.u32 v0, v4;
	v61 =	vld.idx.msk [tilespmem:v5+s0+$0x0], $0xffff  }
0x19e: {  	s14 =	sadd.s32 $0x400, s11;
	[tilespmem:s12+$0x10] =	vst v6;
	v62 =	vld.idx.msk [tilespmem:v13+s0+$0x0], $0xffff  }
0x19f: {  	[tilespmem:s14+$0x30] =	vst v12;
	v63 =	vld.idx.msk [tilespmem:v59+s0+$0x0], $0xffff  }
0x1a0: {  	[tilespmem:s12+$0x20] =	vst v11;
	v2 =	vld.idx.msk [tilespmem:v2+s0+$0x0], $0xffff  }
0x1a1: {  	s10 =	sadd.s32 $0x1, s10;
	v3 =	vld.idx.msk [tilespmem:v3+s0+$0x0], $0xffff;
	[tilespmem:s14+$0xFFFFFFC0] =	vst v1  }
0x1a2: {  	p0 =	sne.s32 s10, $0x20;
	v0 =	vld.idx.msk [tilespmem:v60+s0+$0x0], $0xffff;
	[tilespmem:s14+$0xFFFFFFD0] =	vst v61  }
.Ltmp9:
0x1a3: {  	[tilespmem:s14+$0xFFFFFFE0] =	vst v62;
	(pc) =	sbr.rel @p0 .LBB2_18-.Ltmp9, $4  }
0x1a4: {  	[tilespmem:s14+$0xFFFFFFF0] =	vst v63  }
0x1a5: {  	[tilespmem:s14+$0x0] =	vst v2  }
0x1a6: {  	[tilespmem:s14+$0x10] =	vst v3  }
0x1a7: {  	s9 =	sadd.s32 $0x1, s9;
	[tilespmem:s14+$0x20] =	vst v0  }
0x1a8: {  	s9 =	simm.s32 $0x0;
	s10 =	rddreg [dreg:$0xc]  }
0x1a9: {  	[hbm4b:s10+s9] =	stream.linear.scatter [tilespmem:s4], [sflag:$0x2], $0x6000, $0x38;
	[tilespmem:$0x18300] =	vst v63  }
0x1aa: {  	_ =	swait.ge [sflag:s2], $0x6000  }
0x1ab: {  	[sflag:s2] =	ssyncset.done $0x0  }
0x1ac: {  	s14 =	rddreg [dreg:$0xd];
	[sflag:s2] =	ssyncadd.s32 $0xFFFFA000  }
0x1ad: {  	[tilespmem:s0], [sflag:$0x1] =	stream.linear.gather [hbm4b:s14+s9], $0x6000, $0x38;
	[tilespmem:$0x18300] =	vst v63  }
0x1ae: {  	_ =	swait.ge [sflag:s7], $0x6000  }
0x1af: {  	[sflag:s7] =	ssyncset.done $0x0  }
0x1b0: {  	s10 =	simm.s32 $0x0;
	[sflag:s7] =	ssyncadd.s32 $0xFFFFA000  }
.LBB2_22:
0x1b1: {  	s11 =	simm.s32 $0x40  }
0x1b2: {  	v2 =	vld [tilespmem:s11+$0x30]  }
0x1b3: {  	v3 =	vld [tilespmem:s11+$0xFFFFFFD0]  }
0x1b4: {  	v4 =	vld [tilespmem:s11+$0xFFFFFFE0]  }
0x1b5: {  	v5 =	vld [tilespmem:s11+$0xFFFFFFF0]  }
0x1b6: {  	v7 =	vld [tilespmem:s11+$0x10]  }
0x1b7: {  	v0 =	vmov s10;
	v10 =	vld [tilespmem:s11+$0x20]  }
0x1b8: {  	v1 =	vshrl.u32 v0, $0x3;
	v11 =	vld [tilespmem:s11+$0xFFFFFFC0]  }
0x1b9: {  	v0 =	vshll.u32 v0, $0x7;
	v1 =	vmul.u32 $0x1800, v1  }
0x1ba: {  	v0 =	vand.u32 $0x380, v0;
	v8 =	vshll.u32 v2, $0x3;
	v9 =	vand.u32 $0x7F, v3  }
0x1bb: {  	v3 =	vshll.u32 v3, $0x3;
	v12 =	vshll.u32 v4, $0x3;
	v2 =	vand.u32 $0x7F, v2  }
0x1bc: {  	v13 =	vshll.u32 v5, $0x3;
	v14 =	vshll.u32 v7, $0x3;
	v15 =	vshll.u32 v10, $0x3  }
0x1bd: {  	v16 =	vshll.u32 v11, $0x3;
	v4 =	vand.u32 $0x7F, v4;
	v8 =	vand.u32 $0xFFFFFC00, v8  }
0x1be: {  	v6 =	vld [tilespmem:s11+$0x0];
	v5 =	vand.u32 $0x7F, v5;
	v7 =	vand.u32 $0x7F, v7;
	v8 =	vadd.s32 v1, v8  }
0x1bf: {  	v10 =	vand.u32 $0x7F, v10;
	v3 =	vand.u32 $0xFFFFFC00, v3;
	v2 =	vor.u32 v2, v8  }
0x1c0: {  	v13 =	vand.u32 $0xFFFFFC00, v13;
	v14 =	vand.u32 $0xFFFFFC00, v14;
	v2 =	vor.u32 v0, v2  }
0x1c1: {  	v15 =	vand.u32 $0xFFFFFC00, v15;
	v16 =	vand.u32 $0xFFFFFC00, v16;
	v3 =	vadd.s32 v1, v3  }
0x1c2: {  	s14 =	simm.s32 $0xC0;
	v13 =	vadd.s32 v1, v13;
	v16 =	vadd.s32 v1, v16;
	v14 =	vadd.s32 v1, v14  }
0x1c3: {  	v18 =	vld [tilespmem:s14+$0xFFFFFFD0];
	v15 =	vadd.s32 v1, v15;
	v8 =	vand.u32 $0xFFFFFC00, v12;
	v12 =	vshll.u32 v6, $0x3  }
0x1c4: {  	v23 =	vld [tilespmem:s14+$0xFFFFFFF0];
	v6 =	vand.u32 $0x7F, v6;
	v3 =	vor.u32 v9, v3;
	v5 =	vor.u32 v5, v13  }
0x1c5: {  	v7 =	vor.u32 v7, v14;
	v10 =	vor.u32 v10, v15;
	v12 =	vand.u32 $0xFFFFFC00, v12;
	v17 =	vld.idx.msk [tilespmem:v2+s3+$0x0], $0xffff  }
0x1c6: {  	v8 =	vadd.s32 v1, v8;
	v9 =	vor.u32 v0, v3;
	v2 =	vand.u32 $0x7F, v11;
	v11 =	vld [tilespmem:s14+$0x30]  }
0x1c7: {  	v14 =	vor.u32 v0, v5;
	v12 =	vadd.s32 v1, v12;
	v4 =	vor.u32 v4, v8  }
0x1c8: {  	v20 =	vld [tilespmem:s14+$0xFFFFFFE0];
	v6 =	vor.u32 v6, v12;
	v12 =	vor.u32 v0, v4;
	v2 =	vor.u32 v2, v16  }
0x1c9: {  	v19 =	vor.u32 v0, v7;
	v7 =	vshll.u32 v18, $0x3;
	v8 =	vor.u32 v0, v2;
	v2 =	vld [tilespmem:s14+$0x0]  }
0x1ca: {  	v3 =	vld [tilespmem:s14+$0x10];
	v24 =	vor.u32 v0, v10;
	v15 =	vand.u32 $0xFFFFFC00, v7;
	v7 =	vshll.u32 v23, $0x3  }
0x1cb: {  	v5 =	vand.u32 $0x7F, v18;
	v4 =	vld [tilespmem:s14+$0x20];
	v18 =	vand.u32 $0xFFFFFC00, v7;
	v13 =	vshll.u32 v11, $0x3  }
0x1cc: {  	s12 =	sshrl.u32 s10, $0x3;
	v21 =	vld [tilespmem:s14+$0xFFFFFFC0];
	v6 =	vor.u32 v0, v6;
	v18 =	vadd.s32 v1, v18;
	v10 =	vand.u32 $0xFFFFFC00, v13  }
0x1cd: {  	s13 =	smul.u32 $0x6000, s12;
	s14 =	sand.u32 $0x7, s9;
	v7 =	vld.idx.msk [tilespmem:v12+s3+$0x0], $0xffff;
	v11 =	vand.u32 $0x7F, v11;
	v13 =	vshll.u32 v20, $0x3;
	v10 =	vadd.s32 v1, v10  }
0x1ce: {  	s12 =	sshll.u32 s14, $0x9;
	v16 =	vand.u32 $0xFFFFFC00, v13;
	v13 =	vshll.u32 v2, $0x3;
	v10 =	vor.u32 v11, v10;
	v11 =	vld.idx.msk [tilespmem:v8+s3+$0x0], $0xffff  }
0x1cf: {  	s11 =	sor.u32 s12, s13;
	v8 =	vld.idx.msk [tilespmem:v9+s3+$0x0], $0xffff;
	v25 =	vand.u32 $0xFFFFFC00, v13;
	v9 =	vshll.u32 v3, $0x3;
	v22 =	vor.u32 v0, v10  }
0x1d0: {  	s11 =	sshra.s32 s11, $0x2;
	v13 =	vadd.s32 v1, v15;
	v12 =	vand.u32 $0xFFFFFC00, v9;
	v10 =	vshll.u32 v4, $0x3;
	v9 =	vld.idx.msk [tilespmem:v14+s3+$0x0], $0xffff  }
0x1d1: {  	s11 =	sadd.s32 $0x12340, s11;
	v15 =	vadd.s32 v1, v16;
	v14 =	vshll.u32 v21, $0x3;
	v26 =	vand.u32 $0xFFFFFC00, v10;
	v10 =	vld.idx.msk [tilespmem:v6+s3+$0x0], $0xffff  }
0x1d2: {  	[tilespmem:s11+$0x30] =	vst v17;
	v16 =	vadd.s32 v1, v25;
	v14 =	vand.u32 $0xFFFFFC00, v14;
	v6 =	vld.idx.msk [tilespmem:v19+s3+$0x0], $0xffff;
	v17 =	vadd.s32 v1, v12  }
0x1d3: {  	v19 =	vadd.s32 v1, v14;
	v14 =	vadd.s32 v1, v26;
	[tilespmem:s11+$0xFFFFFFC0] =	vst v11;
	v11 =	vld.idx.msk [tilespmem:v24+s3+$0x0], $0xffff  }
0x1d4: {  	s14 =	simm.s32 $0x140;
	s13 =	simm.s32 $0x8;
	s12 =	smov.u32 s11;
	v12 =	vld.idx.msk [tilespmem:v22+s3+$0x0], $0xffff;
	v22 =	vand.u32 $0x7F, v21;
	v21 =	vand.u32 $0x7F, v20;
	v20 =	vand.u32 $0x7F, v23  }
.LBB2_23:
0x1d5: {  	v23 =	vld [tilespmem:s14+$0x30];
	s13 =	sadd.s32 $0x8, s13;
	v2 =	vand.u32 $0x7F, v2;
	v3 =	vand.u32 $0x7F, v3;
	v4 =	vand.u32 $0x7F, v4;
	[tilespmem:s11+$0xFFFFFFD0] =	vst v8  }
0x1d6: {  	v19 =	vor.u32 v22, v19;
	v5 =	vor.u32 v5, v13;
	v13 =	vor.u32 v21, v15;
	v8 =	vld [tilespmem:s14+$0xFFFFFFD0];
	p0 =	slt.u32 s13, $0x28;
	[tilespmem:s11+$0xFFFFFFE0] =	vst v7  }
0x1d7: {  	v7 =	vor.u32 v20, v18;
	v15 =	vor.u32 v2, v16;
	v16 =	vor.u32 v3, v17;
	v21 =	vld [tilespmem:s14+$0xFFFFFFE0];
	[tilespmem:s11+$0xFFFFFFF0] =	vst v9  }
0x1d8: {  	v17 =	vor.u32 v0, v5;
	v4 =	vor.u32 v4, v14;
	v9 =	vor.u32 v0, v19;
	s11 =	sadd.s32 $0x400, s11;
	v20 =	vld [tilespmem:s14+$0xFFFFFFF0];
	[tilespmem:s12+$0x0] =	vst v10  }
0x1d9: {  	v14 =	vor.u32 v0, v7;
	v18 =	vor.u32 v0, v15;
	v10 =	vor.u32 v0, v13;
	v2 =	vld [tilespmem:s14+$0x0];
	[tilespmem:s11+$0x30] =	vst v12  }
0x1da: {  	v24 =	vor.u32 v0, v4;
	v12 =	vor.u32 v0, v16;
	v3 =	vld [tilespmem:s14+$0x10];
	v7 =	vshll.u32 v23, $0x3;
	[tilespmem:s12+$0x10] =	vst v6  }
0x1db: {  	v5 =	vand.u32 $0x7F, v8;
	v6 =	vshll.u32 v8, $0x3;
	v4 =	vld [tilespmem:s14+$0x20];
	v7 =	vand.u32 $0xFFFFFC00, v7;
	[tilespmem:s12+$0x20] =	vst v11;
	s12 =	smov.u32 s11  }
0x1dc: {  	v13 =	vand.u32 $0x7F, v23;
	v11 =	vld [tilespmem:s14+$0xFFFFFFC0];
	v8 =	vshll.u32 v21, $0x3;
	v7 =	vadd.s32 v1, v7  }
0x1dd: {  	v6 =	vand.u32 $0xFFFFFC00, v6;
	v15 =	vshll.u32 v20, $0x3;
	v7 =	vor.u32 v13, v7;
	v23 =	vld.idx.msk [tilespmem:v9+s3+$0x0], $0xffff  }
0x1de: {  	v16 =	vand.u32 $0xFFFFFC00, v8;
	v9 =	vshll.u32 v2, $0x3;
	v22 =	vor.u32 v0, v7;
	v8 =	vld.idx.msk [tilespmem:v17+s3+$0x0], $0xffff  }
0x1df: {  	v17 =	vand.u32 $0xFFFFFC00, v15;
	v19 =	vand.u32 $0xFFFFFC00, v9;
	v9 =	vshll.u32 v3, $0x3;
	v7 =	vld.idx.msk [tilespmem:v10+s3+$0x0], $0xffff  }
.Ltmp10:
0x1e0: {  	v13 =	vadd.s32 v1, v6;
	v25 =	vand.u32 $0xFFFFFC00, v9;
	v6 =	vshll.u32 v4, $0x3;
	v9 =	vld.idx.msk [tilespmem:v14+s3+$0x0], $0xffff;
	(pc) =	sbr.rel @p0 .LBB2_23-.Ltmp10, $4  }
0x1e1: {  	v15 =	vadd.s32 v1, v16;
	v14 =	vshll.u32 v11, $0x3;
	v26 =	vand.u32 $0xFFFFFC00, v6;
	v10 =	vld.idx.msk [tilespmem:v18+s3+$0x0], $0xffff  }
0x1e2: {  	v16 =	vadd.s32 v1, v19;
	v18 =	vadd.s32 v1, v17;
	v14 =	vand.u32 $0xFFFFFC00, v14;
	v6 =	vld.idx.msk [tilespmem:v12+s3+$0x0], $0xffff  }
0x1e3: {  	v17 =	vadd.s32 v1, v25;
	v19 =	vadd.s32 v1, v14;
	v14 =	vadd.s32 v1, v26;
	v12 =	vld.idx.msk [tilespmem:v22+s3+$0x0], $0xffff  }
0x1e4: {  	v21 =	vand.u32 $0x7F, v21;
	s14 =	sadd.s32 $0x80, s14;
	v20 =	vand.u32 $0x7F, v20;
	v22 =	vand.u32 $0x7F, v11;
	[tilespmem:s11+$0xFFFFFFC0] =	vst v23;
	v11 =	vld.idx.msk [tilespmem:v24+s3+$0x0], $0xffff  }
0x1e5: {  	v1 =	vor.u32 v22, v19  }
0x1e6: {  	v5 =	vor.u32 v5, v13;
	v1 =	vor.u32 v0, v1  }
0x1e7: {  	v57 =	vor.u32 v21, v15;
	v5 =	vor.u32 v0, v5  }
0x1e8: {  	v2 =	vand.u32 $0x7F, v2;
	v58 =	vor.u32 v20, v18;
	v13 =	vor.u32 v0, v57  }
0x1e9: {  	v3 =	vand.u32 $0x7F, v3;
	[tilespmem:s11+$0xFFFFFFD0] =	vst v8;
	v2 =	vor.u32 v2, v16;
	v59 =	vor.u32 v0, v58  }
0x1ea: {  	v4 =	vand.u32 $0x7F, v4;
	[tilespmem:s11+$0xFFFFFFE0] =	vst v7;
	v3 =	vor.u32 v3, v17;
	v2 =	vor.u32 v0, v2  }
0x1eb: {  	[tilespmem:s11+$0xFFFFFFF0] =	vst v9;
	v4 =	vor.u32 v4, v14;
	v3 =	vor.u32 v0, v3;
	v1 =	vld.idx.msk [tilespmem:v1+s3+$0x0], $0xffff  }
0x1ec: {  	[tilespmem:s12+$0x0] =	vst v10;
	v60 =	vor.u32 v0, v4;
	v61 =	vld.idx.msk [tilespmem:v5+s3+$0x0], $0xffff  }
0x1ed: {  	s14 =	sadd.s32 $0x400, s11;
	[tilespmem:s12+$0x10] =	vst v6;
	v62 =	vld.idx.msk [tilespmem:v13+s3+$0x0], $0xffff  }
0x1ee: {  	[tilespmem:s14+$0x30] =	vst v12;
	v63 =	vld.idx.msk [tilespmem:v59+s3+$0x0], $0xffff  }
0x1ef: {  	[tilespmem:s12+$0x20] =	vst v11;
	v2 =	vld.idx.msk [tilespmem:v2+s3+$0x0], $0xffff  }
0x1f0: {  	s10 =	sadd.s32 $0x1, s10;
	v3 =	vld.idx.msk [tilespmem:v3+s3+$0x0], $0xffff;
	[tilespmem:s14+$0xFFFFFFC0] =	vst v1  }
0x1f1: {  	p0 =	sne.s32 s10, $0x20;
	v0 =	vld.idx.msk [tilespmem:v60+s3+$0x0], $0xffff;
	[tilespmem:s14+$0xFFFFFFD0] =	vst v61  }
.Ltmp11:
0x1f2: {  	[tilespmem:s14+$0xFFFFFFE0] =	vst v62;
	(pc) =	sbr.rel @p0 .LBB2_22-.Ltmp11, $4  }
0x1f3: {  	[tilespmem:s14+$0xFFFFFFF0] =	vst v63  }
0x1f4: {  	[tilespmem:s14+$0x0] =	vst v2  }
0x1f5: {  	[tilespmem:s14+$0x10] =	vst v3  }
0x1f6: {  	s9 =	sadd.s32 $0x1, s9;
	[tilespmem:s14+$0x20] =	vst v0  }
0x1f7: {  	s9 =	simm.s32 $0x0;
	s10 =	rddreg [dreg:$0xe]  }
0x1f8: {  	[hbm4b:s10+s9] =	stream.linear.scatter [tilespmem:s5], [sflag:$0x3], $0x6000, $0x38;
	[tilespmem:$0x18300] =	vst v63  }
0x1f9: {  	_ =	swait.ge [sflag:s2], $0x6000  }
0x1fa: {  	[sflag:s2] =	ssyncset.done $0x0  }
0x1fb: {  	s14 =	rddreg [dreg:$0xf];
	[sflag:s2] =	ssyncadd.s32 $0xFFFFA000  }
0x1fc: {  	[tilespmem:s3], [sflag:$0x1] =	stream.linear.gather [hbm4b:s14+s9], $0x6000, $0x38;
	[tilespmem:$0x18300] =	vst v63  }
0x1fd: {  	_ =	swait.ge [sflag:s6], $0x6000  }
0x1fe: {  	[sflag:s6] =	ssyncset.done $0x0  }
0x1ff: {  	s10 =	simm.s32 $0x0;
	[sflag:s6] =	ssyncadd.s32 $0xFFFFA000  }
.LBB2_26:
0x200: {  	s11 =	simm.s32 $0x40  }
0x201: {  	v2 =	vld [tilespmem:s11+$0x30]  }
0x202: {  	v3 =	vld [tilespmem:s11+$0xFFFFFFD0]  }
0x203: {  	v4 =	vld [tilespmem:s11+$0xFFFFFFE0]  }
0x204: {  	v5 =	vld [tilespmem:s11+$0xFFFFFFF0]  }
0x205: {  	v7 =	vld [tilespmem:s11+$0x10]  }
0x206: {  	v0 =	vmov s10;
	v10 =	vld [tilespmem:s11+$0x20]  }
0x207: {  	v1 =	vshrl.u32 v0, $0x3;
	v11 =	vld [tilespmem:s11+$0xFFFFFFC0]  }
0x208: {  	v0 =	vshll.u32 v0, $0x7;
	v1 =	vmul.u32 $0x1800, v1  }
0x209: {  	v0 =	vand.u32 $0x380, v0;
	v8 =	vshll.u32 v2, $0x3;
	v9 =	vand.u32 $0x7F, v3  }
0x20a: {  	v3 =	vshll.u32 v3, $0x3;
	v12 =	vshll.u32 v4, $0x3;
	v2 =	vand.u32 $0x7F, v2  }
0x20b: {  	v13 =	vshll.u32 v5, $0x3;
	v14 =	vshll.u32 v7, $0x3;
	v15 =	vshll.u32 v10, $0x3  }
0x20c: {  	v16 =	vshll.u32 v11, $0x3;
	v4 =	vand.u32 $0x7F, v4;
	v8 =	vand.u32 $0xFFFFFC00, v8  }
0x20d: {  	v6 =	vld [tilespmem:s11+$0x0];
	v5 =	vand.u32 $0x7F, v5;
	v7 =	vand.u32 $0x7F, v7;
	v8 =	vadd.s32 v1, v8  }
0x20e: {  	v10 =	vand.u32 $0x7F, v10;
	v3 =	vand.u32 $0xFFFFFC00, v3;
	v2 =	vor.u32 v2, v8  }
0x20f: {  	v13 =	vand.u32 $0xFFFFFC00, v13;
	v14 =	vand.u32 $0xFFFFFC00, v14;
	v2 =	vor.u32 v0, v2  }
0x210: {  	v15 =	vand.u32 $0xFFFFFC00, v15;
	v16 =	vand.u32 $0xFFFFFC00, v16;
	v3 =	vadd.s32 v1, v3  }
0x211: {  	s14 =	simm.s32 $0xC0;
	v13 =	vadd.s32 v1, v13;
	v16 =	vadd.s32 v1, v16;
	v14 =	vadd.s32 v1, v14  }
0x212: {  	v18 =	vld [tilespmem:s14+$0xFFFFFFD0];
	v15 =	vadd.s32 v1, v15;
	v8 =	vand.u32 $0xFFFFFC00, v12;
	v12 =	vshll.u32 v6, $0x3  }
0x213: {  	v23 =	vld [tilespmem:s14+$0xFFFFFFF0];
	v6 =	vand.u32 $0x7F, v6;
	v3 =	vor.u32 v9, v3;
	v5 =	vor.u32 v5, v13  }
0x214: {  	v7 =	vor.u32 v7, v14;
	v10 =	vor.u32 v10, v15;
	v12 =	vand.u32 $0xFFFFFC00, v12;
	v17 =	vld.idx.msk [tilespmem:v2+s0+$0x0], $0xffff  }
0x215: {  	v8 =	vadd.s32 v1, v8;
	v9 =	vor.u32 v0, v3;
	v2 =	vand.u32 $0x7F, v11;
	v11 =	vld [tilespmem:s14+$0x30]  }
0x216: {  	v14 =	vor.u32 v0, v5;
	v12 =	vadd.s32 v1, v12;
	v4 =	vor.u32 v4, v8  }
0x217: {  	v20 =	vld [tilespmem:s14+$0xFFFFFFE0];
	v6 =	vor.u32 v6, v12;
	v12 =	vor.u32 v0, v4;
	v2 =	vor.u32 v2, v16  }
0x218: {  	v19 =	vor.u32 v0, v7;
	v7 =	vshll.u32 v18, $0x3;
	v8 =	vor.u32 v0, v2;
	v2 =	vld [tilespmem:s14+$0x0]  }
0x219: {  	v3 =	vld [tilespmem:s14+$0x10];
	v24 =	vor.u32 v0, v10;
	v15 =	vand.u32 $0xFFFFFC00, v7;
	v7 =	vshll.u32 v23, $0x3  }
0x21a: {  	v5 =	vand.u32 $0x7F, v18;
	v4 =	vld [tilespmem:s14+$0x20];
	v18 =	vand.u32 $0xFFFFFC00, v7;
	v13 =	vshll.u32 v11, $0x3  }
0x21b: {  	s12 =	sshrl.u32 s10, $0x3;
	v21 =	vld [tilespmem:s14+$0xFFFFFFC0];
	v6 =	vor.u32 v0, v6;
	v18 =	vadd.s32 v1, v18;
	v10 =	vand.u32 $0xFFFFFC00, v13  }
0x21c: {  	s13 =	smul.u32 $0x6000, s12;
	s14 =	sand.u32 $0x7, s9;
	v7 =	vld.idx.msk [tilespmem:v12+s0+$0x0], $0xffff;
	v11 =	vand.u32 $0x7F, v11;
	v13 =	vshll.u32 v20, $0x3;
	v10 =	vadd.s32 v1, v10  }
0x21d: {  	s12 =	sshll.u32 s14, $0x9;
	v16 =	vand.u32 $0xFFFFFC00, v13;
	v13 =	vshll.u32 v2, $0x3;
	v10 =	vor.u32 v11, v10;
	v11 =	vld.idx.msk [tilespmem:v8+s0+$0x0], $0xffff  }
0x21e: {  	s11 =	sor.u32 s12, s13;
	v8 =	vld.idx.msk [tilespmem:v9+s0+$0x0], $0xffff;
	v25 =	vand.u32 $0xFFFFFC00, v13;
	v9 =	vshll.u32 v3, $0x3;
	v22 =	vor.u32 v0, v10  }
0x21f: {  	s11 =	sshra.s32 s11, $0x2;
	v13 =	vadd.s32 v1, v15;
	v12 =	vand.u32 $0xFFFFFC00, v9;
	v10 =	vshll.u32 v4, $0x3;
	v9 =	vld.idx.msk [tilespmem:v14+s0+$0x0], $0xffff  }
0x220: {  	s11 =	sadd.s32 $0xC340, s11;
	v15 =	vadd.s32 v1, v16;
	v14 =	vshll.u32 v21, $0x3;
	v26 =	vand.u32 $0xFFFFFC00, v10;
	v10 =	vld.idx.msk [tilespmem:v6+s0+$0x0], $0xffff  }
0x221: {  	[tilespmem:s11+$0x30] =	vst v17;
	v16 =	vadd.s32 v1, v25;
	v14 =	vand.u32 $0xFFFFFC00, v14;
	v6 =	vld.idx.msk [tilespmem:v19+s0+$0x0], $0xffff;
	v17 =	vadd.s32 v1, v12  }
0x222: {  	v19 =	vadd.s32 v1, v14;
	v14 =	vadd.s32 v1, v26;
	[tilespmem:s11+$0xFFFFFFC0] =	vst v11;
	v11 =	vld.idx.msk [tilespmem:v24+s0+$0x0], $0xffff  }
0x223: {  	s14 =	simm.s32 $0x140;
	s13 =	simm.s32 $0x8;
	s12 =	smov.u32 s11;
	v12 =	vld.idx.msk [tilespmem:v22+s0+$0x0], $0xffff;
	v22 =	vand.u32 $0x7F, v21;
	v21 =	vand.u32 $0x7F, v20;
	v20 =	vand.u32 $0x7F, v23  }
.LBB2_27:
0x224: {  	v23 =	vld [tilespmem:s14+$0x30];
	s13 =	sadd.s32 $0x8, s13;
	v2 =	vand.u32 $0x7F, v2;
	v3 =	vand.u32 $0x7F, v3;
	v4 =	vand.u32 $0x7F, v4;
	[tilespmem:s11+$0xFFFFFFD0] =	vst v8  }
0x225: {  	v19 =	vor.u32 v22, v19;
	v5 =	vor.u32 v5, v13;
	v13 =	vor.u32 v21, v15;
	v8 =	vld [tilespmem:s14+$0xFFFFFFD0];
	p0 =	slt.u32 s13, $0x28;
	[tilespmem:s11+$0xFFFFFFE0] =	vst v7  }
0x226: {  	v7 =	vor.u32 v20, v18;
	v15 =	vor.u32 v2, v16;
	v16 =	vor.u32 v3, v17;
	v21 =	vld [tilespmem:s14+$0xFFFFFFE0];
	[tilespmem:s11+$0xFFFFFFF0] =	vst v9  }
0x227: {  	v17 =	vor.u32 v0, v5;
	v4 =	vor.u32 v4, v14;
	v9 =	vor.u32 v0, v19;
	s11 =	sadd.s32 $0x400, s11;
	v20 =	vld [tilespmem:s14+$0xFFFFFFF0];
	[tilespmem:s12+$0x0] =	vst v10  }
0x228: {  	v14 =	vor.u32 v0, v7;
	v18 =	vor.u32 v0, v15;
	v10 =	vor.u32 v0, v13;
	v2 =	vld [tilespmem:s14+$0x0];
	[tilespmem:s11+$0x30] =	vst v12  }
0x229: {  	v24 =	vor.u32 v0, v4;
	v12 =	vor.u32 v0, v16;
	v3 =	vld [tilespmem:s14+$0x10];
	v7 =	vshll.u32 v23, $0x3;
	[tilespmem:s12+$0x10] =	vst v6  }
0x22a: {  	v5 =	vand.u32 $0x7F, v8;
	v6 =	vshll.u32 v8, $0x3;
	v4 =	vld [tilespmem:s14+$0x20];
	v7 =	vand.u32 $0xFFFFFC00, v7;
	[tilespmem:s12+$0x20] =	vst v11;
	s12 =	smov.u32 s11  }
0x22b: {  	v13 =	vand.u32 $0x7F, v23;
	v11 =	vld [tilespmem:s14+$0xFFFFFFC0];
	v8 =	vshll.u32 v21, $0x3;
	v7 =	vadd.s32 v1, v7  }
0x22c: {  	v6 =	vand.u32 $0xFFFFFC00, v6;
	v15 =	vshll.u32 v20, $0x3;
	v7 =	vor.u32 v13, v7;
	v23 =	vld.idx.msk [tilespmem:v9+s0+$0x0], $0xffff  }
0x22d: {  	v16 =	vand.u32 $0xFFFFFC00, v8;
	v9 =	vshll.u32 v2, $0x3;
	v22 =	vor.u32 v0, v7;
	v8 =	vld.idx.msk [tilespmem:v17+s0+$0x0], $0xffff  }
0x22e: {  	v17 =	vand.u32 $0xFFFFFC00, v15;
	v19 =	vand.u32 $0xFFFFFC00, v9;
	v9 =	vshll.u32 v3, $0x3;
	v7 =	vld.idx.msk [tilespmem:v10+s0+$0x0], $0xffff  }
.Ltmp12:
0x22f: {  	v13 =	vadd.s32 v1, v6;
	v25 =	vand.u32 $0xFFFFFC00, v9;
	v6 =	vshll.u32 v4, $0x3;
	v9 =	vld.idx.msk [tilespmem:v14+s0+$0x0], $0xffff;
	(pc) =	sbr.rel @p0 .LBB2_27-.Ltmp12, $4  }
0x230: {  	v15 =	vadd.s32 v1, v16;
	v14 =	vshll.u32 v11, $0x3;
	v26 =	vand.u32 $0xFFFFFC00, v6;
	v10 =	vld.idx.msk [tilespmem:v18+s0+$0x0], $0xffff  }
0x231: {  	v16 =	vadd.s32 v1, v19;
	v18 =	vadd.s32 v1, v17;
	v14 =	vand.u32 $0xFFFFFC00, v14;
	v6 =	vld.idx.msk [tilespmem:v12+s0+$0x0], $0xffff  }
0x232: {  	v17 =	vadd.s32 v1, v25;
	v19 =	vadd.s32 v1, v14;
	v14 =	vadd.s32 v1, v26;
	v12 =	vld.idx.msk [tilespmem:v22+s0+$0x0], $0xffff  }
0x233: {  	v21 =	vand.u32 $0x7F, v21;
	s14 =	sadd.s32 $0x80, s14;
	v20 =	vand.u32 $0x7F, v20;
	v22 =	vand.u32 $0x7F, v11;
	[tilespmem:s11+$0xFFFFFFC0] =	vst v23;
	v11 =	vld.idx.msk [tilespmem:v24+s0+$0x0], $0xffff  }
0x234: {  	v1 =	vor.u32 v22, v19  }
0x235: {  	v5 =	vor.u32 v5, v13;
	v1 =	vor.u32 v0, v1  }
0x236: {  	v57 =	vor.u32 v21, v15;
	v5 =	vor.u32 v0, v5  }
0x237: {  	v2 =	vand.u32 $0x7F, v2;
	v58 =	vor.u32 v20, v18;
	v13 =	vor.u32 v0, v57  }
0x238: {  	v3 =	vand.u32 $0x7F, v3;
	[tilespmem:s11+$0xFFFFFFD0] =	vst v8;
	v2 =	vor.u32 v2, v16;
	v59 =	vor.u32 v0, v58  }
0x239: {  	v4 =	vand.u32 $0x7F, v4;
	[tilespmem:s11+$0xFFFFFFE0] =	vst v7;
	v3 =	vor.u32 v3, v17;
	v2 =	vor.u32 v0, v2  }
0x23a: {  	[tilespmem:s11+$0xFFFFFFF0] =	vst v9;
	v4 =	vor.u32 v4, v14;
	v3 =	vor.u32 v0, v3;
	v1 =	vld.idx.msk [tilespmem:v1+s0+$0x0], $0xffff  }
0x23b: {  	[tilespmem:s12+$0x0] =	vst v10;
	v60 =	vor.u32 v0, v4;
	v61 =	vld.idx.msk [tilespmem:v5+s0+$0x0], $0xffff  }
0x23c: {  	s14 =	sadd.s32 $0x400, s11;
	[tilespmem:s12+$0x10] =	vst v6;
	v62 =	vld.idx.msk [tilespmem:v13+s0+$0x0], $0xffff  }
0x23d: {  	[tilespmem:s14+$0x30] =	vst v12;
	v63 =	vld.idx.msk [tilespmem:v59+s0+$0x0], $0xffff  }
0x23e: {  	[tilespmem:s12+$0x20] =	vst v11;
	v2 =	vld.idx.msk [tilespmem:v2+s0+$0x0], $0xffff  }
0x23f: {  	s10 =	sadd.s32 $0x1, s10;
	v3 =	vld.idx.msk [tilespmem:v3+s0+$0x0], $0xffff;
	[tilespmem:s14+$0xFFFFFFC0] =	vst v1  }
0x240: {  	p0 =	sne.s32 s10, $0x20;
	v0 =	vld.idx.msk [tilespmem:v60+s0+$0x0], $0xffff;
	[tilespmem:s14+$0xFFFFFFD0] =	vst v61  }
.Ltmp13:
0x241: {  	[tilespmem:s14+$0xFFFFFFE0] =	vst v62;
	(pc) =	sbr.rel @p0 .LBB2_26-.Ltmp13, $4  }
0x242: {  	[tilespmem:s14+$0xFFFFFFF0] =	vst v63  }
0x243: {  	[tilespmem:s14+$0x0] =	vst v2  }
0x244: {  	[tilespmem:s14+$0x10] =	vst v3  }
0x245: {  	s9 =	sadd.s32 $0x1, s9;
	[tilespmem:s14+$0x20] =	vst v0  }
0x246: {  	s9 =	simm.s32 $0x0;
	s10 =	rddreg [dreg:$0x10]  }
0x247: {  	[hbm4b:s10+s9] =	stream.linear.scatter [tilespmem:s4], [sflag:$0x2], $0x6000, $0x38;
	[tilespmem:$0x18300] =	vst v63  }
0x248: {  	_ =	swait.ge [sflag:s2], $0x6000  }
0x249: {  	[sflag:s2] =	ssyncset.done $0x0  }
0x24a: {  	[sflag:s2] =	ssyncadd.s32 $0xFFFFA000  }
0x24b: {  	[tilespmem:s0], [sflag:$0x1] =	stream.linear.gather [hbm4b:s15+s9], $0x6000, $0x38;
	[tilespmem:$0x18300] =	vst v63  }
0x24c: {  	_ =	swait.ge [sflag:s7], $0x6000  }
0x24d: {  	[sflag:s7] =	ssyncset.done $0x0  }
0x24e: {  	s10 =	simm.s32 $0x0;
	[sflag:s7] =	ssyncadd.s32 $0xFFFFA000  }
.LBB2_30:
0x24f: {  	s11 =	simm.s32 $0x40  }
0x250: {  	v2 =	vld [tilespmem:s11+$0x30]  }
0x251: {  	v3 =	vld [tilespmem:s11+$0xFFFFFFD0]  }
0x252: {  	v4 =	vld [tilespmem:s11+$0xFFFFFFE0]  }
0x253: {  	v5 =	vld [tilespmem:s11+$0xFFFFFFF0]  }
0x254: {  	v7 =	vld [tilespmem:s11+$0x10]  }
0x255: {  	v0 =	vmov s10;
	v10 =	vld [tilespmem:s11+$0x20]  }
0x256: {  	v1 =	vshrl.u32 v0, $0x3;
	v11 =	vld [tilespmem:s11+$0xFFFFFFC0]  }
0x257: {  	v0 =	vshll.u32 v0, $0x7;
	v1 =	vmul.u32 $0x1800, v1  }
0x258: {  	v0 =	vand.u32 $0x380, v0;
	v8 =	vshll.u32 v2, $0x3;
	v9 =	vand.u32 $0x7F, v3  }
0x259: {  	v3 =	vshll.u32 v3, $0x3;
	v12 =	vshll.u32 v4, $0x3;
	v2 =	vand.u32 $0x7F, v2  }
0x25a: {  	v13 =	vshll.u32 v5, $0x3;
	v14 =	vshll.u32 v7, $0x3;
	v15 =	vshll.u32 v10, $0x3  }
0x25b: {  	v16 =	vshll.u32 v11, $0x3;
	v4 =	vand.u32 $0x7F, v4;
	v8 =	vand.u32 $0xFFFFFC00, v8  }
0x25c: {  	v6 =	vld [tilespmem:s11+$0x0];
	v5 =	vand.u32 $0x7F, v5;
	v7 =	vand.u32 $0x7F, v7;
	v8 =	vadd.s32 v1, v8  }
0x25d: {  	v10 =	vand.u32 $0x7F, v10;
	v3 =	vand.u32 $0xFFFFFC00, v3;
	v2 =	vor.u32 v2, v8  }
0x25e: {  	v13 =	vand.u32 $0xFFFFFC00, v13;
	v14 =	vand.u32 $0xFFFFFC00, v14;
	v2 =	vor.u32 v0, v2  }
0x25f: {  	v15 =	vand.u32 $0xFFFFFC00, v15;
	v16 =	vand.u32 $0xFFFFFC00, v16;
	v3 =	vadd.s32 v1, v3  }
0x260: {  	s14 =	simm.s32 $0xC0;
	v13 =	vadd.s32 v1, v13;
	v16 =	vadd.s32 v1, v16;
	v14 =	vadd.s32 v1, v14  }
0x261: {  	v18 =	vld [tilespmem:s14+$0xFFFFFFD0];
	v15 =	vadd.s32 v1, v15;
	v8 =	vand.u32 $0xFFFFFC00, v12;
	v12 =	vshll.u32 v6, $0x3  }
0x262: {  	v23 =	vld [tilespmem:s14+$0xFFFFFFF0];
	v6 =	vand.u32 $0x7F, v6;
	v3 =	vor.u32 v9, v3;
	v5 =	vor.u32 v5, v13  }
0x263: {  	v7 =	vor.u32 v7, v14;
	v10 =	vor.u32 v10, v15;
	v12 =	vand.u32 $0xFFFFFC00, v12;
	v17 =	vld.idx.msk [tilespmem:v2+s3+$0x0], $0xffff  }
0x264: {  	v8 =	vadd.s32 v1, v8;
	v9 =	vor.u32 v0, v3;
	v2 =	vand.u32 $0x7F, v11;
	v11 =	vld [tilespmem:s14+$0x30]  }
0x265: {  	v14 =	vor.u32 v0, v5;
	v12 =	vadd.s32 v1, v12;
	v4 =	vor.u32 v4, v8  }
0x266: {  	v20 =	vld [tilespmem:s14+$0xFFFFFFE0];
	v6 =	vor.u32 v6, v12;
	v12 =	vor.u32 v0, v4;
	v2 =	vor.u32 v2, v16  }
0x267: {  	v19 =	vor.u32 v0, v7;
	v7 =	vshll.u32 v18, $0x3;
	v8 =	vor.u32 v0, v2;
	v2 =	vld [tilespmem:s14+$0x0]  }
0x268: {  	v3 =	vld [tilespmem:s14+$0x10];
	v24 =	vor.u32 v0, v10;
	v15 =	vand.u32 $0xFFFFFC00, v7;
	v7 =	vshll.u32 v23, $0x3  }
0x269: {  	v5 =	vand.u32 $0x7F, v18;
	v4 =	vld [tilespmem:s14+$0x20];
	v18 =	vand.u32 $0xFFFFFC00, v7;
	v13 =	vshll.u32 v11, $0x3  }
0x26a: {  	s12 =	sshrl.u32 s10, $0x3;
	v21 =	vld [tilespmem:s14+$0xFFFFFFC0];
	v6 =	vor.u32 v0, v6;
	v18 =	vadd.s32 v1, v18;
	v10 =	vand.u32 $0xFFFFFC00, v13  }
0x26b: {  	s13 =	smul.u32 $0x6000, s12;
	s14 =	sand.u32 $0x7, s9;
	v7 =	vld.idx.msk [tilespmem:v12+s3+$0x0], $0xffff;
	v11 =	vand.u32 $0x7F, v11;
	v13 =	vshll.u32 v20, $0x3;
	v10 =	vadd.s32 v1, v10  }
0x26c: {  	s12 =	sshll.u32 s14, $0x9;
	v16 =	vand.u32 $0xFFFFFC00, v13;
	v13 =	vshll.u32 v2, $0x3;
	v10 =	vor.u32 v11, v10;
	v11 =	vld.idx.msk [tilespmem:v8+s3+$0x0], $0xffff  }
0x26d: {  	s11 =	sor.u32 s12, s13;
	v8 =	vld.idx.msk [tilespmem:v9+s3+$0x0], $0xffff;
	v25 =	vand.u32 $0xFFFFFC00, v13;
	v9 =	vshll.u32 v3, $0x3;
	v22 =	vor.u32 v0, v10  }
0x26e: {  	s11 =	sshra.s32 s11, $0x2;
	v13 =	vadd.s32 v1, v15;
	v12 =	vand.u32 $0xFFFFFC00, v9;
	v10 =	vshll.u32 v4, $0x3;
	v9 =	vld.idx.msk [tilespmem:v14+s3+$0x0], $0xffff  }
0x26f: {  	s11 =	sadd.s32 $0x12340, s11;
	v15 =	vadd.s32 v1, v16;
	v14 =	vshll.u32 v21, $0x3;
	v26 =	vand.u32 $0xFFFFFC00, v10;
	v10 =	vld.idx.msk [tilespmem:v6+s3+$0x0], $0xffff  }
0x270: {  	[tilespmem:s11+$0x30] =	vst v17;
	v16 =	vadd.s32 v1, v25;
	v14 =	vand.u32 $0xFFFFFC00, v14;
	v6 =	vld.idx.msk [tilespmem:v19+s3+$0x0], $0xffff;
	v17 =	vadd.s32 v1, v12  }
0x271: {  	v19 =	vadd.s32 v1, v14;
	v14 =	vadd.s32 v1, v26;
	[tilespmem:s11+$0xFFFFFFC0] =	vst v11;
	v11 =	vld.idx.msk [tilespmem:v24+s3+$0x0], $0xffff  }
0x272: {  	s14 =	simm.s32 $0x140;
	s13 =	simm.s32 $0x8;
	s12 =	smov.u32 s11;
	v12 =	vld.idx.msk [tilespmem:v22+s3+$0x0], $0xffff;
	v22 =	vand.u32 $0x7F, v21;
	v21 =	vand.u32 $0x7F, v20;
	v20 =	vand.u32 $0x7F, v23  }
.LBB2_31:
0x273: {  	v23 =	vld [tilespmem:s14+$0x30];
	s13 =	sadd.s32 $0x8, s13;
	v2 =	vand.u32 $0x7F, v2;
	v3 =	vand.u32 $0x7F, v3;
	v4 =	vand.u32 $0x7F, v4;
	[tilespmem:s11+$0xFFFFFFD0] =	vst v8  }
0x274: {  	v19 =	vor.u32 v22, v19;
	v5 =	vor.u32 v5, v13;
	v13 =	vor.u32 v21, v15;
	v8 =	vld [tilespmem:s14+$0xFFFFFFD0];
	p0 =	slt.u32 s13, $0x28;
	[tilespmem:s11+$0xFFFFFFE0] =	vst v7  }
0x275: {  	v7 =	vor.u32 v20, v18;
	v15 =	vor.u32 v2, v16;
	v16 =	vor.u32 v3, v17;
	v21 =	vld [tilespmem:s14+$0xFFFFFFE0];
	[tilespmem:s11+$0xFFFFFFF0] =	vst v9  }
0x276: {  	v17 =	vor.u32 v0, v5;
	v4 =	vor.u32 v4, v14;
	v9 =	vor.u32 v0, v19;
	s11 =	sadd.s32 $0x400, s11;
	v20 =	vld [tilespmem:s14+$0xFFFFFFF0];
	[tilespmem:s12+$0x0] =	vst v10  }
0x277: {  	v14 =	vor.u32 v0, v7;
	v18 =	vor.u32 v0, v15;
	v10 =	vor.u32 v0, v13;
	v2 =	vld [tilespmem:s14+$0x0];
	[tilespmem:s11+$0x30] =	vst v12  }
0x278: {  	v24 =	vor.u32 v0, v4;
	v12 =	vor.u32 v0, v16;
	v3 =	vld [tilespmem:s14+$0x10];
	v7 =	vshll.u32 v23, $0x3;
	[tilespmem:s12+$0x10] =	vst v6  }
0x279: {  	v5 =	vand.u32 $0x7F, v8;
	v6 =	vshll.u32 v8, $0x3;
	v4 =	vld [tilespmem:s14+$0x20];
	v7 =	vand.u32 $0xFFFFFC00, v7;
	[tilespmem:s12+$0x20] =	vst v11;
	s12 =	smov.u32 s11  }
0x27a: {  	v13 =	vand.u32 $0x7F, v23;
	v11 =	vld [tilespmem:s14+$0xFFFFFFC0];
	v8 =	vshll.u32 v21, $0x3;
	v7 =	vadd.s32 v1, v7  }
0x27b: {  	v6 =	vand.u32 $0xFFFFFC00, v6;
	v15 =	vshll.u32 v20, $0x3;
	v7 =	vor.u32 v13, v7;
	v23 =	vld.idx.msk [tilespmem:v9+s3+$0x0], $0xffff  }
0x27c: {  	v16 =	vand.u32 $0xFFFFFC00, v8;
	v9 =	vshll.u32 v2, $0x3;
	v22 =	vor.u32 v0, v7;
	v8 =	vld.idx.msk [tilespmem:v17+s3+$0x0], $0xffff  }
0x27d: {  	v17 =	vand.u32 $0xFFFFFC00, v15;
	v19 =	vand.u32 $0xFFFFFC00, v9;
	v9 =	vshll.u32 v3, $0x3;
	v7 =	vld.idx.msk [tilespmem:v10+s3+$0x0], $0xffff  }
.Ltmp14:
0x27e: {  	v13 =	vadd.s32 v1, v6;
	v25 =	vand.u32 $0xFFFFFC00, v9;
	v6 =	vshll.u32 v4, $0x3;
	v9 =	vld.idx.msk [tilespmem:v14+s3+$0x0], $0xffff;
	(pc) =	sbr.rel @p0 .LBB2_31-.Ltmp14, $4  }
0x27f: {  	v15 =	vadd.s32 v1, v16;
	v14 =	vshll.u32 v11, $0x3;
	v26 =	vand.u32 $0xFFFFFC00, v6;
	v10 =	vld.idx.msk [tilespmem:v18+s3+$0x0], $0xffff  }
0x280: {  	v16 =	vadd.s32 v1, v19;
	v18 =	vadd.s32 v1, v17;
	v14 =	vand.u32 $0xFFFFFC00, v14;
	v6 =	vld.idx.msk [tilespmem:v12+s3+$0x0], $0xffff  }
0x281: {  	v17 =	vadd.s32 v1, v25;
	v19 =	vadd.s32 v1, v14;
	v14 =	vadd.s32 v1, v26;
	v12 =	vld.idx.msk [tilespmem:v22+s3+$0x0], $0xffff  }
0x282: {  	v21 =	vand.u32 $0x7F, v21;
	s14 =	sadd.s32 $0x80, s14;
	v20 =	vand.u32 $0x7F, v20;
	v22 =	vand.u32 $0x7F, v11;
	[tilespmem:s11+$0xFFFFFFC0] =	vst v23;
	v11 =	vld.idx.msk [tilespmem:v24+s3+$0x0], $0xffff  }
0x283: {  	v1 =	vor.u32 v22, v19  }
0x284: {  	v5 =	vor.u32 v5, v13;
	v1 =	vor.u32 v0, v1  }
0x285: {  	v57 =	vor.u32 v21, v15;
	v5 =	vor.u32 v0, v5  }
0x286: {  	v2 =	vand.u32 $0x7F, v2;
	v58 =	vor.u32 v20, v18;
	v13 =	vor.u32 v0, v57  }
0x287: {  	v3 =	vand.u32 $0x7F, v3;
	[tilespmem:s11+$0xFFFFFFD0] =	vst v8;
	v2 =	vor.u32 v2, v16;
	v59 =	vor.u32 v0, v58  }
0x288: {  	v4 =	vand.u32 $0x7F, v4;
	[tilespmem:s11+$0xFFFFFFE0] =	vst v7;
	v3 =	vor.u32 v3, v17;
	v2 =	vor.u32 v0, v2  }
0x289: {  	[tilespmem:s11+$0xFFFFFFF0] =	vst v9;
	v4 =	vor.u32 v4, v14;
	v3 =	vor.u32 v0, v3;
	v1 =	vld.idx.msk [tilespmem:v1+s3+$0x0], $0xffff  }
0x28a: {  	[tilespmem:s12+$0x0] =	vst v10;
	v60 =	vor.u32 v0, v4;
	v61 =	vld.idx.msk [tilespmem:v5+s3+$0x0], $0xffff  }
0x28b: {  	s14 =	sadd.s32 $0x400, s11;
	[tilespmem:s12+$0x10] =	vst v6;
	v62 =	vld.idx.msk [tilespmem:v13+s3+$0x0], $0xffff  }
0x28c: {  	[tilespmem:s14+$0x30] =	vst v12;
	v63 =	vld.idx.msk [tilespmem:v59+s3+$0x0], $0xffff  }
0x28d: {  	[tilespmem:s12+$0x20] =	vst v11;
	v2 =	vld.idx.msk [tilespmem:v2+s3+$0x0], $0xffff  }
0x28e: {  	s10 =	sadd.s32 $0x1, s10;
	v3 =	vld.idx.msk [tilespmem:v3+s3+$0x0], $0xffff;
	[tilespmem:s14+$0xFFFFFFC0] =	vst v1  }
0x28f: {  	p0 =	sne.s32 s10, $0x20;
	v0 =	vld.idx.msk [tilespmem:v60+s3+$0x0], $0xffff;
	[tilespmem:s14+$0xFFFFFFD0] =	vst v61  }
.Ltmp15:
0x290: {  	[tilespmem:s14+$0xFFFFFFE0] =	vst v62;
	(pc) =	sbr.rel @p0 .LBB2_30-.Ltmp15, $4  }
0x291: {  	[tilespmem:s14+$0xFFFFFFF0] =	vst v63  }
0x292: {  	[tilespmem:s14+$0x0] =	vst v2  }
0x293: {  	[tilespmem:s14+$0x10] =	vst v3  }
0x294: {  	s9 =	sadd.s32 $0x1, s9;
	[tilespmem:s14+$0x20] =	vst v0  }
0x295: {  	s9 =	simm.s32 $0x0  }
0x296: {  	[hbm4b:s16+s9] =	stream.linear.scatter [tilespmem:s5], [sflag:$0x3], $0x6000, $0x38;
	[tilespmem:$0x18300] =	vst v63  }
0x297: {  	_ =	swait.ge [sflag:s2], $0x6000  }
0x298: {  	[sflag:s2] =	ssyncset.done $0x0  }
0x299: {  	[sflag:s2] =	ssyncadd.s32 $0xFFFFA000  }
0x29a: {  	[tilespmem:s3], [sflag:$0x1] =	stream.linear.gather [hbm4b:s17+s9], $0x6000, $0x38;
	[tilespmem:$0x18300] =	vst v63  }
0x29b: {  	_ =	swait.ge [sflag:s6], $0x6000  }
0x29c: {  	[sflag:s6] =	ssyncset.done $0x0  }
0x29d: {  	s10 =	simm.s32 $0x0;
	[sflag:s6] =	ssyncadd.s32 $0xFFFFA000  }
.LBB2_34:
0x29e: {  	s11 =	simm.s32 $0x40  }
0x29f: {  	v2 =	vld [tilespmem:s11+$0x30]  }
0x2a0: {  	v3 =	vld [tilespmem:s11+$0xFFFFFFD0]  }
0x2a1: {  	v4 =	vld [tilespmem:s11+$0xFFFFFFE0]  }
0x2a2: {  	v5 =	vld [tilespmem:s11+$0xFFFFFFF0]  }
0x2a3: {  	v7 =	vld [tilespmem:s11+$0x10]  }
0x2a4: {  	v0 =	vmov s10;
	v10 =	vld [tilespmem:s11+$0x20]  }
0x2a5: {  	v1 =	vshrl.u32 v0, $0x3;
	v11 =	vld [tilespmem:s11+$0xFFFFFFC0]  }
0x2a6: {  	v0 =	vshll.u32 v0, $0x7;
	v1 =	vmul.u32 $0x1800, v1  }
0x2a7: {  	v0 =	vand.u32 $0x380, v0;
	v8 =	vshll.u32 v2, $0x3;
	v9 =	vand.u32 $0x7F, v3  }
0x2a8: {  	v3 =	vshll.u32 v3, $0x3;
	v12 =	vshll.u32 v4, $0x3;
	v2 =	vand.u32 $0x7F, v2  }
0x2a9: {  	v13 =	vshll.u32 v5, $0x3;
	v14 =	vshll.u32 v7, $0x3;
	v15 =	vshll.u32 v10, $0x3  }
0x2aa: {  	v16 =	vshll.u32 v11, $0x3;
	v4 =	vand.u32 $0x7F, v4;
	v8 =	vand.u32 $0xFFFFFC00, v8  }
0x2ab: {  	v6 =	vld [tilespmem:s11+$0x0];
	v5 =	vand.u32 $0x7F, v5;
	v7 =	vand.u32 $0x7F, v7;
	v8 =	vadd.s32 v1, v8  }
0x2ac: {  	v10 =	vand.u32 $0x7F, v10;
	v3 =	vand.u32 $0xFFFFFC00, v3;
	v2 =	vor.u32 v2, v8  }
0x2ad: {  	v13 =	vand.u32 $0xFFFFFC00, v13;
	v14 =	vand.u32 $0xFFFFFC00, v14;
	v2 =	vor.u32 v0, v2  }
0x2ae: {  	v15 =	vand.u32 $0xFFFFFC00, v15;
	v16 =	vand.u32 $0xFFFFFC00, v16;
	v3 =	vadd.s32 v1, v3  }
0x2af: {  	s14 =	simm.s32 $0xC0;
	v13 =	vadd.s32 v1, v13;
	v16 =	vadd.s32 v1, v16;
	v14 =	vadd.s32 v1, v14  }
0x2b0: {  	v18 =	vld [tilespmem:s14+$0xFFFFFFD0];
	v15 =	vadd.s32 v1, v15;
	v8 =	vand.u32 $0xFFFFFC00, v12;
	v12 =	vshll.u32 v6, $0x3  }
0x2b1: {  	v23 =	vld [tilespmem:s14+$0xFFFFFFF0];
	v6 =	vand.u32 $0x7F, v6;
	v3 =	vor.u32 v9, v3;
	v5 =	vor.u32 v5, v13  }
0x2b2: {  	v7 =	vor.u32 v7, v14;
	v10 =	vor.u32 v10, v15;
	v12 =	vand.u32 $0xFFFFFC00, v12;
	v17 =	vld.idx.msk [tilespmem:v2+s0+$0x0], $0xffff  }
0x2b3: {  	v8 =	vadd.s32 v1, v8;
	v9 =	vor.u32 v0, v3;
	v2 =	vand.u32 $0x7F, v11;
	v11 =	vld [tilespmem:s14+$0x30]  }
0x2b4: {  	v14 =	vor.u32 v0, v5;
	v12 =	vadd.s32 v1, v12;
	v4 =	vor.u32 v4, v8  }
0x2b5: {  	v20 =	vld [tilespmem:s14+$0xFFFFFFE0];
	v6 =	vor.u32 v6, v12;
	v12 =	vor.u32 v0, v4;
	v2 =	vor.u32 v2, v16  }
0x2b6: {  	v19 =	vor.u32 v0, v7;
	v7 =	vshll.u32 v18, $0x3;
	v8 =	vor.u32 v0, v2;
	v2 =	vld [tilespmem:s14+$0x0]  }
0x2b7: {  	v3 =	vld [tilespmem:s14+$0x10];
	v24 =	vor.u32 v0, v10;
	v15 =	vand.u32 $0xFFFFFC00, v7;
	v7 =	vshll.u32 v23, $0x3  }
0x2b8: {  	v5 =	vand.u32 $0x7F, v18;
	v4 =	vld [tilespmem:s14+$0x20];
	v18 =	vand.u32 $0xFFFFFC00, v7;
	v13 =	vshll.u32 v11, $0x3  }
0x2b9: {  	s12 =	sshrl.u32 s10, $0x3;
	v21 =	vld [tilespmem:s14+$0xFFFFFFC0];
	v6 =	vor.u32 v0, v6;
	v18 =	vadd.s32 v1, v18;
	v10 =	vand.u32 $0xFFFFFC00, v13  }
0x2ba: {  	s13 =	smul.u32 $0x6000, s12;
	s14 =	sand.u32 $0x7, s9;
	v7 =	vld.idx.msk [tilespmem:v12+s0+$0x0], $0xffff;
	v11 =	vand.u32 $0x7F, v11;
	v13 =	vshll.u32 v20, $0x3;
	v10 =	vadd.s32 v1, v10  }
0x2bb: {  	s12 =	sshll.u32 s14, $0x9;
	v16 =	vand.u32 $0xFFFFFC00, v13;
	v13 =	vshll.u32 v2, $0x3;
	v10 =	vor.u32 v11, v10;
	v11 =	vld.idx.msk [tilespmem:v8+s0+$0x0], $0xffff  }
0x2bc: {  	s11 =	sor.u32 s12, s13;
	v8 =	vld.idx.msk [tilespmem:v9+s0+$0x0], $0xffff;
	v25 =	vand.u32 $0xFFFFFC00, v13;
	v9 =	vshll.u32 v3, $0x3;
	v22 =	vor.u32 v0, v10  }
0x2bd: {  	s11 =	sshra.s32 s11, $0x2;
	v13 =	vadd.s32 v1, v15;
	v12 =	vand.u32 $0xFFFFFC00, v9;
	v10 =	vshll.u32 v4, $0x3;
	v9 =	vld.idx.msk [tilespmem:v14+s0+$0x0], $0xffff  }
0x2be: {  	s11 =	sadd.s32 $0xC340, s11;
	v15 =	vadd.s32 v1, v16;
	v14 =	vshll.u32 v21, $0x3;
	v26 =	vand.u32 $0xFFFFFC00, v10;
	v10 =	vld.idx.msk [tilespmem:v6+s0+$0x0], $0xffff  }
0x2bf: {  	[tilespmem:s11+$0x30] =	vst v17;
	v16 =	vadd.s32 v1, v25;
	v14 =	vand.u32 $0xFFFFFC00, v14;
	v6 =	vld.idx.msk [tilespmem:v19+s0+$0x0], $0xffff;
	v17 =	vadd.s32 v1, v12  }
0x2c0: {  	v19 =	vadd.s32 v1, v14;
	v14 =	vadd.s32 v1, v26;
	[tilespmem:s11+$0xFFFFFFC0] =	vst v11;
	v11 =	vld.idx.msk [tilespmem:v24+s0+$0x0], $0xffff  }
0x2c1: {  	s14 =	simm.s32 $0x140;
	s13 =	simm.s32 $0x8;
	s12 =	smov.u32 s11;
	v12 =	vld.idx.msk [tilespmem:v22+s0+$0x0], $0xffff;
	v22 =	vand.u32 $0x7F, v21;
	v21 =	vand.u32 $0x7F, v20;
	v20 =	vand.u32 $0x7F, v23  }
.LBB2_35:
0x2c2: {  	v23 =	vld [tilespmem:s14+$0x30];
	s13 =	sadd.s32 $0x8, s13;
	v2 =	vand.u32 $0x7F, v2;
	v3 =	vand.u32 $0x7F, v3;
	v4 =	vand.u32 $0x7F, v4;
	[tilespmem:s11+$0xFFFFFFD0] =	vst v8  }
0x2c3: {  	v19 =	vor.u32 v22, v19;
	v5 =	vor.u32 v5, v13;
	v13 =	vor.u32 v21, v15;
	v8 =	vld [tilespmem:s14+$0xFFFFFFD0];
	p0 =	slt.u32 s13, $0x28;
	[tilespmem:s11+$0xFFFFFFE0] =	vst v7  }
0x2c4: {  	v7 =	vor.u32 v20, v18;
	v15 =	vor.u32 v2, v16;
	v16 =	vor.u32 v3, v17;
	v21 =	vld [tilespmem:s14+$0xFFFFFFE0];
	[tilespmem:s11+$0xFFFFFFF0] =	vst v9  }
0x2c5: {  	v17 =	vor.u32 v0, v5;
	v4 =	vor.u32 v4, v14;
	v9 =	vor.u32 v0, v19;
	s11 =	sadd.s32 $0x400, s11;
	v20 =	vld [tilespmem:s14+$0xFFFFFFF0];
	[tilespmem:s12+$0x0] =	vst v10  }
0x2c6: {  	v14 =	vor.u32 v0, v7;
	v18 =	vor.u32 v0, v15;
	v10 =	vor.u32 v0, v13;
	v2 =	vld [tilespmem:s14+$0x0];
	[tilespmem:s11+$0x30] =	vst v12  }
0x2c7: {  	v24 =	vor.u32 v0, v4;
	v12 =	vor.u32 v0, v16;
	v3 =	vld [tilespmem:s14+$0x10];
	v7 =	vshll.u32 v23, $0x3;
	[tilespmem:s12+$0x10] =	vst v6  }
0x2c8: {  	v5 =	vand.u32 $0x7F, v8;
	v6 =	vshll.u32 v8, $0x3;
	v4 =	vld [tilespmem:s14+$0x20];
	v7 =	vand.u32 $0xFFFFFC00, v7;
	[tilespmem:s12+$0x20] =	vst v11;
	s12 =	smov.u32 s11  }
0x2c9: {  	v13 =	vand.u32 $0x7F, v23;
	v11 =	vld [tilespmem:s14+$0xFFFFFFC0];
	v8 =	vshll.u32 v21, $0x3;
	v7 =	vadd.s32 v1, v7  }
0x2ca: {  	v6 =	vand.u32 $0xFFFFFC00, v6;
	v15 =	vshll.u32 v20, $0x3;
	v7 =	vor.u32 v13, v7;
	v23 =	vld.idx.msk [tilespmem:v9+s0+$0x0], $0xffff  }
0x2cb: {  	v16 =	vand.u32 $0xFFFFFC00, v8;
	v9 =	vshll.u32 v2, $0x3;
	v22 =	vor.u32 v0, v7;
	v8 =	vld.idx.msk [tilespmem:v17+s0+$0x0], $0xffff  }
0x2cc: {  	v17 =	vand.u32 $0xFFFFFC00, v15;
	v19 =	vand.u32 $0xFFFFFC00, v9;
	v9 =	vshll.u32 v3, $0x3;
	v7 =	vld.idx.msk [tilespmem:v10+s0+$0x0], $0xffff  }
.Ltmp16:
0x2cd: {  	v13 =	vadd.s32 v1, v6;
	v25 =	vand.u32 $0xFFFFFC00, v9;
	v6 =	vshll.u32 v4, $0x3;
	v9 =	vld.idx.msk [tilespmem:v14+s0+$0x0], $0xffff;
	(pc) =	sbr.rel @p0 .LBB2_35-.Ltmp16, $4  }
0x2ce: {  	v15 =	vadd.s32 v1, v16;
	v14 =	vshll.u32 v11, $0x3;
	v26 =	vand.u32 $0xFFFFFC00, v6;
	v10 =	vld.idx.msk [tilespmem:v18+s0+$0x0], $0xffff  }
0x2cf: {  	v16 =	vadd.s32 v1, v19;
	v18 =	vadd.s32 v1, v17;
	v14 =	vand.u32 $0xFFFFFC00, v14;
	v6 =	vld.idx.msk [tilespmem:v12+s0+$0x0], $0xffff  }
0x2d0: {  	v17 =	vadd.s32 v1, v25;
	v19 =	vadd.s32 v1, v14;
	v14 =	vadd.s32 v1, v26;
	v12 =	vld.idx.msk [tilespmem:v22+s0+$0x0], $0xffff  }
0x2d1: {  	v21 =	vand.u32 $0x7F, v21;
	s14 =	sadd.s32 $0x80, s14;
	v20 =	vand.u32 $0x7F, v20;
	v22 =	vand.u32 $0x7F, v11;
	[tilespmem:s11+$0xFFFFFFC0] =	vst v23;
	v11 =	vld.idx.msk [tilespmem:v24+s0+$0x0], $0xffff  }
0x2d2: {  	v1 =	vor.u32 v22, v19  }
0x2d3: {  	v5 =	vor.u32 v5, v13;
	v1 =	vor.u32 v0, v1  }
0x2d4: {  	v57 =	vor.u32 v21, v15;
	v5 =	vor.u32 v0, v5  }
0x2d5: {  	v2 =	vand.u32 $0x7F, v2;
	v58 =	vor.u32 v20, v18;
	v13 =	vor.u32 v0, v57  }
0x2d6: {  	v3 =	vand.u32 $0x7F, v3;
	[tilespmem:s11+$0xFFFFFFD0] =	vst v8;
	v2 =	vor.u32 v2, v16;
	v59 =	vor.u32 v0, v58  }
0x2d7: {  	v4 =	vand.u32 $0x7F, v4;
	[tilespmem:s11+$0xFFFFFFE0] =	vst v7;
	v3 =	vor.u32 v3, v17;
	v2 =	vor.u32 v0, v2  }
0x2d8: {  	[tilespmem:s11+$0xFFFFFFF0] =	vst v9;
	v4 =	vor.u32 v4, v14;
	v3 =	vor.u32 v0, v3;
	v1 =	vld.idx.msk [tilespmem:v1+s0+$0x0], $0xffff  }
0x2d9: {  	[tilespmem:s12+$0x0] =	vst v10;
	v60 =	vor.u32 v0, v4;
	v61 =	vld.idx.msk [tilespmem:v5+s0+$0x0], $0xffff  }
0x2da: {  	s14 =	sadd.s32 $0x400, s11;
	[tilespmem:s12+$0x10] =	vst v6;
	v62 =	vld.idx.msk [tilespmem:v13+s0+$0x0], $0xffff  }
0x2db: {  	[tilespmem:s14+$0x30] =	vst v12;
	v63 =	vld.idx.msk [tilespmem:v59+s0+$0x0], $0xffff  }
0x2dc: {  	[tilespmem:s12+$0x20] =	vst v11;
	v2 =	vld.idx.msk [tilespmem:v2+s0+$0x0], $0xffff  }
0x2dd: {  	s10 =	sadd.s32 $0x1, s10;
	v3 =	vld.idx.msk [tilespmem:v3+s0+$0x0], $0xffff;
	[tilespmem:s14+$0xFFFFFFC0] =	vst v1  }
0x2de: {  	p0 =	sne.s32 s10, $0x20;
	v0 =	vld.idx.msk [tilespmem:v60+s0+$0x0], $0xffff;
	[tilespmem:s14+$0xFFFFFFD0] =	vst v61  }
.Ltmp17:
0x2df: {  	[tilespmem:s14+$0xFFFFFFE0] =	vst v62;
	(pc) =	sbr.rel @p0 .LBB2_34-.Ltmp17, $4  }
0x2e0: {  	[tilespmem:s14+$0xFFFFFFF0] =	vst v63  }
0x2e1: {  	[tilespmem:s14+$0x0] =	vst v2  }
0x2e2: {  	[tilespmem:s14+$0x10] =	vst v3  }
0x2e3: {  	s9 =	sadd.s32 $0x1, s9;
	[tilespmem:s14+$0x20] =	vst v0  }
0x2e4: {  	s9 =	simm.s32 $0x0  }
0x2e5: {  	[hbm4b:s18+s9] =	stream.linear.scatter [tilespmem:s4], [sflag:$0x2], $0x6000, $0x38;
	[tilespmem:$0x18300] =	vst v63  }
0x2e6: {  	_ =	swait.ge [sflag:s2], $0x6000  }
0x2e7: {  	[sflag:s2] =	ssyncset.done $0x0  }
0x2e8: {  	[sflag:s2] =	ssyncadd.s32 $0xFFFFA000  }
0x2e9: {  	[tilespmem:s0], [sflag:$0x1] =	stream.linear.gather [hbm4b:s19+s9], $0x6000, $0x38;
	[tilespmem:$0x18300] =	vst v63  }
0x2ea: {  	_ =	swait.ge [sflag:s7], $0x6000  }
0x2eb: {  	[sflag:s7] =	ssyncset.done $0x0  }
0x2ec: {  	s10 =	simm.s32 $0x0;
	[sflag:s7] =	ssyncadd.s32 $0xFFFFA000  }
.LBB2_38:
0x2ed: {  	s11 =	simm.s32 $0x40  }
0x2ee: {  	v2 =	vld [tilespmem:s11+$0x30]  }
0x2ef: {  	v3 =	vld [tilespmem:s11+$0xFFFFFFD0]  }
0x2f0: {  	v4 =	vld [tilespmem:s11+$0xFFFFFFE0]  }
0x2f1: {  	v5 =	vld [tilespmem:s11+$0xFFFFFFF0]  }
0x2f2: {  	v7 =	vld [tilespmem:s11+$0x10]  }
0x2f3: {  	v0 =	vmov s10;
	v10 =	vld [tilespmem:s11+$0x20]  }
0x2f4: {  	v1 =	vshrl.u32 v0, $0x3;
	v11 =	vld [tilespmem:s11+$0xFFFFFFC0]  }
0x2f5: {  	v0 =	vshll.u32 v0, $0x7;
	v1 =	vmul.u32 $0x1800, v1  }
0x2f6: {  	v0 =	vand.u32 $0x380, v0;
	v8 =	vshll.u32 v2, $0x3;
	v9 =	vand.u32 $0x7F, v3  }
0x2f7: {  	v3 =	vshll.u32 v3, $0x3;
	v12 =	vshll.u32 v4, $0x3;
	v2 =	vand.u32 $0x7F, v2  }
0x2f8: {  	v13 =	vshll.u32 v5, $0x3;
	v14 =	vshll.u32 v7, $0x3;
	v15 =	vshll.u32 v10, $0x3  }
0x2f9: {  	v16 =	vshll.u32 v11, $0x3;
	v4 =	vand.u32 $0x7F, v4;
	v8 =	vand.u32 $0xFFFFFC00, v8  }
0x2fa: {  	v6 =	vld [tilespmem:s11+$0x0];
	v5 =	vand.u32 $0x7F, v5;
	v7 =	vand.u32 $0x7F, v7;
	v8 =	vadd.s32 v1, v8  }
0x2fb: {  	v10 =	vand.u32 $0x7F, v10;
	v3 =	vand.u32 $0xFFFFFC00, v3;
	v2 =	vor.u32 v2, v8  }
0x2fc: {  	v13 =	vand.u32 $0xFFFFFC00, v13;
	v14 =	vand.u32 $0xFFFFFC00, v14;
	v2 =	vor.u32 v0, v2  }
0x2fd: {  	v15 =	vand.u32 $0xFFFFFC00, v15;
	v16 =	vand.u32 $0xFFFFFC00, v16;
	v3 =	vadd.s32 v1, v3  }
0x2fe: {  	s14 =	simm.s32 $0xC0;
	v13 =	vadd.s32 v1, v13;
	v16 =	vadd.s32 v1, v16;
	v14 =	vadd.s32 v1, v14  }
0x2ff: {  	v18 =	vld [tilespmem:s14+$0xFFFFFFD0];
	v15 =	vadd.s32 v1, v15;
	v8 =	vand.u32 $0xFFFFFC00, v12;
	v12 =	vshll.u32 v6, $0x3  }
0x300: {  	v23 =	vld [tilespmem:s14+$0xFFFFFFF0];
	v6 =	vand.u32 $0x7F, v6;
	v3 =	vor.u32 v9, v3;
	v5 =	vor.u32 v5, v13  }
0x301: {  	v7 =	vor.u32 v7, v14;
	v10 =	vor.u32 v10, v15;
	v12 =	vand.u32 $0xFFFFFC00, v12;
	v17 =	vld.idx.msk [tilespmem:v2+s3+$0x0], $0xffff  }
0x302: {  	v8 =	vadd.s32 v1, v8;
	v9 =	vor.u32 v0, v3;
	v2 =	vand.u32 $0x7F, v11;
	v11 =	vld [tilespmem:s14+$0x30]  }
0x303: {  	v14 =	vor.u32 v0, v5;
	v12 =	vadd.s32 v1, v12;
	v4 =	vor.u32 v4, v8  }
0x304: {  	v20 =	vld [tilespmem:s14+$0xFFFFFFE0];
	v6 =	vor.u32 v6, v12;
	v12 =	vor.u32 v0, v4;
	v2 =	vor.u32 v2, v16  }
0x305: {  	v19 =	vor.u32 v0, v7;
	v7 =	vshll.u32 v18, $0x3;
	v8 =	vor.u32 v0, v2;
	v2 =	vld [tilespmem:s14+$0x0]  }
0x306: {  	v3 =	vld [tilespmem:s14+$0x10];
	v24 =	vor.u32 v0, v10;
	v15 =	vand.u32 $0xFFFFFC00, v7;
	v7 =	vshll.u32 v23, $0x3  }
0x307: {  	v5 =	vand.u32 $0x7F, v18;
	v4 =	vld [tilespmem:s14+$0x20];
	v18 =	vand.u32 $0xFFFFFC00, v7;
	v13 =	vshll.u32 v11, $0x3  }
0x308: {  	s12 =	sshrl.u32 s10, $0x3;
	v21 =	vld [tilespmem:s14+$0xFFFFFFC0];
	v6 =	vor.u32 v0, v6;
	v18 =	vadd.s32 v1, v18;
	v10 =	vand.u32 $0xFFFFFC00, v13  }
0x309: {  	s13 =	smul.u32 $0x6000, s12;
	s14 =	sand.u32 $0x7, s9;
	v7 =	vld.idx.msk [tilespmem:v12+s3+$0x0], $0xffff;
	v11 =	vand.u32 $0x7F, v11;
	v13 =	vshll.u32 v20, $0x3;
	v10 =	vadd.s32 v1, v10  }
0x30a: {  	s12 =	sshll.u32 s14, $0x9;
	v16 =	vand.u32 $0xFFFFFC00, v13;
	v13 =	vshll.u32 v2, $0x3;
	v10 =	vor.u32 v11, v10;
	v11 =	vld.idx.msk [tilespmem:v8+s3+$0x0], $0xffff  }
0x30b: {  	s11 =	sor.u32 s12, s13;
	v8 =	vld.idx.msk [tilespmem:v9+s3+$0x0], $0xffff;
	v25 =	vand.u32 $0xFFFFFC00, v13;
	v9 =	vshll.u32 v3, $0x3;
	v22 =	vor.u32 v0, v10  }
0x30c: {  	s11 =	sshra.s32 s11, $0x2;
	v13 =	vadd.s32 v1, v15;
	v12 =	vand.u32 $0xFFFFFC00, v9;
	v10 =	vshll.u32 v4, $0x3;
	v9 =	vld.idx.msk [tilespmem:v14+s3+$0x0], $0xffff  }
0x30d: {  	s11 =	sadd.s32 $0x12340, s11;
	v15 =	vadd.s32 v1, v16;
	v14 =	vshll.u32 v21, $0x3;
	v26 =	vand.u32 $0xFFFFFC00, v10;
	v10 =	vld.idx.msk [tilespmem:v6+s3+$0x0], $0xffff  }
0x30e: {  	[tilespmem:s11+$0x30] =	vst v17;
	v16 =	vadd.s32 v1, v25;
	v14 =	vand.u32 $0xFFFFFC00, v14;
	v6 =	vld.idx.msk [tilespmem:v19+s3+$0x0], $0xffff;
	v17 =	vadd.s32 v1, v12  }
0x30f: {  	v19 =	vadd.s32 v1, v14;
	v14 =	vadd.s32 v1, v26;
	[tilespmem:s11+$0xFFFFFFC0] =	vst v11;
	v11 =	vld.idx.msk [tilespmem:v24+s3+$0x0], $0xffff  }
0x310: {  	s14 =	simm.s32 $0x140;
	s13 =	simm.s32 $0x8;
	s12 =	smov.u32 s11;
	v12 =	vld.idx.msk [tilespmem:v22+s3+$0x0], $0xffff;
	v22 =	vand.u32 $0x7F, v21;
	v21 =	vand.u32 $0x7F, v20;
	v20 =	vand.u32 $0x7F, v23  }
.LBB2_39:
0x311: {  	v23 =	vld [tilespmem:s14+$0x30];
	s13 =	sadd.s32 $0x8, s13;
	v2 =	vand.u32 $0x7F, v2;
	v3 =	vand.u32 $0x7F, v3;
	v4 =	vand.u32 $0x7F, v4;
	[tilespmem:s11+$0xFFFFFFD0] =	vst v8  }
0x312: {  	v19 =	vor.u32 v22, v19;
	v5 =	vor.u32 v5, v13;
	v13 =	vor.u32 v21, v15;
	v8 =	vld [tilespmem:s14+$0xFFFFFFD0];
	p0 =	slt.u32 s13, $0x28;
	[tilespmem:s11+$0xFFFFFFE0] =	vst v7  }
0x313: {  	v7 =	vor.u32 v20, v18;
	v15 =	vor.u32 v2, v16;
	v16 =	vor.u32 v3, v17;
	v21 =	vld [tilespmem:s14+$0xFFFFFFE0];
	[tilespmem:s11+$0xFFFFFFF0] =	vst v9  }
0x314: {  	v17 =	vor.u32 v0, v5;
	v4 =	vor.u32 v4, v14;
	v9 =	vor.u32 v0, v19;
	s11 =	sadd.s32 $0x400, s11;
	v20 =	vld [tilespmem:s14+$0xFFFFFFF0];
	[tilespmem:s12+$0x0] =	vst v10  }
0x315: {  	v14 =	vor.u32 v0, v7;
	v18 =	vor.u32 v0, v15;
	v10 =	vor.u32 v0, v13;
	v2 =	vld [tilespmem:s14+$0x0];
	[tilespmem:s11+$0x30] =	vst v12  }
0x316: {  	v24 =	vor.u32 v0, v4;
	v12 =	vor.u32 v0, v16;
	v3 =	vld [tilespmem:s14+$0x10];
	v7 =	vshll.u32 v23, $0x3;
	[tilespmem:s12+$0x10] =	vst v6  }
0x317: {  	v5 =	vand.u32 $0x7F, v8;
	v6 =	vshll.u32 v8, $0x3;
	v4 =	vld [tilespmem:s14+$0x20];
	v7 =	vand.u32 $0xFFFFFC00, v7;
	[tilespmem:s12+$0x20] =	vst v11;
	s12 =	smov.u32 s11  }
0x318: {  	v13 =	vand.u32 $0x7F, v23;
	v11 =	vld [tilespmem:s14+$0xFFFFFFC0];
	v8 =	vshll.u32 v21, $0x3;
	v7 =	vadd.s32 v1, v7  }
0x319: {  	v6 =	vand.u32 $0xFFFFFC00, v6;
	v15 =	vshll.u32 v20, $0x3;
	v7 =	vor.u32 v13, v7;
	v23 =	vld.idx.msk [tilespmem:v9+s3+$0x0], $0xffff  }
0x31a: {  	v16 =	vand.u32 $0xFFFFFC00, v8;
	v9 =	vshll.u32 v2, $0x3;
	v22 =	vor.u32 v0, v7;
	v8 =	vld.idx.msk [tilespmem:v17+s3+$0x0], $0xffff  }
0x31b: {  	v17 =	vand.u32 $0xFFFFFC00, v15;
	v19 =	vand.u32 $0xFFFFFC00, v9;
	v9 =	vshll.u32 v3, $0x3;
	v7 =	vld.idx.msk [tilespmem:v10+s3+$0x0], $0xffff  }
.Ltmp18:
0x31c: {  	v13 =	vadd.s32 v1, v6;
	v25 =	vand.u32 $0xFFFFFC00, v9;
	v6 =	vshll.u32 v4, $0x3;
	v9 =	vld.idx.msk [tilespmem:v14+s3+$0x0], $0xffff;
	(pc) =	sbr.rel @p0 .LBB2_39-.Ltmp18, $4  }
0x31d: {  	v15 =	vadd.s32 v1, v16;
	v14 =	vshll.u32 v11, $0x3;
	v26 =	vand.u32 $0xFFFFFC00, v6;
	v10 =	vld.idx.msk [tilespmem:v18+s3+$0x0], $0xffff  }
0x31e: {  	v16 =	vadd.s32 v1, v19;
	v18 =	vadd.s32 v1, v17;
	v14 =	vand.u32 $0xFFFFFC00, v14;
	v6 =	vld.idx.msk [tilespmem:v12+s3+$0x0], $0xffff  }
0x31f: {  	v17 =	vadd.s32 v1, v25;
	v19 =	vadd.s32 v1, v14;
	v14 =	vadd.s32 v1, v26;
	v12 =	vld.idx.msk [tilespmem:v22+s3+$0x0], $0xffff  }
0x320: {  	v21 =	vand.u32 $0x7F, v21;
	s14 =	sadd.s32 $0x80, s14;
	v20 =	vand.u32 $0x7F, v20;
	v22 =	vand.u32 $0x7F, v11;
	[tilespmem:s11+$0xFFFFFFC0] =	vst v23;
	v11 =	vld.idx.msk [tilespmem:v24+s3+$0x0], $0xffff  }
0x321: {  	v1 =	vor.u32 v22, v19  }
0x322: {  	v5 =	vor.u32 v5, v13;
	v1 =	vor.u32 v0, v1  }
0x323: {  	v57 =	vor.u32 v21, v15;
	v5 =	vor.u32 v0, v5  }
0x324: {  	v2 =	vand.u32 $0x7F, v2;
	v58 =	vor.u32 v20, v18;
	v13 =	vor.u32 v0, v57  }
0x325: {  	v3 =	vand.u32 $0x7F, v3;
	[tilespmem:s11+$0xFFFFFFD0] =	vst v8;
	v2 =	vor.u32 v2, v16;
	v59 =	vor.u32 v0, v58  }
0x326: {  	v4 =	vand.u32 $0x7F, v4;
	[tilespmem:s11+$0xFFFFFFE0] =	vst v7;
	v3 =	vor.u32 v3, v17;
	v2 =	vor.u32 v0, v2  }
0x327: {  	[tilespmem:s11+$0xFFFFFFF0] =	vst v9;
	v4 =	vor.u32 v4, v14;
	v3 =	vor.u32 v0, v3;
	v1 =	vld.idx.msk [tilespmem:v1+s3+$0x0], $0xffff  }
0x328: {  	[tilespmem:s12+$0x0] =	vst v10;
	v60 =	vor.u32 v0, v4;
	v61 =	vld.idx.msk [tilespmem:v5+s3+$0x0], $0xffff  }
0x329: {  	s14 =	sadd.s32 $0x400, s11;
	[tilespmem:s12+$0x10] =	vst v6;
	v62 =	vld.idx.msk [tilespmem:v13+s3+$0x0], $0xffff  }
0x32a: {  	[tilespmem:s14+$0x30] =	vst v12;
	v63 =	vld.idx.msk [tilespmem:v59+s3+$0x0], $0xffff  }
0x32b: {  	[tilespmem:s12+$0x20] =	vst v11;
	v2 =	vld.idx.msk [tilespmem:v2+s3+$0x0], $0xffff  }
0x32c: {  	s10 =	sadd.s32 $0x1, s10;
	v3 =	vld.idx.msk [tilespmem:v3+s3+$0x0], $0xffff;
	[tilespmem:s14+$0xFFFFFFC0] =	vst v1  }
0x32d: {  	p0 =	sne.s32 s10, $0x20;
	v0 =	vld.idx.msk [tilespmem:v60+s3+$0x0], $0xffff;
	[tilespmem:s14+$0xFFFFFFD0] =	vst v61  }
.Ltmp19:
0x32e: {  	[tilespmem:s14+$0xFFFFFFE0] =	vst v62;
	(pc) =	sbr.rel @p0 .LBB2_38-.Ltmp19, $4  }
0x32f: {  	[tilespmem:s14+$0xFFFFFFF0] =	vst v63  }
0x330: {  	[tilespmem:s14+$0x0] =	vst v2  }
0x331: {  	[tilespmem:s14+$0x10] =	vst v3  }
0x332: {  	s9 =	sadd.s32 $0x1, s9;
	[tilespmem:s14+$0x20] =	vst v0  }
0x333: {  	s9 =	simm.s32 $0x0  }
0x334: {  	[hbm4b:s20+s9] =	stream.linear.scatter [tilespmem:s5], [sflag:$0x3], $0x6000, $0x38;
	[tilespmem:$0x18300] =	vst v63  }
0x335: {  	_ =	swait.ge [sflag:s2], $0x6000  }
0x336: {  	[sflag:s2] =	ssyncset.done $0x0  }
0x337: {  	[sflag:s2] =	ssyncadd.s32 $0xFFFFA000  }
0x338: {  	[tilespmem:s3], [sflag:$0x1] =	stream.linear.gather [hbm4b:s25+s9], $0x6000, $0x38;
	[tilespmem:$0x18300] =	vst v63  }
0x339: {  	_ =	swait.ge [sflag:s6], $0x6000  }
0x33a: {  	[sflag:s6] =	ssyncset.done $0x0  }
0x33b: {  	s10 =	simm.s32 $0x0;
	[sflag:s6] =	ssyncadd.s32 $0xFFFFA000  }
.LBB2_42:
0x33c: {  	s11 =	simm.s32 $0x40  }
0x33d: {  	v2 =	vld [tilespmem:s11+$0x30]  }
0x33e: {  	v3 =	vld [tilespmem:s11+$0xFFFFFFD0]  }
0x33f: {  	v4 =	vld [tilespmem:s11+$0xFFFFFFE0]  }
0x340: {  	v5 =	vld [tilespmem:s11+$0xFFFFFFF0]  }
0x341: {  	v7 =	vld [tilespmem:s11+$0x10]  }
0x342: {  	v0 =	vmov s10;
	v10 =	vld [tilespmem:s11+$0x20]  }
0x343: {  	v1 =	vshrl.u32 v0, $0x3;
	v11 =	vld [tilespmem:s11+$0xFFFFFFC0]  }
0x344: {  	v0 =	vshll.u32 v0, $0x7;
	v1 =	vmul.u32 $0x1800, v1  }
0x345: {  	v0 =	vand.u32 $0x380, v0;
	v8 =	vshll.u32 v2, $0x3;
	v9 =	vand.u32 $0x7F, v3  }
0x346: {  	v3 =	vshll.u32 v3, $0x3;
	v12 =	vshll.u32 v4, $0x3;
	v2 =	vand.u32 $0x7F, v2  }
0x347: {  	v13 =	vshll.u32 v5, $0x3;
	v14 =	vshll.u32 v7, $0x3;
	v15 =	vshll.u32 v10, $0x3  }
0x348: {  	v16 =	vshll.u32 v11, $0x3;
	v4 =	vand.u32 $0x7F, v4;
	v8 =	vand.u32 $0xFFFFFC00, v8  }
0x349: {  	v6 =	vld [tilespmem:s11+$0x0];
	v5 =	vand.u32 $0x7F, v5;
	v7 =	vand.u32 $0x7F, v7;
	v8 =	vadd.s32 v1, v8  }
0x34a: {  	v10 =	vand.u32 $0x7F, v10;
	v3 =	vand.u32 $0xFFFFFC00, v3;
	v2 =	vor.u32 v2, v8  }
0x34b: {  	v13 =	vand.u32 $0xFFFFFC00, v13;
	v14 =	vand.u32 $0xFFFFFC00, v14;
	v2 =	vor.u32 v0, v2  }
0x34c: {  	v15 =	vand.u32 $0xFFFFFC00, v15;
	v16 =	vand.u32 $0xFFFFFC00, v16;
	v3 =	vadd.s32 v1, v3  }
0x34d: {  	s14 =	simm.s32 $0xC0;
	v13 =	vadd.s32 v1, v13;
	v16 =	vadd.s32 v1, v16;
	v14 =	vadd.s32 v1, v14  }
0x34e: {  	v18 =	vld [tilespmem:s14+$0xFFFFFFD0];
	v15 =	vadd.s32 v1, v15;
	v8 =	vand.u32 $0xFFFFFC00, v12;
	v12 =	vshll.u32 v6, $0x3  }
0x34f: {  	v23 =	vld [tilespmem:s14+$0xFFFFFFF0];
	v6 =	vand.u32 $0x7F, v6;
	v3 =	vor.u32 v9, v3;
	v5 =	vor.u32 v5, v13  }
0x350: {  	v7 =	vor.u32 v7, v14;
	v10 =	vor.u32 v10, v15;
	v12 =	vand.u32 $0xFFFFFC00, v12;
	v17 =	vld.idx.msk [tilespmem:v2+s0+$0x0], $0xffff  }
0x351: {  	v8 =	vadd.s32 v1, v8;
	v9 =	vor.u32 v0, v3;
	v2 =	vand.u32 $0x7F, v11;
	v11 =	vld [tilespmem:s14+$0x30]  }
0x352: {  	v14 =	vor.u32 v0, v5;
	v12 =	vadd.s32 v1, v12;
	v4 =	vor.u32 v4, v8  }
0x353: {  	v20 =	vld [tilespmem:s14+$0xFFFFFFE0];
	v6 =	vor.u32 v6, v12;
	v12 =	vor.u32 v0, v4;
	v2 =	vor.u32 v2, v16  }
0x354: {  	v19 =	vor.u32 v0, v7;
	v7 =	vshll.u32 v18, $0x3;
	v8 =	vor.u32 v0, v2;
	v2 =	vld [tilespmem:s14+$0x0]  }
0x355: {  	v3 =	vld [tilespmem:s14+$0x10];
	v24 =	vor.u32 v0, v10;
	v15 =	vand.u32 $0xFFFFFC00, v7;
	v7 =	vshll.u32 v23, $0x3  }
0x356: {  	v5 =	vand.u32 $0x7F, v18;
	v4 =	vld [tilespmem:s14+$0x20];
	v18 =	vand.u32 $0xFFFFFC00, v7;
	v13 =	vshll.u32 v11, $0x3  }
0x357: {  	s12 =	sshrl.u32 s10, $0x3;
	v21 =	vld [tilespmem:s14+$0xFFFFFFC0];
	v6 =	vor.u32 v0, v6;
	v18 =	vadd.s32 v1, v18;
	v10 =	vand.u32 $0xFFFFFC00, v13  }
0x358: {  	s13 =	smul.u32 $0x6000, s12;
	s14 =	sand.u32 $0x7, s9;
	v7 =	vld.idx.msk [tilespmem:v12+s0+$0x0], $0xffff;
	v11 =	vand.u32 $0x7F, v11;
	v13 =	vshll.u32 v20, $0x3;
	v10 =	vadd.s32 v1, v10  }
0x359: {  	s12 =	sshll.u32 s14, $0x9;
	v16 =	vand.u32 $0xFFFFFC00, v13;
	v13 =	vshll.u32 v2, $0x3;
	v10 =	vor.u32 v11, v10;
	v11 =	vld.idx.msk [tilespmem:v8+s0+$0x0], $0xffff  }
0x35a: {  	s11 =	sor.u32 s12, s13;
	v8 =	vld.idx.msk [tilespmem:v9+s0+$0x0], $0xffff;
	v25 =	vand.u32 $0xFFFFFC00, v13;
	v9 =	vshll.u32 v3, $0x3;
	v22 =	vor.u32 v0, v10  }
0x35b: {  	s11 =	sshra.s32 s11, $0x2;
	v13 =	vadd.s32 v1, v15;
	v12 =	vand.u32 $0xFFFFFC00, v9;
	v10 =	vshll.u32 v4, $0x3;
	v9 =	vld.idx.msk [tilespmem:v14+s0+$0x0], $0xffff  }
0x35c: {  	s11 =	sadd.s32 $0xC340, s11;
	v15 =	vadd.s32 v1, v16;
	v14 =	vshll.u32 v21, $0x3;
	v26 =	vand.u32 $0xFFFFFC00, v10;
	v10 =	vld.idx.msk [tilespmem:v6+s0+$0x0], $0xffff  }
0x35d: {  	[tilespmem:s11+$0x30] =	vst v17;
	v16 =	vadd.s32 v1, v25;
	v14 =	vand.u32 $0xFFFFFC00, v14;
	v6 =	vld.idx.msk [tilespmem:v19+s0+$0x0], $0xffff;
	v17 =	vadd.s32 v1, v12  }
0x35e: {  	v19 =	vadd.s32 v1, v14;
	v14 =	vadd.s32 v1, v26;
	[tilespmem:s11+$0xFFFFFFC0] =	vst v11;
	v11 =	vld.idx.msk [tilespmem:v24+s0+$0x0], $0xffff  }
0x35f: {  	s14 =	simm.s32 $0x140;
	s13 =	simm.s32 $0x8;
	s12 =	smov.u32 s11;
	v12 =	vld.idx.msk [tilespmem:v22+s0+$0x0], $0xffff;
	v22 =	vand.u32 $0x7F, v21;
	v21 =	vand.u32 $0x7F, v20;
	v20 =	vand.u32 $0x7F, v23  }
.LBB2_43:
0x360: {  	v23 =	vld [tilespmem:s14+$0x30];
	s13 =	sadd.s32 $0x8, s13;
	v2 =	vand.u32 $0x7F, v2;
	v3 =	vand.u32 $0x7F, v3;
	v4 =	vand.u32 $0x7F, v4;
	[tilespmem:s11+$0xFFFFFFD0] =	vst v8  }
0x361: {  	v19 =	vor.u32 v22, v19;
	v5 =	vor.u32 v5, v13;
	v13 =	vor.u32 v21, v15;
	v8 =	vld [tilespmem:s14+$0xFFFFFFD0];
	p0 =	slt.u32 s13, $0x28;
	[tilespmem:s11+$0xFFFFFFE0] =	vst v7  }
0x362: {  	v7 =	vor.u32 v20, v18;
	v15 =	vor.u32 v2, v16;
	v16 =	vor.u32 v3, v17;
	v21 =	vld [tilespmem:s14+$0xFFFFFFE0];
	[tilespmem:s11+$0xFFFFFFF0] =	vst v9  }
0x363: {  	v17 =	vor.u32 v0, v5;
	v4 =	vor.u32 v4, v14;
	v9 =	vor.u32 v0, v19;
	s11 =	sadd.s32 $0x400, s11;
	v20 =	vld [tilespmem:s14+$0xFFFFFFF0];
	[tilespmem:s12+$0x0] =	vst v10  }
0x364: {  	v14 =	vor.u32 v0, v7;
	v18 =	vor.u32 v0, v15;
	v10 =	vor.u32 v0, v13;
	v2 =	vld [tilespmem:s14+$0x0];
	[tilespmem:s11+$0x30] =	vst v12  }
0x365: {  	v24 =	vor.u32 v0, v4;
	v12 =	vor.u32 v0, v16;
	v3 =	vld [tilespmem:s14+$0x10];
	v7 =	vshll.u32 v23, $0x3;
	[tilespmem:s12+$0x10] =	vst v6  }
0x366: {  	v5 =	vand.u32 $0x7F, v8;
	v6 =	vshll.u32 v8, $0x3;
	v4 =	vld [tilespmem:s14+$0x20];
	v7 =	vand.u32 $0xFFFFFC00, v7;
	[tilespmem:s12+$0x20] =	vst v11;
	s12 =	smov.u32 s11  }
0x367: {  	v13 =	vand.u32 $0x7F, v23;
	v11 =	vld [tilespmem:s14+$0xFFFFFFC0];
	v8 =	vshll.u32 v21, $0x3;
	v7 =	vadd.s32 v1, v7  }
0x368: {  	v6 =	vand.u32 $0xFFFFFC00, v6;
	v15 =	vshll.u32 v20, $0x3;
	v7 =	vor.u32 v13, v7;
	v23 =	vld.idx.msk [tilespmem:v9+s0+$0x0], $0xffff  }
0x369: {  	v16 =	vand.u32 $0xFFFFFC00, v8;
	v9 =	vshll.u32 v2, $0x3;
	v22 =	vor.u32 v0, v7;
	v8 =	vld.idx.msk [tilespmem:v17+s0+$0x0], $0xffff  }
0x36a: {  	v17 =	vand.u32 $0xFFFFFC00, v15;
	v19 =	vand.u32 $0xFFFFFC00, v9;
	v9 =	vshll.u32 v3, $0x3;
	v7 =	vld.idx.msk [tilespmem:v10+s0+$0x0], $0xffff  }
.Ltmp20:
0x36b: {  	v13 =	vadd.s32 v1, v6;
	v25 =	vand.u32 $0xFFFFFC00, v9;
	v6 =	vshll.u32 v4, $0x3;
	v9 =	vld.idx.msk [tilespmem:v14+s0+$0x0], $0xffff;
	(pc) =	sbr.rel @p0 .LBB2_43-.Ltmp20, $4  }
0x36c: {  	v15 =	vadd.s32 v1, v16;
	v14 =	vshll.u32 v11, $0x3;
	v26 =	vand.u32 $0xFFFFFC00, v6;
	v10 =	vld.idx.msk [tilespmem:v18+s0+$0x0], $0xffff  }
0x36d: {  	v16 =	vadd.s32 v1, v19;
	v18 =	vadd.s32 v1, v17;
	v14 =	vand.u32 $0xFFFFFC00, v14;
	v6 =	vld.idx.msk [tilespmem:v12+s0+$0x0], $0xffff  }
0x36e: {  	v17 =	vadd.s32 v1, v25;
	v19 =	vadd.s32 v1, v14;
	v14 =	vadd.s32 v1, v26;
	v12 =	vld.idx.msk [tilespmem:v22+s0+$0x0], $0xffff  }
0x36f: {  	v21 =	vand.u32 $0x7F, v21;
	s14 =	sadd.s32 $0x80, s14;
	v20 =	vand.u32 $0x7F, v20;
	v22 =	vand.u32 $0x7F, v11;
	[tilespmem:s11+$0xFFFFFFC0] =	vst v23;
	v11 =	vld.idx.msk [tilespmem:v24+s0+$0x0], $0xffff  }
0x370: {  	v1 =	vor.u32 v22, v19  }
0x371: {  	v5 =	vor.u32 v5, v13;
	v1 =	vor.u32 v0, v1  }
0x372: {  	v57 =	vor.u32 v21, v15;
	v5 =	vor.u32 v0, v5  }
0x373: {  	v2 =	vand.u32 $0x7F, v2;
	v58 =	vor.u32 v20, v18;
	v13 =	vor.u32 v0, v57  }
0x374: {  	v3 =	vand.u32 $0x7F, v3;
	[tilespmem:s11+$0xFFFFFFD0] =	vst v8;
	v2 =	vor.u32 v2, v16;
	v59 =	vor.u32 v0, v58  }
0x375: {  	v4 =	vand.u32 $0x7F, v4;
	[tilespmem:s11+$0xFFFFFFE0] =	vst v7;
	v3 =	vor.u32 v3, v17;
	v2 =	vor.u32 v0, v2  }
0x376: {  	[tilespmem:s11+$0xFFFFFFF0] =	vst v9;
	v4 =	vor.u32 v4, v14;
	v3 =	vor.u32 v0, v3;
	v1 =	vld.idx.msk [tilespmem:v1+s0+$0x0], $0xffff  }
0x377: {  	[tilespmem:s12+$0x0] =	vst v10;
	v60 =	vor.u32 v0, v4;
	v61 =	vld.idx.msk [tilespmem:v5+s0+$0x0], $0xffff  }
0x378: {  	s14 =	sadd.s32 $0x400, s11;
	[tilespmem:s12+$0x10] =	vst v6;
	v62 =	vld.idx.msk [tilespmem:v13+s0+$0x0], $0xffff  }
0x379: {  	[tilespmem:s14+$0x30] =	vst v12;
	v63 =	vld.idx.msk [tilespmem:v59+s0+$0x0], $0xffff  }
0x37a: {  	[tilespmem:s12+$0x20] =	vst v11;
	v2 =	vld.idx.msk [tilespmem:v2+s0+$0x0], $0xffff  }
0x37b: {  	s10 =	sadd.s32 $0x1, s10;
	v3 =	vld.idx.msk [tilespmem:v3+s0+$0x0], $0xffff;
	[tilespmem:s14+$0xFFFFFFC0] =	vst v1  }
0x37c: {  	p0 =	sne.s32 s10, $0x20;
	v0 =	vld.idx.msk [tilespmem:v60+s0+$0x0], $0xffff;
	[tilespmem:s14+$0xFFFFFFD0] =	vst v61  }
.Ltmp21:
0x37d: {  	[tilespmem:s14+$0xFFFFFFE0] =	vst v62;
	(pc) =	sbr.rel @p0 .LBB2_42-.Ltmp21, $4  }
0x37e: {  	[tilespmem:s14+$0xFFFFFFF0] =	vst v63  }
0x37f: {  	[tilespmem:s14+$0x0] =	vst v2  }
0x380: {  	[tilespmem:s14+$0x10] =	vst v3  }
0x381: {  	s9 =	sadd.s32 $0x1, s9;
	[tilespmem:s14+$0x20] =	vst v0  }
0x382: {  	s9 =	simm.s32 $0x0  }
0x383: {  	[hbm4b:s21+s9] =	stream.linear.scatter [tilespmem:s4], [sflag:$0x2], $0x6000, $0x38;
	[tilespmem:$0x18300] =	vst v63  }
0x384: {  	_ =	swait.ge [sflag:s2], $0x6000  }
0x385: {  	[sflag:s2] =	ssyncset.done $0x0  }
0x386: {  	[sflag:s2] =	ssyncadd.s32 $0xFFFFA000  }
0x387: {  	[tilespmem:s0], [sflag:$0x1] =	stream.linear.gather [hbm4b:s26+s9], $0x1800, $0x38;
	[tilespmem:$0x18300] =	vst v63  }
0x388: {  	_ =	swait.ge [sflag:s7], $0x6000  }
0x389: {  	[sflag:s7] =	ssyncset.done $0x0  }
0x38a: {  	s10 =	simm.s32 $0x0;
	[sflag:s7] =	ssyncadd.s32 $0xFFFFA000  }
.LBB2_46:
0x38b: {  	s11 =	simm.s32 $0x40  }
0x38c: {  	v2 =	vld [tilespmem:s11+$0x30]  }
0x38d: {  	v3 =	vld [tilespmem:s11+$0xFFFFFFD0]  }
0x38e: {  	v4 =	vld [tilespmem:s11+$0xFFFFFFE0]  }
0x38f: {  	v5 =	vld [tilespmem:s11+$0xFFFFFFF0]  }
0x390: {  	v7 =	vld [tilespmem:s11+$0x10]  }
0x391: {  	v0 =	vmov s10;
	v10 =	vld [tilespmem:s11+$0x20]  }
0x392: {  	v1 =	vshrl.u32 v0, $0x3;
	v11 =	vld [tilespmem:s11+$0xFFFFFFC0]  }
0x393: {  	v0 =	vshll.u32 v0, $0x7;
	v1 =	vmul.u32 $0x1800, v1  }
0x394: {  	v0 =	vand.u32 $0x380, v0;
	v8 =	vshll.u32 v2, $0x3;
	v9 =	vand.u32 $0x7F, v3  }
0x395: {  	v3 =	vshll.u32 v3, $0x3;
	v12 =	vshll.u32 v4, $0x3;
	v2 =	vand.u32 $0x7F, v2  }
0x396: {  	v13 =	vshll.u32 v5, $0x3;
	v14 =	vshll.u32 v7, $0x3;
	v15 =	vshll.u32 v10, $0x3  }
0x397: {  	v16 =	vshll.u32 v11, $0x3;
	v4 =	vand.u32 $0x7F, v4;
	v8 =	vand.u32 $0xFFFFFC00, v8  }
0x398: {  	v6 =	vld [tilespmem:s11+$0x0];
	v5 =	vand.u32 $0x7F, v5;
	v7 =	vand.u32 $0x7F, v7;
	v8 =	vadd.s32 v1, v8  }
0x399: {  	v10 =	vand.u32 $0x7F, v10;
	v3 =	vand.u32 $0xFFFFFC00, v3;
	v2 =	vor.u32 v2, v8  }
0x39a: {  	v13 =	vand.u32 $0xFFFFFC00, v13;
	v14 =	vand.u32 $0xFFFFFC00, v14;
	v2 =	vor.u32 v0, v2  }
0x39b: {  	v15 =	vand.u32 $0xFFFFFC00, v15;
	v16 =	vand.u32 $0xFFFFFC00, v16;
	v3 =	vadd.s32 v1, v3  }
0x39c: {  	s14 =	simm.s32 $0xC0;
	v13 =	vadd.s32 v1, v13;
	v16 =	vadd.s32 v1, v16;
	v14 =	vadd.s32 v1, v14  }
0x39d: {  	v18 =	vld [tilespmem:s14+$0xFFFFFFD0];
	v15 =	vadd.s32 v1, v15;
	v8 =	vand.u32 $0xFFFFFC00, v12;
	v12 =	vshll.u32 v6, $0x3  }
0x39e: {  	v23 =	vld [tilespmem:s14+$0xFFFFFFF0];
	v6 =	vand.u32 $0x7F, v6;
	v3 =	vor.u32 v9, v3;
	v5 =	vor.u32 v5, v13  }
0x39f: {  	v7 =	vor.u32 v7, v14;
	v10 =	vor.u32 v10, v15;
	v12 =	vand.u32 $0xFFFFFC00, v12;
	v17 =	vld.idx.msk [tilespmem:v2+s3+$0x0], $0xffff  }
0x3a0: {  	v8 =	vadd.s32 v1, v8;
	v9 =	vor.u32 v0, v3;
	v2 =	vand.u32 $0x7F, v11;
	v11 =	vld [tilespmem:s14+$0x30]  }
0x3a1: {  	v14 =	vor.u32 v0, v5;
	v12 =	vadd.s32 v1, v12;
	v4 =	vor.u32 v4, v8  }
0x3a2: {  	v20 =	vld [tilespmem:s14+$0xFFFFFFE0];
	v6 =	vor.u32 v6, v12;
	v12 =	vor.u32 v0, v4;
	v2 =	vor.u32 v2, v16  }
0x3a3: {  	v19 =	vor.u32 v0, v7;
	v7 =	vshll.u32 v18, $0x3;
	v8 =	vor.u32 v0, v2;
	v2 =	vld [tilespmem:s14+$0x0]  }
0x3a4: {  	v3 =	vld [tilespmem:s14+$0x10];
	v24 =	vor.u32 v0, v10;
	v15 =	vand.u32 $0xFFFFFC00, v7;
	v7 =	vshll.u32 v23, $0x3  }
0x3a5: {  	v5 =	vand.u32 $0x7F, v18;
	v4 =	vld [tilespmem:s14+$0x20];
	v18 =	vand.u32 $0xFFFFFC00, v7;
	v13 =	vshll.u32 v11, $0x3  }
0x3a6: {  	s12 =	sshrl.u32 s10, $0x3;
	v21 =	vld [tilespmem:s14+$0xFFFFFFC0];
	v6 =	vor.u32 v0, v6;
	v18 =	vadd.s32 v1, v18;
	v10 =	vand.u32 $0xFFFFFC00, v13  }
0x3a7: {  	s13 =	smul.u32 $0x6000, s12;
	s14 =	sand.u32 $0x7, s9;
	v7 =	vld.idx.msk [tilespmem:v12+s3+$0x0], $0xffff;
	v11 =	vand.u32 $0x7F, v11;
	v13 =	vshll.u32 v20, $0x3;
	v10 =	vadd.s32 v1, v10  }
0x3a8: {  	s12 =	sshll.u32 s14, $0x9;
	v16 =	vand.u32 $0xFFFFFC00, v13;
	v13 =	vshll.u32 v2, $0x3;
	v10 =	vor.u32 v11, v10;
	v11 =	vld.idx.msk [tilespmem:v8+s3+$0x0], $0xffff  }
0x3a9: {  	s11 =	sor.u32 s12, s13;
	v8 =	vld.idx.msk [tilespmem:v9+s3+$0x0], $0xffff;
	v25 =	vand.u32 $0xFFFFFC00, v13;
	v9 =	vshll.u32 v3, $0x3;
	v22 =	vor.u32 v0, v10  }
0x3aa: {  	s11 =	sshra.s32 s11, $0x2;
	v13 =	vadd.s32 v1, v15;
	v12 =	vand.u32 $0xFFFFFC00, v9;
	v10 =	vshll.u32 v4, $0x3;
	v9 =	vld.idx.msk [tilespmem:v14+s3+$0x0], $0xffff  }
0x3ab: {  	s11 =	sadd.s32 $0x12340, s11;
	v15 =	vadd.s32 v1, v16;
	v14 =	vshll.u32 v21, $0x3;
	v26 =	vand.u32 $0xFFFFFC00, v10;
	v10 =	vld.idx.msk [tilespmem:v6+s3+$0x0], $0xffff  }
0x3ac: {  	[tilespmem:s11+$0x30] =	vst v17;
	v16 =	vadd.s32 v1, v25;
	v14 =	vand.u32 $0xFFFFFC00, v14;
	v6 =	vld.idx.msk [tilespmem:v19+s3+$0x0], $0xffff;
	v17 =	vadd.s32 v1, v12  }
0x3ad: {  	v19 =	vadd.s32 v1, v14;
	v14 =	vadd.s32 v1, v26;
	[tilespmem:s11+$0xFFFFFFC0] =	vst v11;
	v11 =	vld.idx.msk [tilespmem:v24+s3+$0x0], $0xffff  }
0x3ae: {  	s14 =	simm.s32 $0x140;
	s13 =	simm.s32 $0x8;
	s12 =	smov.u32 s11;
	v12 =	vld.idx.msk [tilespmem:v22+s3+$0x0], $0xffff;
	v22 =	vand.u32 $0x7F, v21;
	v21 =	vand.u32 $0x7F, v20;
	v20 =	vand.u32 $0x7F, v23  }
.LBB2_47:
0x3af: {  	v23 =	vld [tilespmem:s14+$0x30];
	s13 =	sadd.s32 $0x8, s13;
	v2 =	vand.u32 $0x7F, v2;
	v3 =	vand.u32 $0x7F, v3;
	v4 =	vand.u32 $0x7F, v4;
	[tilespmem:s11+$0xFFFFFFD0] =	vst v8  }
0x3b0: {  	v19 =	vor.u32 v22, v19;
	v5 =	vor.u32 v5, v13;
	v13 =	vor.u32 v21, v15;
	v8 =	vld [tilespmem:s14+$0xFFFFFFD0];
	p0 =	slt.u32 s13, $0x28;
	[tilespmem:s11+$0xFFFFFFE0] =	vst v7  }
0x3b1: {  	v7 =	vor.u32 v20, v18;
	v15 =	vor.u32 v2, v16;
	v16 =	vor.u32 v3, v17;
	v21 =	vld [tilespmem:s14+$0xFFFFFFE0];
	[tilespmem:s11+$0xFFFFFFF0] =	vst v9  }
0x3b2: {  	v17 =	vor.u32 v0, v5;
	v4 =	vor.u32 v4, v14;
	v9 =	vor.u32 v0, v19;
	s11 =	sadd.s32 $0x400, s11;
	v20 =	vld [tilespmem:s14+$0xFFFFFFF0];
	[tilespmem:s12+$0x0] =	vst v10  }
0x3b3: {  	v14 =	vor.u32 v0, v7;
	v18 =	vor.u32 v0, v15;
	v10 =	vor.u32 v0, v13;
	v2 =	vld [tilespmem:s14+$0x0];
	[tilespmem:s11+$0x30] =	vst v12  }
0x3b4: {  	v24 =	vor.u32 v0, v4;
	v12 =	vor.u32 v0, v16;
	v3 =	vld [tilespmem:s14+$0x10];
	v7 =	vshll.u32 v23, $0x3;
	[tilespmem:s12+$0x10] =	vst v6  }
0x3b5: {  	v5 =	vand.u32 $0x7F, v8;
	v6 =	vshll.u32 v8, $0x3;
	v4 =	vld [tilespmem:s14+$0x20];
	v7 =	vand.u32 $0xFFFFFC00, v7;
	[tilespmem:s12+$0x20] =	vst v11;
	s12 =	smov.u32 s11  }
0x3b6: {  	v13 =	vand.u32 $0x7F, v23;
	v11 =	vld [tilespmem:s14+$0xFFFFFFC0];
	v8 =	vshll.u32 v21, $0x3;
	v7 =	vadd.s32 v1, v7  }
0x3b7: {  	v6 =	vand.u32 $0xFFFFFC00, v6;
	v15 =	vshll.u32 v20, $0x3;
	v7 =	vor.u32 v13, v7;
	v23 =	vld.idx.msk [tilespmem:v9+s3+$0x0], $0xffff  }
0x3b8: {  	v16 =	vand.u32 $0xFFFFFC00, v8;
	v9 =	vshll.u32 v2, $0x3;
	v22 =	vor.u32 v0, v7;
	v8 =	vld.idx.msk [tilespmem:v17+s3+$0x0], $0xffff  }
0x3b9: {  	v17 =	vand.u32 $0xFFFFFC00, v15;
	v19 =	vand.u32 $0xFFFFFC00, v9;
	v9 =	vshll.u32 v3, $0x3;
	v7 =	vld.idx.msk [tilespmem:v10+s3+$0x0], $0xffff  }
.Ltmp22:
0x3ba: {  	v13 =	vadd.s32 v1, v6;
	v25 =	vand.u32 $0xFFFFFC00, v9;
	v6 =	vshll.u32 v4, $0x3;
	v9 =	vld.idx.msk [tilespmem:v14+s3+$0x0], $0xffff;
	(pc) =	sbr.rel @p0 .LBB2_47-.Ltmp22, $4  }
0x3bb: {  	v15 =	vadd.s32 v1, v16;
	v14 =	vshll.u32 v11, $0x3;
	v26 =	vand.u32 $0xFFFFFC00, v6;
	v10 =	vld.idx.msk [tilespmem:v18+s3+$0x0], $0xffff  }
0x3bc: {  	v16 =	vadd.s32 v1, v19;
	v18 =	vadd.s32 v1, v17;
	v14 =	vand.u32 $0xFFFFFC00, v14;
	v6 =	vld.idx.msk [tilespmem:v12+s3+$0x0], $0xffff  }
0x3bd: {  	v17 =	vadd.s32 v1, v25;
	v19 =	vadd.s32 v1, v14;
	v14 =	vadd.s32 v1, v26;
	v12 =	vld.idx.msk [tilespmem:v22+s3+$0x0], $0xffff  }
0x3be: {  	v21 =	vand.u32 $0x7F, v21;
	s14 =	sadd.s32 $0x80, s14;
	v20 =	vand.u32 $0x7F, v20;
	v22 =	vand.u32 $0x7F, v11;
	[tilespmem:s11+$0xFFFFFFC0] =	vst v23;
	v11 =	vld.idx.msk [tilespmem:v24+s3+$0x0], $0xffff  }
0x3bf: {  	v1 =	vor.u32 v22, v19  }
0x3c0: {  	v5 =	vor.u32 v5, v13;
	v1 =	vor.u32 v0, v1  }
0x3c1: {  	v57 =	vor.u32 v21, v15;
	v5 =	vor.u32 v0, v5  }
0x3c2: {  	v2 =	vand.u32 $0x7F, v2;
	v58 =	vor.u32 v20, v18;
	v13 =	vor.u32 v0, v57  }
0x3c3: {  	v3 =	vand.u32 $0x7F, v3;
	[tilespmem:s11+$0xFFFFFFD0] =	vst v8;
	v2 =	vor.u32 v2, v16;
	v59 =	vor.u32 v0, v58  }
0x3c4: {  	v4 =	vand.u32 $0x7F, v4;
	[tilespmem:s11+$0xFFFFFFE0] =	vst v7;
	v3 =	vor.u32 v3, v17;
	v2 =	vor.u32 v0, v2  }
0x3c5: {  	[tilespmem:s11+$0xFFFFFFF0] =	vst v9;
	v4 =	vor.u32 v4, v14;
	v3 =	vor.u32 v0, v3;
	v1 =	vld.idx.msk [tilespmem:v1+s3+$0x0], $0xffff  }
0x3c6: {  	[tilespmem:s12+$0x0] =	vst v10;
	v60 =	vor.u32 v0, v4;
	v61 =	vld.idx.msk [tilespmem:v5+s3+$0x0], $0xffff  }
0x3c7: {  	s14 =	sadd.s32 $0x400, s11;
	[tilespmem:s12+$0x10] =	vst v6;
	v62 =	vld.idx.msk [tilespmem:v13+s3+$0x0], $0xffff  }
0x3c8: {  	[tilespmem:s14+$0x30] =	vst v12;
	v63 =	vld.idx.msk [tilespmem:v59+s3+$0x0], $0xffff  }
0x3c9: {  	[tilespmem:s12+$0x20] =	vst v11;
	v2 =	vld.idx.msk [tilespmem:v2+s3+$0x0], $0xffff  }
0x3ca: {  	s10 =	sadd.s32 $0x1, s10;
	v3 =	vld.idx.msk [tilespmem:v3+s3+$0x0], $0xffff;
	[tilespmem:s14+$0xFFFFFFC0] =	vst v1  }
0x3cb: {  	p0 =	sne.s32 s10, $0x20;
	v0 =	vld.idx.msk [tilespmem:v60+s3+$0x0], $0xffff;
	[tilespmem:s14+$0xFFFFFFD0] =	vst v61  }
.Ltmp23:
0x3cc: {  	[tilespmem:s14+$0xFFFFFFE0] =	vst v62;
	(pc) =	sbr.rel @p0 .LBB2_46-.Ltmp23, $4  }
0x3cd: {  	[tilespmem:s14+$0xFFFFFFF0] =	vst v63  }
0x3ce: {  	[tilespmem:s14+$0x0] =	vst v2  }
0x3cf: {  	[tilespmem:s14+$0x10] =	vst v3  }
0x3d0: {  	s9 =	sadd.s32 $0x1, s9;
	[tilespmem:s14+$0x20] =	vst v0  }
0x3d1: {  	s9 =	simm.s32 $0x0  }
0x3d2: {  	[hbm4b:s28+s9] =	stream.linear.scatter [tilespmem:s5], [sflag:$0x3], $0x6000, $0x38;
	[tilespmem:$0x18300] =	vst v63  }
0x3d3: {  	_ =	swait.ge [sflag:s2], $0x1800  }
0x3d4: {  	[sflag:s2] =	ssyncset.done $0x0  }
0x3d5: {  	[sflag:s2] =	ssyncadd.s32 $0xFFFFE800  }
0x3d6: {  	_ =	swait.ge [sflag:s6], $0x6000  }
0x3d7: {  	[sflag:s6] =	ssyncset.done $0x0  }
0x3d8: {  	s10 =	simm.s32 $0xC340;
	[sflag:s6] =	ssyncadd.s32 $0xFFFFA000  }
.LBB2_50:
0x3d9: {  	s11 =	simm.s32 $0x40  }
0x3da: {  	v1 =	vld [tilespmem:s11+$0x30]  }
0x3db: {  	v2 =	vld [tilespmem:s11+$0xFFFFFFD0]  }
0x3dc: {  	v4 =	vld [tilespmem:s11+$0xFFFFFFF0]  }
0x3dd: {  	v5 =	vld [tilespmem:s11+$0x0]  }
0x3de: {  	v0 =	vmov s9;
	v6 =	vld [tilespmem:s11+$0x10]  }
0x3df: {  	v0 =	vshll.u32 v0, $0x7;
	v8 =	vld [tilespmem:s11+$0x20]  }
0x3e0: {  	v10 =	vld [tilespmem:s11+$0xFFFFFFC0];
	v0 =	vand.u32 $0x380, v0  }
0x3e1: {  	v0 =	vbroadcast v0, $0x0;
	v7 =	vshll.u32 v1, $0x3;
	v1 =	vand.u32 $0x7F, v1  }
0x3e2: {  	v9 =	vshll.u32 v2, $0x3;
	v11 =	vshll.u32 v4, $0x3;
	v7 =	vand.u32 $0xFFFFFC00, v7  }
0x3e3: {  	v3 =	vld [tilespmem:s11+$0xFFFFFFE0];
	v2 =	vand.u32 $0x7F, v2;
	v12 =	vshll.u32 v5, $0x3;
	v1 =	vor.u32 v7, v1  }
0x3e4: {  	v13 =	vshll.u32 v6, $0x3;
	v4 =	vand.u32 $0x7F, v4;
	v1 =	vor.u32 v0, v1  }
0x3e5: {  	v14 =	vshll.u32 v8, $0x3;
	v15 =	vshll.u32 v10, $0x3;
	v10 =	vand.u32 $0x7F, v10  }
0x3e6: {  	s14 =	simm.s32 $0xC0;
	v11 =	vand.u32 $0xFFFFFC00, v11;
	v12 =	vand.u32 $0xFFFFFC00, v12;
	v13 =	vand.u32 $0xFFFFFC00, v13  }
0x3e7: {  	v14 =	vand.u32 $0xFFFFFC00, v14;
	v7 =	vand.u32 $0xFFFFFC00, v9;
	v4 =	vor.u32 v11, v4;
	v11 =	vld [tilespmem:s14+$0xFFFFFFF0]  }
0x3e8: {  	v9 =	vshll.u32 v3, $0x3;
	v2 =	vor.u32 v7, v2;
	v7 =	vand.u32 $0x7F, v8;
	v8 =	vld [tilespmem:s14+$0xFFFFFFD0]  }
0x3e9: {  	v15 =	vand.u32 $0xFFFFFC00, v15;
	v3 =	vand.u32 $0x7F, v3;
	v9 =	vand.u32 $0xFFFFFC00, v9;
	v16 =	vld.idx.msk [tilespmem:v1+s0+$0x0], $0xffff  }
0x3ea: {  	v1 =	vand.u32 $0x7F, v5;
	v5 =	vand.u32 $0x7F, v6;
	v6 =	vor.u32 v15, v10;
	v10 =	vld [tilespmem:s14+$0x30]  }
0x3eb: {  	v3 =	vor.u32 v9, v3;
	v9 =	vld [tilespmem:s14+$0xFFFFFFE0];
	v7 =	vor.u32 v14, v7;
	v2 =	vor.u32 v0, v2  }
0x3ec: {  	v17 =	vld [tilespmem:s14+$0x20];
	v3 =	vor.u32 v0, v3;
	v7 =	vor.u32 v0, v7;
	v6 =	vor.u32 v0, v6  }
0x3ed: {  	v25 =	vand.u32 $0x7F, v11;
	v14 =	vshll.u32 v8, $0x3;
	v21 =	vand.u32 $0x7F, v8  }
0x3ee: {  	v1 =	vor.u32 v12, v1;
	v5 =	vor.u32 v13, v5;
	v12 =	vor.u32 v0, v4;
	v13 =	vld [tilespmem:s14+$0x0]  }
0x3ef: {  	v19 =	vand.u32 $0xFFFFFC00, v14;
	v15 =	vor.u32 v0, v5;
	v5 =	vld [tilespmem:s14+$0x10];
	v4 =	vshll.u32 v10, $0x3  }
0x3f0: {  	v18 =	vld [tilespmem:s14+$0xFFFFFFC0];
	v14 =	vshll.u32 v9, $0x3;
	v10 =	vand.u32 $0x7F, v10;
	v4 =	vand.u32 $0xFFFFFC00, v4  }
0x3f1: {  	v23 =	vand.u32 $0x7F, v9;
	v9 =	vshll.u32 v17, $0x3;
	v6 =	vld.idx.msk [tilespmem:v6+s0+$0x0], $0xffff;
	v4 =	vor.u32 v4, v10  }
0x3f2: {  	v1 =	vor.u32 v0, v1;
	v20 =	vand.u32 $0xFFFFFC00, v14;
	v3 =	vld.idx.msk [tilespmem:v3+s0+$0x0], $0xffff;
	v14 =	vor.u32 v0, v4  }
0x3f3: {  	v9 =	vand.u32 $0xFFFFFC00, v9;
	v7 =	vld.idx.msk [tilespmem:v7+s0+$0x0], $0xffff;
	[tilespmem:s10+$0x30] =	vst v16;
	v16 =	vor.u32 v20, v23;
	v8 =	vshll.u32 v13, $0x3  }
0x3f4: {  	v13 =	vand.u32 $0x7F, v13;
	v10 =	vshll.u32 v11, $0x3;
	v4 =	vld.idx.msk [tilespmem:v2+s0+$0x0], $0xffff;
	v2 =	vshll.u32 v5, $0x3  }
0x3f5: {  	v24 =	vand.u32 $0xFFFFFC00, v8;
	v11 =	vand.u32 $0x7F, v18;
	v8 =	vand.u32 $0xFFFFFC00, v2;
	v2 =	vld.idx.msk [tilespmem:v12+s0+$0x0], $0xffff  }
0x3f6: {  	v22 =	vand.u32 $0xFFFFFC00, v10;
	v10 =	vshll.u32 v18, $0x3;
	v13 =	vor.u32 v24, v13;
	[tilespmem:s10+$0xFFFFFFC0] =	vst v6;
	v6 =	vld.idx.msk [tilespmem:v15+s0+$0x0], $0xffff  }
0x3f7: {  	s13 =	simm.s32 $0x8;
	v12 =	vand.u32 $0xFFFFFC00, v10;
	v10 =	vand.u32 $0x7F, v5;
	v15 =	vor.u32 v22, v25;
	v5 =	vld.idx.msk [tilespmem:v14+s0+$0x0], $0xffff  }
0x3f8: {  	s12 =	smov.u32 s10;
	s11 =	smov.u32 s10;
	s14 =	simm.s32 $0x140;
	v1 =	vld.idx.msk [tilespmem:v1+s0+$0x0], $0xffff;
	v14 =	vor.u32 v12, v11;
	v12 =	vor.u32 v19, v21;
	v11 =	vand.u32 $0x7F, v17  }
.LBB2_51:
0x3f9: {  	v17 =	vld [tilespmem:s14+$0x30];
	s13 =	sadd.s32 $0x8, s13;
	v14 =	vor.u32 v0, v14;
	v8 =	vor.u32 v8, v10;
	v9 =	vor.u32 v9, v11;
	[tilespmem:s12+$0xFFFFFFD0] =	vst v4  }
0x3fa: {  	v10 =	vor.u32 v0, v12;
	v11 =	vor.u32 v0, v16;
	v12 =	vor.u32 v0, v15;
	v4 =	vld [tilespmem:s14+$0xFFFFFFD0];
	p0 =	slt.u32 s13, $0x28;
	[tilespmem:s12+$0xFFFFFFE0] =	vst v3  }
0x3fb: {  	v13 =	vor.u32 v0, v13;
	v15 =	vor.u32 v0, v8;
	v18 =	vor.u32 v0, v9;
	s12 =	sadd.s32 $0x400, s12;
	v3 =	vld [tilespmem:s14+$0xFFFFFFE0];
	[tilespmem:s11+$0xFFFFFFF0] =	vst v2  }
0x3fc: {  	v2 =	vld [tilespmem:s14+$0xFFFFFFF0];
	[tilespmem:s12+$0x30] =	vst v5  }
0x3fd: {  	v5 =	vld [tilespmem:s14+$0x0];
	[tilespmem:s11+$0x0] =	vst v1  }
0x3fe: {  	v16 =	vld [tilespmem:s14+$0x10];
	v1 =	vshll.u32 v17, $0x3;
	[tilespmem:s11+$0x10] =	vst v6  }
0x3ff: {  	v8 =	vand.u32 $0x7F, v17;
	v6 =	vshll.u32 v4, $0x3;
	v19 =	vld [tilespmem:s14+$0x20];
	v1 =	vand.u32 $0xFFFFFC00, v1;
	[tilespmem:s11+$0x20] =	vst v7;
	s11 =	smov.u32 s12  }
0x400: {  	v7 =	vld [tilespmem:s14+$0xFFFFFFC0];
	v6 =	vand.u32 $0xFFFFFC00, v6;
	v9 =	vshll.u32 v3, $0x3;
	v1 =	vor.u32 v1, v8  }
0x401: {  	v17 =	vand.u32 $0xFFFFFC00, v9;
	v8 =	vshll.u32 v2, $0x3;
	v20 =	vor.u32 v0, v1;
	v21 =	vld.idx.msk [tilespmem:v14+s0+$0x0], $0xffff  }
0x402: {  	v22 =	vand.u32 $0x7F, v4;
	v23 =	vand.u32 $0xFFFFFC00, v8;
	v1 =	vshll.u32 v5, $0x3;
	v4 =	vld.idx.msk [tilespmem:v10+s0+$0x0], $0xffff  }
0x403: {  	v24 =	vand.u32 $0x7F, v3;
	v25 =	vand.u32 $0xFFFFFC00, v1;
	v1 =	vshll.u32 v16, $0x3;
	v3 =	vld.idx.msk [tilespmem:v11+s0+$0x0], $0xffff  }
.Ltmp24:
0x404: {  	v26 =	vand.u32 $0x7F, v2;
	v8 =	vand.u32 $0xFFFFFC00, v1;
	v1 =	vshll.u32 v19, $0x3;
	v2 =	vld.idx.msk [tilespmem:v12+s0+$0x0], $0xffff;
	(pc) =	sbr.rel @p0 .LBB2_51-.Ltmp24, $4  }
0x405: {  	v11 =	vand.u32 $0x7F, v7;
	v7 =	vshll.u32 v7, $0x3;
	v9 =	vand.u32 $0xFFFFFC00, v1;
	v1 =	vld.idx.msk [tilespmem:v13+s0+$0x0], $0xffff  }
0x406: {  	v10 =	vand.u32 $0x7F, v16;
	v13 =	vand.u32 $0x7F, v5;
	v7 =	vand.u32 $0xFFFFFC00, v7;
	v5 =	vld.idx.msk [tilespmem:v20+s0+$0x0], $0xffff  }
0x407: {  	v12 =	vor.u32 v6, v22;
	v14 =	vor.u32 v7, v11;
	v11 =	vand.u32 $0x7F, v19;
	[tilespmem:s12+$0xFFFFFFC0] =	vst v21;
	v6 =	vld.idx.msk [tilespmem:v15+s0+$0x0], $0xffff  }
0x408: {  	s14 =	sadd.s32 $0x80, s14;
	v16 =	vor.u32 v17, v24;
	v13 =	vor.u32 v25, v13;
	v15 =	vor.u32 v23, v26;
	v7 =	vld.idx.msk [tilespmem:v18+s0+$0x0], $0xffff  }
0x409: {  	v14 =	vor.u32 v0, v14  }
0x40a: {  	v12 =	vor.u32 v0, v12  }
0x40b: {  	v16 =	vor.u32 v0, v16  }
0x40c: {  	[tilespmem:s12+$0xFFFFFFD0] =	vst v4;
	v57 =	vor.u32 v0, v15  }
0x40d: {  	v8 =	vor.u32 v8, v10;
	[tilespmem:s12+$0xFFFFFFE0] =	vst v3;
	v58 =	vor.u32 v0, v13  }
0x40e: {  	v9 =	vor.u32 v9, v11;
	[tilespmem:s11+$0xFFFFFFF0] =	vst v2;
	v8 =	vor.u32 v0, v8;
	v59 =	vld.idx.msk [tilespmem:v14+s0+$0x0], $0xffff  }
0x40f: {  	s14 =	sadd.s32 $0x400, s12;
	v60 =	vor.u32 v0, v9;
	[tilespmem:s11+$0x0] =	vst v1;
	v61 =	vld.idx.msk [tilespmem:v12+s0+$0x0], $0xffff  }
0x410: {  	[tilespmem:s14+$0x30] =	vst v5;
	v62 =	vld.idx.msk [tilespmem:v16+s0+$0x0], $0xffff  }
0x411: {  	[tilespmem:s11+$0x10] =	vst v6;
	v4 =	vld.idx.msk [tilespmem:v57+s0+$0x0], $0xffff  }
0x412: {  	[tilespmem:s11+$0x20] =	vst v7;
	v3 =	vld.idx.msk [tilespmem:v58+s0+$0x0], $0xffff  }
0x413: {  	s9 =	sadd.s32 $0x1, s9;
	v63 =	vld.idx.msk [tilespmem:v8+s0+$0x0], $0xffff;
	[tilespmem:s14+$0xFFFFFFC0] =	vst v59  }
0x414: {  	p0 =	sne.s32 s9, $0x8;
	v0 =	vld.idx.msk [tilespmem:v60+s0+$0x0], $0xffff;
	[tilespmem:s14+$0xFFFFFFD0] =	vst v61  }
.Ltmp25:
0x415: {  	[tilespmem:s14+$0xFFFFFFE0] =	vst v62;
	(pc) =	sbr.rel @p0 .LBB2_50-.Ltmp25, $4  }
0x416: {  	[tilespmem:s14+$0xFFFFFFF0] =	vst v4  }
0x417: {  	[tilespmem:s14+$0x0] =	vst v3  }
0x418: {  	[tilespmem:s14+$0x10] =	vst v63  }
0x419: {  	s10 =	sadd.s32 $0x80, s10;
	[tilespmem:s14+$0x20] =	vst v0  }
0x41a: {  	[hbm4b:s29+s1] =	stream.linear.scatter [tilespmem:s4], [sflag:$0x2], $0x1800, $0x38;
	[tilespmem:$0x18300] =	vst v63  }
0x41b: {  	s8 =	sadd.s32 $0x1, s8  }
0x41c: {  	_ =	swait.ge [sflag:s6], $0x1800;
	p0 =	sne.s32 s8, s31  }
.Ltmp26:
0x41d: {  	[sflag:s6] =	ssyncset.done $0x0;
	(pc) =	sbr.rel @p0 .LBB2_1-.Ltmp26, $4  }
0x41e: {  	[sflag:s6] =	ssyncadd.s32 $0xFFFFE800  }
0x41f: {  	_ =	swait.ge [sflag:s7], $0x6000  }
0x420: {  	[sflag:s7] =	ssyncset.done $0x0  }
0x421: {  	[sflag:s7] =	ssyncadd.s32 $0xFFFFA000  }
0x422: {  	_ =	sfence.sel $0x180000  }
0x423: {  	[bflag:$0x0] =	sbarrier.arrive $0xFFFF  }
0x424: {  	_ =	strace $0x90000047  }
0x425: {  	s0 =	stileid.u32;
	[bflag:$0x2] =	sbarrier.arrive $0xFFFF  }
0x426: {  	p0 =	sne.s32 s0, $0x0;
	s0 =	rddreg [dreg:$0x3]  }
0x427: {  	s0 =	sadd.s32 @!p0 $0x100000, s0  }
0x428: {  	[sflag:s0] =	ssyncadd.tile.s32 @!p0 $0x1;
	_ =	shalt  }
.Lfunc_end2:
_tile_overlayer_lowered:
.L_overlay_start_2:
0x429: {  	(tag) =	ssettag $0x2  }
0x42a: {  	s0 =	rddreg [dreg:$0x0];
	s2 =	stileid.u32  }
0x42b: {  	s1 =	rddreg [dreg:$0x1];
	p0 =	sne.s32 s2, $0x0  }
0x42c: {  	s3 =	rddreg [dreg:$0x2];
	[bflag:$0x3] =	sbarrier.arrive $0xFFFF;
	s2 =	simm.s32 @!p0 $0x1C04  }
0x42d: {  	[timem:s3], [sflag:s2] =	dma.local @!p0 [hbm:s0], s1  }
0x42e: {  	s0 =	simm.s32 @!p0 $0x4  }
0x42f: {  	_ =	swait.ge @!p0 [sflag:s0], s1  }
0x430: {  	s1 =	ssub.s32 @!p0 $0x0, s1;
	[sflag:s0] =	ssyncset.done @!p0 $0x0  }
0x431: {  	[sflag:s0] =	ssyncadd.s32 @!p0 s1  }
0x432: {  	[bflag:$0x3] =	sbarrier.arrive $0xFFFF  }
0x433: {  	_ =	shalt  }

</sc_bundles>
